<compile_context>
chip_gen: v7x
topology: tpu7x:2x2x1
jax: 0.10.2.dev20260603
libtpu: 0.0.44.dev20260713+nightly
codegen_flags: <defaults>
</compile_context>

<pallas_src>
import functools

import jax
import jax.numpy as jnp
from jax import lax
from jax.experimental import pallas as pl
from jax.experimental.pallas import tpu as pltpu
from jax.experimental.pallas import tpu_sc as plsc

N = 10000
E = 160000
D = 256
HALF = 128
OUT = 128

NUM_TILES = 16
EDGES_PER_TILE = E // NUM_TILES
KB = 80
NB = EDGES_PER_TILE // KB
ROWS_PER_TILE = 624
TAIL0 = ROWS_PER_TILE * NUM_TILES
TAILN = N - TAIL0


def _sc_segment_sum(count: bool):
    mesh = plsc.VectorSubcoreMesh(core_axis_name="c", subcore_axis_name="s")
    out_type = [
        jax.ShapeDtypeStruct((N, HALF), jnp.float32),
        jax.ShapeDtypeStruct((N, HALF), jnp.float32),
    ]
    if count:
        out_type.append(jax.ShapeDtypeStruct((N,), jnp.float32))

    scratch = [
        pltpu.VMEM_SHARED((N, HALF), jnp.float32),
        pltpu.VMEM((EDGES_PER_TILE,), jnp.int32),
        pltpu.VMEM((EDGES_PER_TILE,), jnp.int32),
        pltpu.VMEM((KB, HALF), jnp.float32),
        pltpu.VMEM((KB, HALF), jnp.float32),
        pltpu.SemaphoreType.DMA,
        pltpu.SemaphoreType.DMA,
    ]
    if count:
        scratch.insert(1, pltpu.VMEM_SHARED((N,), jnp.float32))
        scratch.append(pltpu.VMEM((KB,), jnp.float32))
        scratch.append(pltpu.VMEM((ROWS_PER_TILE,), jnp.float32))

    @functools.partial(
        pl.kernel, mesh=mesh, out_type=tuple(out_type),
        scratch_types=scratch,
    )
    def k(*refs):
        if count:
            (tabL, tabR, srcr, dstr, ones_hbm, zrow, zcnt,
             sumL, sumR, cnt_out,
             acc, cacc, src_all, dst_all, rows0, rows1, gsem0, gsem1,
             ones_v, cb) = refs
        else:
            (tabL, tabR, srcr, dstr, zrow,
             sumL, sumR,
             acc, src_all, dst_all, rows0, rows1, gsem0, gsem1) = refs

        c = lax.axis_index("c")
        s = lax.axis_index("s")
        row0 = s * ROWS_PER_TILE
        last = s == NUM_TILES - 1

        def stripe(src, dst):
            pltpu.sync_copy(src.at[pl.ds(row0, ROWS_PER_TILE)],
                            dst.at[pl.ds(row0, ROWS_PER_TILE)])

            @pl.when(last)
            def _():
                pltpu.sync_copy(src.at[pl.ds(TAIL0, TAILN)],
                                dst.at[pl.ds(TAIL0, TAILN)])

        def zero_stripe(zsrc, dst):
            pltpu.sync_copy(zsrc, dst.at[pl.ds(row0, ROWS_PER_TILE)])

            @pl.when(last)
            def _():
                pltpu.sync_copy(zsrc.at[pl.ds(0, TAILN)],
                                dst.at[pl.ds(TAIL0, TAILN)])

        zero_stripe(zrow, acc)

        def run(table, out, with_count):
            if with_count:
                pltpu.sync_copy(zcnt, cb)
                pltpu.sync_copy(cb, cacc.at[pl.ds(row0, ROWS_PER_TILE)])

                @pl.when(last)
                def _():
                    pltpu.sync_copy(cb.at[pl.ds(0, TAILN)],
                                    cacc.at[pl.ds(TAIL0, TAILN)])

                pltpu.sync_copy(ones_hbm, ones_v)
            base = s * EDGES_PER_TILE
            pltpu.sync_copy(srcr.at[pl.ds(base, EDGES_PER_TILE)], src_all)
            pltpu.sync_copy(dstr.at[pl.ds(base, EDGES_PER_TILE)], dst_all)
            plsc.subcore_barrier()

            def gather(o, rows, sem):
                return pltpu.async_copy(
                    table.at[src_all.at[pl.ds(o, KB)]], rows, sem)

            def drain(o, rows, gdesc):
                gdesc.wait()
                pltpu.sync_copy(rows, acc.at[dst_all.at[pl.ds(o, KB)]],
                                add=True)
                if with_count:
                    pltpu.sync_copy(ones_v,
                                    cacc.at[dst_all.at[pl.ds(o, KB)]],
                                    add=True)

            def body(jj, carry):
                o0 = jj * (2 * KB)
                o1 = o0 + KB
                g0 = gather(o0, rows0, gsem0)
                g1 = gather(o1, rows1, gsem1)
                drain(o0, rows0, g0)
                drain(o1, rows1, g1)
                return carry

            lax.fori_loop(0, NB // 2, body, 0)
            if NB % 2:
                o = (NB - 1) * KB
                drain(o, rows0, gather(o, rows0, gsem0))
            plsc.subcore_barrier()
            stripe(acc, out)
            if with_count:
                pltpu.sync_copy(cacc.at[pl.ds(row0, ROWS_PER_TILE)], cb)
                pltpu.sync_copy(cb, cnt_out.at[pl.ds(row0, ROWS_PER_TILE)])

                @pl.when(last)
                def _():
                    pltpu.sync_copy(cacc.at[pl.ds(TAIL0, TAILN)],
                                    cb.at[pl.ds(0, TAILN)])
                    pltpu.sync_copy(cb.at[pl.ds(0, TAILN)],
                                    cnt_out.at[pl.ds(TAIL0, TAILN)])

        @pl.when(c == 0)
        def _():
            run(tabL, sumL, count)

        @pl.when(c == 1)
        def _():
            run(tabR, sumR, False)

    return k


_sc_seg_count = _sc_segment_sum(True)
_sc_seg = _sc_segment_sum(False)

R = 1000


def _tc_layer_body(sL, sR, hL, hR, cnt, Wl, Wr, b, oL, oR):
    inv = 1.0 / jnp.maximum(cnt[:, 0:1], 1.0)
    acc = (jnp.dot(sL[...] * inv, Wl[0], precision="highest")
           + jnp.dot(sR[...] * inv, Wl[1], precision="highest")
           + jnp.dot(hL[...], Wr[0], precision="highest")
           + jnp.dot(hR[...], Wr[1], precision="highest")
           + b[...])
    acc = jnp.maximum(acc, 0.0)
    oL[...] = acc[:, :HALF]
    oR[...] = acc[:, HALF:]


def _tc_layer(sL, sR, hL, hR, cnt, Wl, Wr, b):
    grid = (N // R,)
    row_spec = pl.BlockSpec((R, HALF), lambda i: (i, 0))
    return pl.pallas_call(
        _tc_layer_body,
        grid=grid,
        in_specs=[
            row_spec, row_spec, row_spec, row_spec,
            pl.BlockSpec((R, 1), lambda i: (i, 0)),
            pl.BlockSpec((2, HALF, D), lambda i: (0, 0, 0)),
            pl.BlockSpec((2, HALF, D), lambda i: (0, 0, 0)),
            pl.BlockSpec((1, D), lambda i: (0, 0)),
        ],
        out_specs=[row_spec, row_spec],
        out_shape=[
            jax.ShapeDtypeStruct((N, HALF), jnp.float32),
            jax.ShapeDtypeStruct((N, HALF), jnp.float32),
        ],
    )(sL, sR, hL, hR, cnt, Wl, Wr, b)


def _tc_final_body(sL, sR, hL, hR, cnt, Wl, Wr, b, Wlin, blin, out,
                   m_scr):
    i = pl.program_id(0)
    inv = 1.0 / jnp.maximum(cnt[:, 0:1], 1.0)
    acc = (jnp.dot(sL[...] * inv, Wl[0], precision="highest")
           + jnp.dot(sR[...] * inv, Wl[1], precision="highest")
           + jnp.dot(hL[...], Wr[0], precision="highest")
           + jnp.dot(hR[...], Wr[1], precision="highest")
           + b[...])
    bmax = jnp.max(acc.reshape(R // 8, 8, D), axis=0)

    @pl.when(i == 0)
    def _():
        m_scr[...] = bmax

    @pl.when(i > 0)
    def _():
        m_scr[...] = jnp.maximum(m_scr[...], bmax)

    @pl.when(i == pl.num_programs(0) - 1)
    def _():
        pooled = jnp.max(m_scr[...], axis=0, keepdims=True)
        p8 = jnp.broadcast_to(pooled, (8, D))
        res = jnp.dot(p8, Wlin[...], precision="highest") + blin[...]
        out[...] = res[0:1]


def _tc_final(sL, sR, hL, hR, cnt, Wl, Wr, b, Wlin, blin):
    grid = (N // R,)
    row_spec = pl.BlockSpec((R, HALF), lambda i: (i, 0))
    return pl.pallas_call(
        _tc_final_body,
        grid=grid,
        in_specs=[
            row_spec, row_spec, row_spec, row_spec,
            pl.BlockSpec((R, 1), lambda i: (i, 0)),
            pl.BlockSpec((2, HALF, D), lambda i: (0, 0, 0)),
            pl.BlockSpec((2, HALF, D), lambda i: (0, 0, 0)),
            pl.BlockSpec((1, D), lambda i: (0, 0)),
            pl.BlockSpec((D, OUT), lambda i: (0, 0)),
            pl.BlockSpec((1, OUT), lambda i: (0, 0)),
        ],
        out_specs=pl.BlockSpec((1, OUT), lambda i: (0, 0)),
        out_shape=jax.ShapeDtypeStruct((1, OUT), jnp.float32),
        scratch_shapes=[pltpu.VMEM((8, D), jnp.float32)],
    )(sL, sR, hL, hR, cnt, Wl, Wr, b, Wlin, blin)


def kernel(x, edge_index, W1l, b1l, W1r, W2l, b2l, W2r, W3l, b3l, W3r,
           Wlin, blin):
    xL = x[:, :HALF]
    xR = x[:, HALF:]
    srcr = edge_index[0]
    dstr = edge_index[1]

    def wsplit(W):
        return W.reshape(2, HALF, W.shape[1])

    ones_hbm = jnp.ones((KB,), jnp.float32)
    zrow = jnp.zeros((ROWS_PER_TILE, HALF), jnp.float32)
    zcnt = jnp.zeros((ROWS_PER_TILE,), jnp.float32)

    s1L, s1R, cnt = _sc_seg_count(xL, xR, srcr, dstr, ones_hbm, zrow, zcnt)
    cnt = cnt.reshape(N, 1)
    h1L, h1R = _tc_layer(s1L, s1R, xL, xR, cnt,
                         wsplit(W1l), wsplit(W1r), b1l.reshape(1, D))
    s2L, s2R = _sc_seg(h1L, h1R, srcr, dstr, zrow)
    h2L, h2R = _tc_layer(s2L, s2R, h1L, h1R, cnt,
                         wsplit(W2l), wsplit(W2r), b2l.reshape(1, D))
    s3L, s3R = _sc_seg(h2L, h2R, srcr, dstr, zrow)
    return _tc_final(s3L, s3R, h2L, h2R, cnt,
                     wsplit(W3l), wsplit(W3r), b3l.reshape(1, D),
                     Wlin, blin.reshape(1, OUT))

# --- scband reference (transcript-rebuilt; emitter-appended) ---
"""Pipeline reference for scband-gcn-32985348833729 (READ-ONLY COPY).

The authoritative reference and input builder live on the scoring server;
editing this copy changes nothing except your own understanding.
"""

import jax, jax.numpy as jnp
import numpy as np

N = 10000
E = 160000
D = 256
H = 256
OUT = 128


def setup_inputs(seed: int = 0) -> dict:
    key = jax.random.key(seed)
    ks = jax.random.split(key, 14)
    x = jax.random.normal(ks[0], (N, D), dtype=jnp.float32)
    edge_index = jax.random.randint(ks[1], (2, E), 0, N, dtype=jnp.int32)
    s_d = 1.0 / np.sqrt(D)
    s_h = 1.0 / np.sqrt(H)
    W1l = jax.random.normal(ks[2], (D, H), dtype=jnp.float32) * s_d
    b1l = jnp.zeros((H,), dtype=jnp.float32)
    W1r = jax.random.normal(ks[3], (D, H), dtype=jnp.float32) * s_d
    W2l = jax.random.normal(ks[4], (H, H), dtype=jnp.float32) * s_h
    b2l = jnp.zeros((H,), dtype=jnp.float32)
    W2r = jax.random.normal(ks[5], (H, H), dtype=jnp.float32) * s_h
    W3l = jax.random.normal(ks[6], (H, H), dtype=jnp.float32) * s_h
    b3l = jnp.zeros((H,), dtype=jnp.float32)
    W3r = jax.random.normal(ks[7], (H, H), dtype=jnp.float32) * s_h
    Wlin = jax.random.normal(ks[8], (H, OUT), dtype=jnp.float32) * s_h
    blin = jnp.zeros((OUT,), dtype=jnp.float32)
    return {"x": x, "edge_index": edge_index,
            "W1l": W1l, "b1l": b1l, "W1r": W1r,
            "W2l": W2l, "b2l": b2l, "W2r": W2r,
            "W3l": W3l, "b3l": b3l, "W3r": W3r,
            "Wlin": Wlin, "blin": blin}


def _sage_conv(x, src, dst, Wl, bl, Wr):
    # PyG SAGEConv with mean aggregation: lin_l(mean_{j in N(i)} x_j) + lin_r(x_i)
    msgs = x[src]
    sums = jax.ops.segment_sum(msgs, dst, num_segments=N)
    cnt = jax.ops.segment_sum(jnp.ones((src.shape[0], 1), x.dtype), dst, num_segments=N)
    mean = sums / jnp.maximum(cnt, 1.0)
    return mean @ Wl + bl + x @ Wr


def reference(x, edge_index, W1l, b1l, W1r, W2l, b2l, W2r, W3l, b3l, W3r, Wlin, blin):
    src = edge_index[0]
    dst = edge_index[1]
    h = _sage_conv(x, src, dst, W1l, b1l, W1r)
    h = jax.nn.relu(h)
    h = _sage_conv(h, src, dst, W2l, b2l, W2r)
    h = jax.nn.relu(h)
    h = _sage_conv(h, src, dst, W3l, b3l, W3r)
    # batch is None -> all nodes belong to graph 0 -> global_max_pool over all nodes
    pooled = jnp.max(h, axis=0, keepdims=True)
    # dropout p=0.2 is identity in eval mode
    out = pooled @ Wlin + blin
    return out

if __name__ == "__main__":
    import jax
    _d = setup_inputs()
    print(jax.jit(kernel)(*tuple(_d.values())))

</pallas_src>

<mosaic_0001>
#map = affine_map<(d0, d1) -> (0, 0)>
#map1 = affine_map<(d0, d1) -> (0)>
module attributes {stable_mosaic.version = 14 : i64} {
  func.func @k(%arg0: i32, %arg1: i32, %arg2: memref<10000x128xf32, #tpu.memory_space<hbm>>, %arg3: memref<10000x128xf32, #tpu.memory_space<hbm>>, %arg4: memref<160000xi32, #tpu.memory_space<hbm>>, %arg5: memref<160000xi32, #tpu.memory_space<hbm>>, %arg6: memref<80xf32, #tpu.memory_space<hbm>>, %arg7: memref<624x128xf32, #tpu.memory_space<hbm>>, %arg8: memref<624xf32, #tpu.memory_space<hbm>>, %arg9: memref<10000x128xf32, #tpu.memory_space<hbm>>, %arg10: memref<10000x128xf32, #tpu.memory_space<hbm>>, %arg11: memref<10000xf32, #tpu.memory_space<hbm>>, %arg12: memref<10000x128xf32, #tpu.memory_space<vmem_shared>>, %arg13: memref<10000xf32, #tpu.memory_space<vmem_shared>>, %arg14: memref<10000xi32, #tpu.memory_space<vmem>>, %arg15: memref<10000xi32, #tpu.memory_space<vmem>>, %arg16: memref<80x128xf32, #tpu.memory_space<vmem>>, %arg17: memref<80x128xf32, #tpu.memory_space<vmem>>, %arg18: memref<!tpu.dma_semaphore, #tpu.memory_space<semaphore_mem>>, %arg19: memref<!tpu.dma_semaphore, #tpu.memory_space<semaphore_mem>>, %arg20: memref<80xf32, #tpu.memory_space<vmem>>, %arg21: memref<624xf32, #tpu.memory_space<vmem>>) attributes {dimension_semantics = [#tpu.dimension_semantics<core_parallel>, #tpu.dimension_semantics<subcore_parallel>], iteration_bounds = array<i64: 2, 16>, scalar_prefetch = 0 : i64, scratch_operands = 10 : i64, tpu.core_type = #tpu.core_type<sc_vector_subcore>, window_params = [{transform_indices = #map}, {transform_indices = #map}, {transform_indices = #map1}, {transform_indices = #map1}, {transform_indices = #map1}, {transform_indices = #map}, {transform_indices = #map1}, {transform_indices = #map}, {transform_indices = #map}, {transform_indices = #map1}]} {
    %mul3A = arith.constant 624 : i32
    %mul3A_0 = arith.muli %arg1, %mul3A : i32
    %eq3A = arith.constant 15 : i32
    %eq3A_1 = arith.cmpi eq, %arg1, %eq3A : i32
    "tpu.region"() ({
      %run_scoped3A = tpu.sem_alloc : memref<!tpu.dma_semaphore, #tpu.memory_space<semaphore_mem>>
      %dma_start3A = arith.constant 0 : i32
      %dma_start3A_13 = tpu.memref_slice %arg12[%mul3A_0, %dma_start3A] : memref<10000x128xf32, #tpu.memory_space<vmem_shared>> -> memref<624x128xf32, #tpu.memory_space<vmem_shared>>
      tpu.enqueue_dma source(%arg7 : memref<624x128xf32, #tpu.memory_space<hbm>>) target(%dma_start3A_13 : memref<624x128xf32, #tpu.memory_space<vmem_shared>>) target_semaphore(%run_scoped3A : memref<!tpu.dma_semaphore, #tpu.memory_space<semaphore_mem>>)
      %dma_wait3A = arith.constant 0 : i32
      %dma_wait3A_14 = tpu.memref_slice %arg12[%mul3A_0, %dma_wait3A] : memref<10000x128xf32, #tpu.memory_space<vmem_shared>> -> memref<624x128xf32, #tpu.memory_space<vmem_shared>>
      tpu.wait_dma2 semaphore(%run_scoped3A : memref<!tpu.dma_semaphore, #tpu.memory_space<semaphore_mem>>) src(%arg7 : memref<624x128xf32, #tpu.memory_space<hbm>>) dst(%dma_wait3A_14 : memref<624x128xf32, #tpu.memory_space<vmem_shared>>)
      tpu.yield
    }) : () -> ()
    %convert_element_type3A = arith.extui %eq3A_1 : i1 to i32
    %cond3A = arith.constant 0 : i32
    %cond3A_2 = arith.cmpi ne, %convert_element_type3A, %cond3A : i32
    scf.if %cond3A_2 {
      "tpu.region"() ({
        %run_scoped3A = tpu.sem_alloc : memref<!tpu.dma_semaphore, #tpu.memory_space<semaphore_mem>>
        %dma_start3A = arith.constant 9984 : i32
        %dma_start3A_13 = arith.constant 0 : i32
        %dma_start3A_14 = tpu.memref_slice %arg12[%dma_start3A, %dma_start3A_13] : memref<10000x128xf32, #tpu.memory_space<vmem_shared>> -> memref<16x128xf32, #tpu.memory_space<vmem_shared>>
        %dma_start3A_15 = arith.constant 0 : i32
        %dma_start3A_16 = arith.constant 0 : i32
        %dma_start3A_17 = tpu.memref_slice %arg7[%dma_start3A_15, %dma_start3A_16] : memref<624x128xf32, #tpu.memory_space<hbm>> -> memref<16x128xf32, #tpu.memory_space<hbm>>
        tpu.enqueue_dma source(%dma_start3A_17 : memref<16x128xf32, #tpu.memory_space<hbm>>) target(%dma_start3A_14 : memref<16x128xf32, #tpu.memory_space<vmem_shared>>) target_semaphore(%run_scoped3A : memref<!tpu.dma_semaphore, #tpu.memory_space<semaphore_mem>>)
        %dma_wait3A = arith.constant 9984 : i32
        %dma_wait3A_18 = arith.constant 0 : i32
        %dma_wait3A_19 = tpu.memref_slice %arg12[%dma_wait3A, %dma_wait3A_18] : memref<10000x128xf32, #tpu.memory_space<vmem_shared>> -> memref<16x128xf32, #tpu.memory_space<vmem_shared>>
        %dma_wait3A_20 = arith.constant 0 : i32
        %dma_wait3A_21 = arith.constant 0 : i32
        %dma_wait3A_22 = tpu.memref_slice %arg7[%dma_wait3A_20, %dma_wait3A_21] : memref<624x128xf32, #tpu.memory_space<hbm>> -> memref<16x128xf32, #tpu.memory_space<hbm>>
        tpu.wait_dma2 semaphore(%run_scoped3A : memref<!tpu.dma_semaphore, #tpu.memory_space<semaphore_mem>>) src(%dma_wait3A_22 : memref<16x128xf32, #tpu.memory_space<hbm>>) dst(%dma_wait3A_19 : memref<16x128xf32, #tpu.memory_space<vmem_shared>>)
        tpu.yield
      }) : () -> ()
    } else {
    }
    %eq3A_3 = arith.constant 0 : i32
    %eq3A_4 = arith.cmpi eq, %arg0, %eq3A_3 : i32
    %convert_element_type3A_5 = arith.extui %eq3A_4 : i1 to i32
    %cond3A_6 = arith.constant 0 : i32
    %cond3A_7 = arith.cmpi ne, %convert_element_type3A_5, %cond3A_6 : i32
    scf.if %cond3A_7 {
      "tpu.region"() ({
        %run_scoped3A = tpu.sem_alloc : memref<!tpu.dma_semaphore, #tpu.memory_space<semaphore_mem>>
        tpu.enqueue_dma source(%arg8 : memref<624xf32, #tpu.memory_space<hbm>>) target(%arg21 : memref<624xf32, #tpu.memory_space<vmem>>) target_semaphore(%run_scoped3A : memref<!tpu.dma_semaphore, #tpu.memory_space<semaphore_mem>>)
        tpu.wait_dma2 semaphore(%run_scoped3A : memref<!tpu.dma_semaphore, #tpu.memory_space<semaphore_mem>>) src(%arg8 : memref<624xf32, #tpu.memory_space<hbm>>) dst(%arg21 : memref<624xf32, #tpu.memory_space<vmem>>)
        tpu.yield
      }) : () -> ()
      "tpu.region"() ({
        %run_scoped3A = tpu.sem_alloc : memref<!tpu.dma_semaphore, #tpu.memory_space<semaphore_mem>>
        %dma_start3A_38 = tpu.memref_slice %arg13[%mul3A_0] : memref<10000xf32, #tpu.memory_space<vmem_shared>> -> memref<624xf32, #tpu.memory_space<vmem_shared>>
        %dma_start3A_39 = tpu.memref_slice %arg13[%mul3A_0] : memref<10000xf32, #tpu.memory_space<vmem_shared>> -> memref<624xf32, #tpu.memory_space<vmem_shared>>
        tpu.enqueue_dma source(%arg21 : memref<624xf32, #tpu.memory_space<vmem>>) target(%dma_start3A_39 : memref<624xf32, #tpu.memory_space<vmem_shared>>) target_semaphore(%run_scoped3A : memref<!tpu.dma_semaphore, #tpu.memory_space<semaphore_mem>>)
        %dma_wait3A_40 = tpu.memref_slice %arg13[%mul3A_0] : memref<10000xf32, #tpu.memory_space<vmem_shared>> -> memref<624xf32, #tpu.memory_space<vmem_shared>>
        %dma_wait3A_41 = tpu.memref_slice %arg13[%mul3A_0] : memref<10000xf32, #tpu.memory_space<vmem_shared>> -> memref<624xf32, #tpu.memory_space<vmem_shared>>
        tpu.wait_dma2 semaphore(%run_scoped3A : memref<!tpu.dma_semaphore, #tpu.memory_space<semaphore_mem>>) src(%arg21 : memref<624xf32, #tpu.memory_space<vmem>>) dst(%dma_wait3A_41 : memref<624xf32, #tpu.memory_space<vmem_shared>>)
        tpu.yield
      }) : () -> ()
      %convert_element_type3A_13 = arith.extui %eq3A_1 : i1 to i32
      %cond3A_14 = arith.constant 0 : i32
      %cond3A_15 = arith.cmpi ne, %convert_element_type3A_13, %cond3A_14 : i32
      scf.if %cond3A_15 {
        "tpu.region"() ({
          %run_scoped3A = tpu.sem_alloc : memref<!tpu.dma_semaphore, #tpu.memory_space<semaphore_mem>>
          %dma_start3A_38 = arith.constant 0 : i32
          %dma_start3A_39 = tpu.memref_slice %arg21[%dma_start3A_38] : memref<624xf32, #tpu.memory_space<vmem>> -> memref<16xf32, #tpu.memory_space<vmem>>
          %dma_start3A_40 = arith.constant 9984 : i32
          %dma_start3A_41 = tpu.memref_slice %arg13[%dma_start3A_40] : memref<10000xf32, #tpu.memory_space<vmem_shared>> -> memref<16xf32, #tpu.memory_space<vmem_shared>>
          %dma_start3A_42 = arith.constant 9984 : i32
          %dma_start3A_43 = tpu.memref_slice %arg13[%dma_start3A_42] : memref<10000xf32, #tpu.memory_space<vmem_shared>> -> memref<16xf32, #tpu.memory_space<vmem_shared>>
          %dma_start3A_44 = arith.constant 0 : i32
          %dma_start3A_45 = tpu.memref_slice %arg21[%dma_start3A_44] : memref<624xf32, #tpu.memory_space<vmem>> -> memref<16xf32, #tpu.memory_space<vmem>>
          tpu.enqueue_dma source(%dma_start3A_45 : memref<16xf32, #tpu.memory_space<vmem>>) target(%dma_start3A_43 : memref<16xf32, #tpu.memory_space<vmem_shared>>) target_semaphore(%run_scoped3A : memref<!tpu.dma_semaphore, #tpu.memory_space<semaphore_mem>>)
          %dma_wait3A_46 = arith.constant 0 : i32
          %dma_wait3A_47 = tpu.memref_slice %arg21[%dma_wait3A_46] : memref<624xf32, #tpu.memory_space<vmem>> -> memref<16xf32, #tpu.memory_space<vmem>>
          %dma_wait3A_48 = arith.constant 9984 : i32
          %dma_wait3A_49 = tpu.memref_slice %arg13[%dma_wait3A_48] : memref<10000xf32, #tpu.memory_space<vmem_shared>> -> memref<16xf32, #tpu.memory_space<vmem_shared>>
          %dma_wait3A_50 = arith.constant 9984 : i32
          %dma_wait3A_51 = tpu.memref_slice %arg13[%dma_wait3A_50] : memref<10000xf32, #tpu.memory_space<vmem_shared>> -> memref<16xf32, #tpu.memory_space<vmem_shared>>
          %dma_wait3A_52 = arith.constant 0 : i32
          %dma_wait3A_53 = tpu.memref_slice %arg21[%dma_wait3A_52] : memref<624xf32, #tpu.memory_space<vmem>> -> memref<16xf32, #tpu.memory_space<vmem>>
          tpu.wait_dma2 semaphore(%run_scoped3A : memref<!tpu.dma_semaphore, #tpu.memory_space<semaphore_mem>>) src(%dma_wait3A_53 : memref<16xf32, #tpu.memory_space<vmem>>) dst(%dma_wait3A_51 : memref<16xf32, #tpu.memory_space<vmem_shared>>)
          tpu.yield
        }) : () -> ()
      } else {
      }
      "tpu.region"() ({
        %run_scoped3A = tpu.sem_alloc : memref<!tpu.dma_semaphore, #tpu.memory_space<semaphore_mem>>
        tpu.enqueue_dma source(%arg6 : memref<80xf32, #tpu.memory_space<hbm>>) target(%arg20 : memref<80xf32, #tpu.memory_space<vmem>>) target_semaphore(%run_scoped3A : memref<!tpu.dma_semaphore, #tpu.memory_space<semaphore_mem>>)
        tpu.wait_dma2 semaphore(%run_scoped3A : memref<!tpu.dma_semaphore, #tpu.memory_space<semaphore_mem>>) src(%arg6 : memref<80xf32, #tpu.memory_space<hbm>>) dst(%arg20 : memref<80xf32, #tpu.memory_space<vmem>>)
        tpu.yield
      }) : () -> ()
      %mul3A_16 = arith.constant 10000 : i32
      %mul3A_17 = arith.muli %arg1, %mul3A_16 : i32
      "tpu.region"() ({
        %run_scoped3A = tpu.sem_alloc : memref<!tpu.dma_semaphore, #tpu.memory_space<semaphore_mem>>
        %dma_start3A_38 = tpu.memref_slice %arg4[%mul3A_17] : memref<160000xi32, #tpu.memory_space<hbm>> -> memref<10000xi32, #tpu.memory_space<hbm>>
        %dma_start3A_39 = tpu.memref_slice %arg4[%mul3A_17] : memref<160000xi32, #tpu.memory_space<hbm>> -> memref<10000xi32, #tpu.memory_space<hbm>>
        tpu.enqueue_dma source(%dma_start3A_39 : memref<10000xi32, #tpu.memory_space<hbm>>) target(%arg14 : memref<10000xi32, #tpu.memory_space<vmem>>) target_semaphore(%run_scoped3A : memref<!tpu.dma_semaphore, #tpu.memory_space<semaphore_mem>>)
        %dma_wait3A_40 = tpu.memref_slice %arg4[%mul3A_17] : memref<160000xi32, #tpu.memory_space<hbm>> -> memref<10000xi32, #tpu.memory_space<hbm>>
        %dma_wait3A_41 = tpu.memref_slice %arg4[%mul3A_17] : memref<160000xi32, #tpu.memory_space<hbm>> -> memref<10000xi32, #tpu.memory_space<hbm>>
        tpu.wait_dma2 semaphore(%run_scoped3A : memref<!tpu.dma_semaphore, #tpu.memory_space<semaphore_mem>>) src(%dma_wait3A_41 : memref<10000xi32, #tpu.memory_space<hbm>>) dst(%arg14 : memref<10000xi32, #tpu.memory_space<vmem>>)
        tpu.yield
      }) : () -> ()
      "tpu.region"() ({
        %run_scoped3A = tpu.sem_alloc : memref<!tpu.dma_semaphore, #tpu.memory_space<semaphore_mem>>
        %dma_start3A_38 = tpu.memref_slice %arg5[%mul3A_17] : memref<160000xi32, #tpu.memory_space<hbm>> -> memref<10000xi32, #tpu.memory_space<hbm>>
        %dma_start3A_39 = tpu.memref_slice %arg5[%mul3A_17] : memref<160000xi32, #tpu.memory_space<hbm>> -> memref<10000xi32, #tpu.memory_space<hbm>>
        tpu.enqueue_dma source(%dma_start3A_39 : memref<10000xi32, #tpu.memory_space<hbm>>) target(%arg15 : memref<10000xi32, #tpu.memory_space<vmem>>) target_semaphore(%run_scoped3A : memref<!tpu.dma_semaphore, #tpu.memory_space<semaphore_mem>>)
        %dma_wait3A_40 = tpu.memref_slice %arg5[%mul3A_17] : memref<160000xi32, #tpu.memory_space<hbm>> -> memref<10000xi32, #tpu.memory_space<hbm>>
        %dma_wait3A_41 = tpu.memref_slice %arg5[%mul3A_17] : memref<160000xi32, #tpu.memory_space<hbm>> -> memref<10000xi32, #tpu.memory_space<hbm>>
        tpu.wait_dma2 semaphore(%run_scoped3A : memref<!tpu.dma_semaphore, #tpu.memory_space<semaphore_mem>>) src(%dma_wait3A_41 : memref<10000xi32, #tpu.memory_space<hbm>>) dst(%arg15 : memref<10000xi32, #tpu.memory_space<vmem>>)
        tpu.yield
      }) : () -> ()
      %barrier3A = arith.constant 0 : index
      tpu.barrier barrier_id(%barrier3A)
      %scan3A = arith.constant 0 : i32
      %scan3A_18 = arith.constant 0 : i32
      %scan3A_19 = arith.constant 62 : i32
      %scan3A_20 = arith.addi %scan3A_18, %scan3A_19 : i32
      %scan3A_21 = arith.constant 1 : i32
      scf.for %scan3A_38 = %scan3A_18 to %scan3A_20 step %scan3A_21  : i32 {
        %mul3A_39 = arith.constant 160 : i32
        %mul3A_40 = arith.muli %scan3A_38, %mul3A_39 : i32
        %add3A = arith.constant 80 : i32
        %add3A_41 = arith.addi %mul3A_40, %add3A : i32
        %dma_start3A_42 = tpu.memref_slice %arg14[%mul3A_40] : memref<10000xi32, #tpu.memory_space<vmem>> -> memref<80xi32, #tpu.memory_space<vmem>>
        %dma_start3A_43 = arith.constant 0 : i32
        %dma_start3A_44 = arith.constant 0 : i32
        %dma_start3A_45 = tpu.memref_slice %arg2[%dma_start3A_43, %dma_start3A_44] : memref<10000x128xf32, #tpu.memory_space<hbm>> -> memref<10000x128xf32, #tpu.memory_space<hbm>>
        tpu.enqueue_indirect_dma source(%dma_start3A_45 : memref<10000x128xf32, #tpu.memory_space<hbm>>) target(%arg16 : memref<80x128xf32, #tpu.memory_space<vmem>>) offsets(%dma_start3A_42 : memref<80xi32, #tpu.memory_space<vmem>>) semaphore(%arg18 : memref<!tpu.dma_semaphore, #tpu.memory_space<semaphore_mem>>)
        %dma_start3A_46 = tpu.memref_slice %arg14[%add3A_41] : memref<10000xi32, #tpu.memory_space<vmem>> -> memref<80xi32, #tpu.memory_space<vmem>>
        %dma_start3A_47 = arith.constant 0 : i32
        %dma_start3A_48 = arith.constant 0 : i32
        %dma_start3A_49 = tpu.memref_slice %arg2[%dma_start3A_47, %dma_start3A_48] : memref<10000x128xf32, #tpu.memory_space<hbm>> -> memref<10000x128xf32, #tpu.memory_space<hbm>>
        tpu.enqueue_indirect_dma source(%dma_start3A_49 : memref<10000x128xf32, #tpu.memory_space<hbm>>) target(%arg17 : memref<80x128xf32, #tpu.memory_space<vmem>>) offsets(%dma_start3A_46 : memref<80xi32, #tpu.memory_space<vmem>>) semaphore(%arg19 : memref<!tpu.dma_semaphore, #tpu.memory_space<semaphore_mem>>)
        %dma_wait3A_50 = tpu.memref_slice %arg14[%mul3A_40] : memref<10000xi32, #tpu.memory_space<vmem>> -> memref<80xi32, #tpu.memory_space<vmem>>
        %dma_wait3A_51 = arith.constant 0 : i32
        %dma_wait3A_52 = arith.constant 0 : i32
        %dma_wait3A_53 = tpu.memref_slice %arg2[%dma_wait3A_51, %dma_wait3A_52] : memref<10000x128xf32, #tpu.memory_space<hbm>> -> memref<10000x128xf32, #tpu.memory_space<hbm>>
        tpu.wait_indirect_dma semaphore(%arg18 : memref<!tpu.dma_semaphore, #tpu.memory_space<semaphore_mem>>) src(%dma_wait3A_53 : memref<10000x128xf32, #tpu.memory_space<hbm>>) dst(%arg16 : memref<80x128xf32, #tpu.memory_space<vmem>>)
        "tpu.region"() ({
          %run_scoped3A = tpu.sem_alloc : memref<!tpu.dma_semaphore, #tpu.memory_space<semaphore_mem>>
          %dma_start3A_58 = tpu.memref_slice %arg15[%mul3A_40] : memref<10000xi32, #tpu.memory_space<vmem>> -> memref<80xi32, #tpu.memory_space<vmem>>
          %dma_start3A_59 = arith.constant 0 : i32
          %dma_start3A_60 = arith.constant 0 : i32
          %dma_start3A_61 = tpu.memref_slice %arg12[%dma_start3A_59, %dma_start3A_60] : memref<10000x128xf32, #tpu.memory_space<vmem_shared>> -> memref<10000x128xf32, #tpu.memory_space<vmem_shared>>
          tpu.enqueue_indirect_dma source(%arg16 : memref<80x128xf32, #tpu.memory_space<vmem>>) target(%dma_start3A_61 : memref<10000x128xf32, #tpu.memory_space<vmem_shared>>) offsets(%dma_start3A_58 : memref<80xi32, #tpu.memory_space<vmem>>) semaphore(%run_scoped3A : memref<!tpu.dma_semaphore, #tpu.memory_space<semaphore_mem>>) {add = true}
          %dma_wait3A_62 = tpu.memref_slice %arg15[%mul3A_40] : memref<10000xi32, #tpu.memory_space<vmem>> -> memref<80xi32, #tpu.memory_space<vmem>>
          %dma_wait3A_63 = arith.constant 0 : i32
          %dma_wait3A_64 = arith.constant 0 : i32
          %dma_wait3A_65 = tpu.memref_slice %arg12[%dma_wait3A_63, %dma_wait3A_64] : memref<10000x128xf32, #tpu.memory_space<vmem_shared>> -> memref<10000x128xf32, #tpu.memory_space<vmem_shared>>
          tpu.wait_indirect_dma semaphore(%run_scoped3A : memref<!tpu.dma_semaphore, #tpu.memory_space<semaphore_mem>>) src(%arg16 : memref<80x128xf32, #tpu.memory_space<vmem>>) dst(%dma_wait3A_65 : memref<10000x128xf32, #tpu.memory_space<vmem_shared>>)
          tpu.yield
        }) : () -> ()
        "tpu.region"() ({
          %run_scoped3A = tpu.sem_alloc : memref<!tpu.dma_semaphore, #tpu.memory_space<semaphore_mem>>
          %dma_start3A_58 = tpu.memref_slice %arg15[%mul3A_40] : memref<10000xi32, #tpu.memory_space<vmem>> -> memref<80xi32, #tpu.memory_space<vmem>>
          %dma_start3A_59 = arith.constant 0 : i32
          %dma_start3A_60 = tpu.memref_slice %arg13[%dma_start3A_59] : memref<10000xf32, #tpu.memory_space<vmem_shared>> -> memref<10000xf32, #tpu.memory_space<vmem_shared>>
          tpu.enqueue_indirect_dma source(%arg20 : memref<80xf32, #tpu.memory_space<vmem>>) target(%dma_start3A_60 : memref<10000xf32, #tpu.memory_space<vmem_shared>>) offsets(%dma_start3A_58 : memref<80xi32, #tpu.memory_space<vmem>>) semaphore(%run_scoped3A : memref<!tpu.dma_semaphore, #tpu.memory_space<semaphore_mem>>) {add = true}
          %dma_wait3A_61 = tpu.memref_slice %arg15[%mul3A_40] : memref<10000xi32, #tpu.memory_space<vmem>> -> memref<80xi32, #tpu.memory_space<vmem>>
          %dma_wait3A_62 = arith.constant 0 : i32
          %dma_wait3A_63 = tpu.memref_slice %arg13[%dma_wait3A_62] : memref<10000xf32, #tpu.memory_space<vmem_shared>> -> memref<10000xf32, #tpu.memory_space<vmem_shared>>
          tpu.wait_indirect_dma semaphore(%run_scoped3A : memref<!tpu.dma_semaphore, #tpu.memory_space<semaphore_mem>>) src(%arg20 : memref<80xf32, #tpu.memory_space<vmem>>) dst(%dma_wait3A_63 : memref<10000xf32, #tpu.memory_space<vmem_shared>>)
          tpu.yield
        }) : () -> ()
        %dma_wait3A_54 = tpu.memref_slice %arg14[%add3A_41] : memref<10000xi32, #tpu.memory_space<vmem>> -> memref<80xi32, #tpu.memory_space<vmem>>
        %dma_wait3A_55 = arith.constant 0 : i32
        %dma_wait3A_56 = arith.constant 0 : i32
        %dma_wait3A_57 = tpu.memref_slice %arg2[%dma_wait3A_55, %dma_wait3A_56] : memref<10000x128xf32, #tpu.memory_space<hbm>> -> memref<10000x128xf32, #tpu.memory_space<hbm>>
        tpu.wait_indirect_dma semaphore(%arg19 : memref<!tpu.dma_semaphore, #tpu.memory_space<semaphore_mem>>) src(%dma_wait3A_57 : memref<10000x128xf32, #tpu.memory_space<hbm>>) dst(%arg17 : memref<80x128xf32, #tpu.memory_space<vmem>>)
        "tpu.region"() ({
          %run_scoped3A = tpu.sem_alloc : memref<!tpu.dma_semaphore, #tpu.memory_space<semaphore_mem>>
          %dma_start3A_58 = tpu.memref_slice %arg15[%add3A_41] : memref<10000xi32, #tpu.memory_space<vmem>> -> memref<80xi32, #tpu.memory_space<vmem>>
          %dma_start3A_59 = arith.constant 0 : i32
          %dma_start3A_60 = arith.constant 0 : i32
          %dma_start3A_61 = tpu.memref_slice %arg12[%dma_start3A_59, %dma_start3A_60] : memref<10000x128xf32, #tpu.memory_space<vmem_shared>> -> memref<10000x128xf32, #tpu.memory_space<vmem_shared>>
          tpu.enqueue_indirect_dma source(%arg17 : memref<80x128xf32, #tpu.memory_space<vmem>>) target(%dma_start3A_61 : memref<10000x128xf32, #tpu.memory_space<vmem_shared>>) offsets(%dma_start3A_58 : memref<80xi32, #tpu.memory_space<vmem>>) semaphore(%run_scoped3A : memref<!tpu.dma_semaphore, #tpu.memory_space<semaphore_mem>>) {add = true}
          %dma_wait3A_62 = tpu.memref_slice %arg15[%add3A_41] : memref<10000xi32, #tpu.memory_space<vmem>> -> memref<80xi32, #tpu.memory_space<vmem>>
          %dma_wait3A_63 = arith.constant 0 : i32
          %dma_wait3A_64 = arith.constant 0 : i32
          %dma_wait3A_65 = tpu.memref_slice %arg12[%dma_wait3A_63, %dma_wait3A_64] : memref<10000x128xf32, #tpu.memory_space<vmem_shared>> -> memref<10000x128xf32, #tpu.memory_space<vmem_shared>>
          tpu.wait_indirect_dma semaphore(%run_scoped3A : memref<!tpu.dma_semaphore, #tpu.memory_space<semaphore_mem>>) src(%arg17 : memref<80x128xf32, #tpu.memory_space<vmem>>) dst(%dma_wait3A_65 : memref<10000x128xf32, #tpu.memory_space<vmem_shared>>)
          tpu.yield
        }) : () -> ()
        "tpu.region"() ({
          %run_scoped3A = tpu.sem_alloc : memref<!tpu.dma_semaphore, #tpu.memory_space<semaphore_mem>>
          %dma_start3A_58 = tpu.memref_slice %arg15[%add3A_41] : memref<10000xi32, #tpu.memory_space<vmem>> -> memref<80xi32, #tpu.memory_space<vmem>>
          %dma_start3A_59 = arith.constant 0 : i32
          %dma_start3A_60 = tpu.memref_slice %arg13[%dma_start3A_59] : memref<10000xf32, #tpu.memory_space<vmem_shared>> -> memref<10000xf32, #tpu.memory_space<vmem_shared>>
          tpu.enqueue_indirect_dma source(%arg20 : memref<80xf32, #tpu.memory_space<vmem>>) target(%dma_start3A_60 : memref<10000xf32, #tpu.memory_space<vmem_shared>>) offsets(%dma_start3A_58 : memref<80xi32, #tpu.memory_space<vmem>>) semaphore(%run_scoped3A : memref<!tpu.dma_semaphore, #tpu.memory_space<semaphore_mem>>) {add = true}
          %dma_wait3A_61 = tpu.memref_slice %arg15[%add3A_41] : memref<10000xi32, #tpu.memory_space<vmem>> -> memref<80xi32, #tpu.memory_space<vmem>>
          %dma_wait3A_62 = arith.constant 0 : i32
          %dma_wait3A_63 = tpu.memref_slice %arg13[%dma_wait3A_62] : memref<10000xf32, #tpu.memory_space<vmem_shared>> -> memref<10000xf32, #tpu.memory_space<vmem_shared>>
          tpu.wait_indirect_dma semaphore(%run_scoped3A : memref<!tpu.dma_semaphore, #tpu.memory_space<semaphore_mem>>) src(%arg20 : memref<80xf32, #tpu.memory_space<vmem>>) dst(%dma_wait3A_63 : memref<10000xf32, #tpu.memory_space<vmem_shared>>)
          tpu.yield
        }) : () -> ()
      }
      %scan3A_22 = arith.constant 62 : i32
      %dma_start3A = arith.constant 9920 : i32
      %dma_start3A_23 = tpu.memref_slice %arg14[%dma_start3A] : memref<10000xi32, #tpu.memory_space<vmem>> -> memref<80xi32, #tpu.memory_space<vmem>>
      %dma_start3A_24 = arith.constant 0 : i32
      %dma_start3A_25 = arith.constant 0 : i32
      %dma_start3A_26 = tpu.memref_slice %arg2[%dma_start3A_24, %dma_start3A_25] : memref<10000x128xf32, #tpu.memory_space<hbm>> -> memref<10000x128xf32, #tpu.memory_space<hbm>>
      tpu.enqueue_indirect_dma source(%dma_start3A_26 : memref<10000x128xf32, #tpu.memory_space<hbm>>) target(%arg16 : memref<80x128xf32, #tpu.memory_space<vmem>>) offsets(%dma_start3A_23 : memref<80xi32, #tpu.memory_space<vmem>>) semaphore(%arg18 : memref<!tpu.dma_semaphore, #tpu.memory_space<semaphore_mem>>)
      %dma_wait3A = arith.constant 9920 : i32
      %dma_wait3A_27 = tpu.memref_slice %arg14[%dma_wait3A] : memref<10000xi32, #tpu.memory_space<vmem>> -> memref<80xi32, #tpu.memory_space<vmem>>
      %dma_wait3A_28 = arith.constant 0 : i32
      %dma_wait3A_29 = arith.constant 0 : i32
      %dma_wait3A_30 = tpu.memref_slice %arg2[%dma_wait3A_28, %dma_wait3A_29] : memref<10000x128xf32, #tpu.memory_space<hbm>> -> memref<10000x128xf32, #tpu.memory_space<hbm>>
      tpu.wait_indirect_dma semaphore(%arg18 : memref<!tpu.dma_semaphore, #tpu.memory_space<semaphore_mem>>) src(%dma_wait3A_30 : memref<10000x128xf32, #tpu.memory_space<hbm>>) dst(%arg16 : memref<80x128xf32, #tpu.memory_space<vmem>>)
      "tpu.region"() ({
        %run_scoped3A = tpu.sem_alloc : memref<!tpu.dma_semaphore, #tpu.memory_space<semaphore_mem>>
        %dma_start3A_38 = arith.constant 9920 : i32
        %dma_start3A_39 = tpu.memref_slice %arg15[%dma_start3A_38] : memref<10000xi32, #tpu.memory_space<vmem>> -> memref<80xi32, #tpu.memory_space<vmem>>
        %dma_start3A_40 = arith.constant 0 : i32
        %dma_start3A_41 = arith.constant 0 : i32
        %dma_start3A_42 = tpu.memref_slice %arg12[%dma_start3A_40, %dma_start3A_41] : memref<10000x128xf32, #tpu.memory_space<vmem_shared>> -> memref<10000x128xf32, #tpu.memory_space<vmem_shared>>
        tpu.enqueue_indirect_dma source(%arg16 : memref<80x128xf32, #tpu.memory_space<vmem>>) target(%dma_start3A_42 : memref<10000x128xf32, #tpu.memory_space<vmem_shared>>) offsets(%dma_start3A_39 : memref<80xi32, #tpu.memory_space<vmem>>) semaphore(%run_scoped3A : memref<!tpu.dma_semaphore, #tpu.memory_space<semaphore_mem>>) {add = true}
        %dma_wait3A_43 = arith.constant 9920 : i32
        %dma_wait3A_44 = tpu.memref_slice %arg15[%dma_wait3A_43] : memref<10000xi32, #tpu.memory_space<vmem>> -> memref<80xi32, #tpu.memory_space<vmem>>
        %dma_wait3A_45 = arith.constant 0 : i32
        %dma_wait3A_46 = arith.constant 0 : i32
        %dma_wait3A_47 = tpu.memref_slice %arg12[%dma_wait3A_45, %dma_wait3A_46] : memref<10000x128xf32, #tpu.memory_space<vmem_shared>> -> memref<10000x128xf32, #tpu.memory_space<vmem_shared>>
        tpu.wait_indirect_dma semaphore(%run_scoped3A : memref<!tpu.dma_semaphore, #tpu.memory_space<semaphore_mem>>) src(%arg16 : memref<80x128xf32, #tpu.memory_space<vmem>>) dst(%dma_wait3A_47 : memref<10000x128xf32, #tpu.memory_space<vmem_shared>>)
        tpu.yield
      }) : () -> ()
      "tpu.region"() ({
        %run_scoped3A = tpu.sem_alloc : memref<!tpu.dma_semaphore, #tpu.memory_space<semaphore_mem>>
        %dma_start3A_38 = arith.constant 9920 : i32
        %dma_start3A_39 = tpu.memref_slice %arg15[%dma_start3A_38] : memref<10000xi32, #tpu.memory_space<vmem>> -> memref<80xi32, #tpu.memory_space<vmem>>
        %dma_start3A_40 = arith.constant 0 : i32
        %dma_start3A_41 = tpu.memref_slice %arg13[%dma_start3A_40] : memref<10000xf32, #tpu.memory_space<vmem_shared>> -> memref<10000xf32, #tpu.memory_space<vmem_shared>>
        tpu.enqueue_indirect_dma source(%arg20 : memref<80xf32, #tpu.memory_space<vmem>>) target(%dma_start3A_41 : memref<10000xf32, #tpu.memory_space<vmem_shared>>) offsets(%dma_start3A_39 : memref<80xi32, #tpu.memory_space<vmem>>) semaphore(%run_scoped3A : memref<!tpu.dma_semaphore, #tpu.memory_space<semaphore_mem>>) {add = true}
        %dma_wait3A_42 = arith.constant 9920 : i32
        %dma_wait3A_43 = tpu.memref_slice %arg15[%dma_wait3A_42] : memref<10000xi32, #tpu.memory_space<vmem>> -> memref<80xi32, #tpu.memory_space<vmem>>
        %dma_wait3A_44 = arith.constant 0 : i32
        %dma_wait3A_45 = tpu.memref_slice %arg13[%dma_wait3A_44] : memref<10000xf32, #tpu.memory_space<vmem_shared>> -> memref<10000xf32, #tpu.memory_space<vmem_shared>>
        tpu.wait_indirect_dma semaphore(%run_scoped3A : memref<!tpu.dma_semaphore, #tpu.memory_space<semaphore_mem>>) src(%arg20 : memref<80xf32, #tpu.memory_space<vmem>>) dst(%dma_wait3A_45 : memref<10000xf32, #tpu.memory_space<vmem_shared>>)
        tpu.yield
      }) : () -> ()
      %barrier3A_31 = arith.constant 0 : index
      tpu.barrier barrier_id(%barrier3A_31)
      "tpu.region"() ({
        %run_scoped3A = tpu.sem_alloc : memref<!tpu.dma_semaphore, #tpu.memory_space<semaphore_mem>>
        %dma_start3A_38 = arith.constant 0 : i32
        %dma_start3A_39 = tpu.memref_slice %arg9[%mul3A_0, %dma_start3A_38] : memref<10000x128xf32, #tpu.memory_space<hbm>> -> memref<624x128xf32, #tpu.memory_space<hbm>>
        %dma_start3A_40 = arith.constant 0 : i32
        %dma_start3A_41 = tpu.memref_slice %arg12[%mul3A_0, %dma_start3A_40] : memref<10000x128xf32, #tpu.memory_space<vmem_shared>> -> memref<624x128xf32, #tpu.memory_space<vmem_shared>>
        tpu.enqueue_dma source(%dma_start3A_41 : memref<624x128xf32, #tpu.memory_space<vmem_shared>>) target(%dma_start3A_39 : memref<624x128xf32, #tpu.memory_space<hbm>>) target_semaphore(%run_scoped3A : memref<!tpu.dma_semaphore, #tpu.memory_space<semaphore_mem>>)
        %dma_wait3A_42 = arith.constant 0 : i32
        %dma_wait3A_43 = tpu.memref_slice %arg9[%mul3A_0, %dma_wait3A_42] : memref<10000x128xf32, #tpu.memory_space<hbm>> -> memref<624x128xf32, #tpu.memory_space<hbm>>
        %dma_wait3A_44 = arith.constant 0 : i32
        %dma_wait3A_45 = tpu.memref_slice %arg12[%mul3A_0, %dma_wait3A_44] : memref<10000x128xf32, #tpu.memory_space<vmem_shared>> -> memref<624x128xf32, #tpu.memory_space<vmem_shared>>
        tpu.wait_dma2 semaphore(%run_scoped3A : memref<!tpu.dma_semaphore, #tpu.memory_space<semaphore_mem>>) src(%dma_wait3A_45 : memref<624x128xf32, #tpu.memory_space<vmem_shared>>) dst(%dma_wait3A_43 : memref<624x128xf32, #tpu.memory_space<hbm>>)
        tpu.yield
      }) : () -> ()
      %convert_element_type3A_32 = arith.extui %eq3A_1 : i1 to i32
      %cond3A_33 = arith.constant 0 : i32
      %cond3A_34 = arith.cmpi ne, %convert_element_type3A_32, %cond3A_33 : i32
      scf.if %cond3A_34 {
        "tpu.region"() ({
          %run_scoped3A = tpu.sem_alloc : memref<!tpu.dma_semaphore, #tpu.memory_space<semaphore_mem>>
          %dma_start3A_38 = arith.constant 9984 : i32
          %dma_start3A_39 = arith.constant 0 : i32
          %dma_start3A_40 = tpu.memref_slice %arg9[%dma_start3A_38, %dma_start3A_39] : memref<10000x128xf32, #tpu.memory_space<hbm>> -> memref<16x128xf32, #tpu.memory_space<hbm>>
          %dma_start3A_41 = arith.constant 9984 : i32
          %dma_start3A_42 = arith.constant 0 : i32
          %dma_start3A_43 = tpu.memref_slice %arg12[%dma_start3A_41, %dma_start3A_42] : memref<10000x128xf32, #tpu.memory_space<vmem_shared>> -> memref<16x128xf32, #tpu.memory_space<vmem_shared>>
          tpu.enqueue_dma source(%dma_start3A_43 : memref<16x128xf32, #tpu.memory_space<vmem_shared>>) target(%dma_start3A_40 : memref<16x128xf32, #tpu.memory_space<hbm>>) target_semaphore(%run_scoped3A : memref<!tpu.dma_semaphore, #tpu.memory_space<semaphore_mem>>)
          %dma_wait3A_44 = arith.constant 9984 : i32
          %dma_wait3A_45 = arith.constant 0 : i32
          %dma_wait3A_46 = tpu.memref_slice %arg9[%dma_wait3A_44, %dma_wait3A_45] : memref<10000x128xf32, #tpu.memory_space<hbm>> -> memref<16x128xf32, #tpu.memory_space<hbm>>
          %dma_wait3A_47 = arith.constant 9984 : i32
          %dma_wait3A_48 = arith.constant 0 : i32
          %dma_wait3A_49 = tpu.memref_slice %arg12[%dma_wait3A_47, %dma_wait3A_48] : memref<10000x128xf32, #tpu.memory_space<vmem_shared>> -> memref<16x128xf32, #tpu.memory_space<vmem_shared>>
          tpu.wait_dma2 semaphore(%run_scoped3A : memref<!tpu.dma_semaphore, #tpu.memory_space<semaphore_mem>>) src(%dma_wait3A_49 : memref<16x128xf32, #tpu.memory_space<vmem_shared>>) dst(%dma_wait3A_46 : memref<16x128xf32, #tpu.memory_space<hbm>>)
          tpu.yield
        }) : () -> ()
      } else {
      }
      "tpu.region"() ({
        %run_scoped3A = tpu.sem_alloc : memref<!tpu.dma_semaphore, #tpu.memory_space<semaphore_mem>>
        %dma_start3A_38 = tpu.memref_slice %arg13[%mul3A_0] : memref<10000xf32, #tpu.memory_space<vmem_shared>> -> memref<624xf32, #tpu.memory_space<vmem_shared>>
        %dma_start3A_39 = tpu.memref_slice %arg13[%mul3A_0] : memref<10000xf32, #tpu.memory_space<vmem_shared>> -> memref<624xf32, #tpu.memory_space<vmem_shared>>
        tpu.enqueue_dma source(%dma_start3A_39 : memref<624xf32, #tpu.memory_space<vmem_shared>>) target(%arg21 : memref<624xf32, #tpu.memory_space<vmem>>) target_semaphore(%run_scoped3A : memref<!tpu.dma_semaphore, #tpu.memory_space<semaphore_mem>>)
        %dma_wait3A_40 = tpu.memref_slice %arg13[%mul3A_0] : memref<10000xf32, #tpu.memory_space<vmem_shared>> -> memref<624xf32, #tpu.memory_space<vmem_shared>>
        %dma_wait3A_41 = tpu.memref_slice %arg13[%mul3A_0] : memref<10000xf32, #tpu.memory_space<vmem_shared>> -> memref<624xf32, #tpu.memory_space<vmem_shared>>
        tpu.wait_dma2 semaphore(%run_scoped3A : memref<!tpu.dma_semaphore, #tpu.memory_space<semaphore_mem>>) src(%dma_wait3A_41 : memref<624xf32, #tpu.memory_space<vmem_shared>>) dst(%arg21 : memref<624xf32, #tpu.memory_space<vmem>>)
        tpu.yield
      }) : () -> ()
      "tpu.region"() ({
        %run_scoped3A = tpu.sem_alloc : memref<!tpu.dma_semaphore, #tpu.memory_space<semaphore_mem>>
        %dma_start3A_38 = tpu.memref_slice %arg11[%mul3A_0] : memref<10000xf32, #tpu.memory_space<hbm>> -> memref<624xf32, #tpu.memory_space<hbm>>
        %dma_start3A_39 = tpu.memref_slice %arg11[%mul3A_0] : memref<10000xf32, #tpu.memory_space<hbm>> -> memref<624xf32, #tpu.memory_space<hbm>>
        tpu.enqueue_dma source(%arg21 : memref<624xf32, #tpu.memory_space<vmem>>) target(%dma_start3A_39 : memref<624xf32, #tpu.memory_space<hbm>>) target_semaphore(%run_scoped3A : memref<!tpu.dma_semaphore, #tpu.memory_space<semaphore_mem>>)
        %dma_wait3A_40 = tpu.memref_slice %arg11[%mul3A_0] : memref<10000xf32, #tpu.memory_space<hbm>> -> memref<624xf32, #tpu.memory_space<hbm>>
        %dma_wait3A_41 = tpu.memref_slice %arg11[%mul3A_0] : memref<10000xf32, #tpu.memory_space<hbm>> -> memref<624xf32, #tpu.memory_space<hbm>>
        tpu.wait_dma2 semaphore(%run_scoped3A : memref<!tpu.dma_semaphore, #tpu.memory_space<semaphore_mem>>) src(%arg21 : memref<624xf32, #tpu.memory_space<vmem>>) dst(%dma_wait3A_41 : memref<624xf32, #tpu.memory_space<hbm>>)
        tpu.yield
      }) : () -> ()
      %convert_element_type3A_35 = arith.extui %eq3A_1 : i1 to i32
      %cond3A_36 = arith.constant 0 : i32
      %cond3A_37 = arith.cmpi ne, %convert_element_type3A_35, %cond3A_36 : i32
      scf.if %cond3A_37 {
        "tpu.region"() ({
          %run_scoped3A = tpu.sem_alloc : memref<!tpu.dma_semaphore, #tpu.memory_space<semaphore_mem>>
          %dma_start3A_38 = arith.constant 0 : i32
          %dma_start3A_39 = tpu.memref_slice %arg21[%dma_start3A_38] : memref<624xf32, #tpu.memory_space<vmem>> -> memref<16xf32, #tpu.memory_space<vmem>>
          %dma_start3A_40 = arith.constant 9984 : i32
          %dma_start3A_41 = tpu.memref_slice %arg13[%dma_start3A_40] : memref<10000xf32, #tpu.memory_space<vmem_shared>> -> memref<16xf32, #tpu.memory_space<vmem_shared>>
          %dma_start3A_42 = arith.constant 0 : i32
          %dma_start3A_43 = tpu.memref_slice %arg21[%dma_start3A_42] : memref<624xf32, #tpu.memory_space<vmem>> -> memref<16xf32, #tpu.memory_space<vmem>>
          %dma_start3A_44 = arith.constant 9984 : i32
          %dma_start3A_45 = tpu.memref_slice %arg13[%dma_start3A_44] : memref<10000xf32, #tpu.memory_space<vmem_shared>> -> memref<16xf32, #tpu.memory_space<vmem_shared>>
          tpu.enqueue_dma source(%dma_start3A_45 : memref<16xf32, #tpu.memory_space<vmem_shared>>) target(%dma_start3A_43 : memref<16xf32, #tpu.memory_space<vmem>>) target_semaphore(%run_scoped3A : memref<!tpu.dma_semaphore, #tpu.memory_space<semaphore_mem>>)
          %dma_wait3A_46 = arith.constant 0 : i32
          %dma_wait3A_47 = tpu.memref_slice %arg21[%dma_wait3A_46] : memref<624xf32, #tpu.memory_space<vmem>> -> memref<16xf32, #tpu.memory_space<vmem>>
          %dma_wait3A_48 = arith.constant 9984 : i32
          %dma_wait3A_49 = tpu.memref_slice %arg13[%dma_wait3A_48] : memref<10000xf32, #tpu.memory_space<vmem_shared>> -> memref<16xf32, #tpu.memory_space<vmem_shared>>
          %dma_wait3A_50 = arith.constant 0 : i32
          %dma_wait3A_51 = tpu.memref_slice %arg21[%dma_wait3A_50] : memref<624xf32, #tpu.memory_space<vmem>> -> memref<16xf32, #tpu.memory_space<vmem>>
          %dma_wait3A_52 = arith.constant 9984 : i32
          %dma_wait3A_53 = tpu.memref_slice %arg13[%dma_wait3A_52] : memref<10000xf32, #tpu.memory_space<vmem_shared>> -> memref<16xf32, #tpu.memory_space<vmem_shared>>
          tpu.wait_dma2 semaphore(%run_scoped3A : memref<!tpu.dma_semaphore, #tpu.memory_space<semaphore_mem>>) src(%dma_wait3A_53 : memref<16xf32, #tpu.memory_space<vmem_shared>>) dst(%dma_wait3A_51 : memref<16xf32, #tpu.memory_space<vmem>>)
          tpu.yield
        }) : () -> ()
        "tpu.region"() ({
          %run_scoped3A = tpu.sem_alloc : memref<!tpu.dma_semaphore, #tpu.memory_space<semaphore_mem>>
          %dma_start3A_38 = arith.constant 0 : i32
          %dma_start3A_39 = tpu.memref_slice %arg21[%dma_start3A_38] : memref<624xf32, #tpu.memory_space<vmem>> -> memref<16xf32, #tpu.memory_space<vmem>>
          %dma_start3A_40 = arith.constant 9984 : i32
          %dma_start3A_41 = tpu.memref_slice %arg11[%dma_start3A_40] : memref<10000xf32, #tpu.memory_space<hbm>> -> memref<16xf32, #tpu.memory_space<hbm>>
          %dma_start3A_42 = arith.constant 9984 : i32
          %dma_start3A_43 = tpu.memref_slice %arg11[%dma_start3A_42] : memref<10000xf32, #tpu.memory_space<hbm>> -> memref<16xf32, #tpu.memory_space<hbm>>
          %dma_start3A_44 = arith.constant 0 : i32
          %dma_start3A_45 = tpu.memref_slice %arg21[%dma_start3A_44] : memref<624xf32, #tpu.memory_space<vmem>> -> memref<16xf32, #tpu.memory_space<vmem>>
          tpu.enqueue_dma source(%dma_start3A_45 : memref<16xf32, #tpu.memory_space<vmem>>) target(%dma_start3A_43 : memref<16xf32, #tpu.memory_space<hbm>>) target_semaphore(%run_scoped3A : memref<!tpu.dma_semaphore, #tpu.memory_space<semaphore_mem>>)
          %dma_wait3A_46 = arith.constant 0 : i32
          %dma_wait3A_47 = tpu.memref_slice %arg21[%dma_wait3A_46] : memref<624xf32, #tpu.memory_space<vmem>> -> memref<16xf32, #tpu.memory_space<vmem>>
          %dma_wait3A_48 = arith.constant 9984 : i32
          %dma_wait3A_49 = tpu.memref_slice %arg11[%dma_wait3A_48] : memref<10000xf32, #tpu.memory_space<hbm>> -> memref<16xf32, #tpu.memory_space<hbm>>
          %dma_wait3A_50 = arith.constant 9984 : i32
          %dma_wait3A_51 = tpu.memref_slice %arg11[%dma_wait3A_50] : memref<10000xf32, #tpu.memory_space<hbm>> -> memref<16xf32, #tpu.memory_space<hbm>>
          %dma_wait3A_52 = arith.constant 0 : i32
          %dma_wait3A_53 = tpu.memref_slice %arg21[%dma_wait3A_52] : memref<624xf32, #tpu.memory_space<vmem>> -> memref<16xf32, #tpu.memory_space<vmem>>
          tpu.wait_dma2 semaphore(%run_scoped3A : memref<!tpu.dma_semaphore, #tpu.memory_space<semaphore_mem>>) src(%dma_wait3A_53 : memref<16xf32, #tpu.memory_space<vmem>>) dst(%dma_wait3A_51 : memref<16xf32, #tpu.memory_space<hbm>>)
          tpu.yield
        }) : () -> ()
      } else {
      }
    } else {
    }
    %eq3A_8 = arith.constant 1 : i32
    %eq3A_9 = arith.cmpi eq, %arg0, %eq3A_8 : i32
    %convert_element_type3A_10 = arith.extui %eq3A_9 : i1 to i32
    %cond3A_11 = arith.constant 0 : i32
    %cond3A_12 = arith.cmpi ne, %convert_element_type3A_10, %cond3A_11 : i32
    scf.if %cond3A_12 {
      %mul3A_13 = arith.constant 10000 : i32
      %mul3A_14 = arith.muli %arg1, %mul3A_13 : i32
      "tpu.region"() ({
        %run_scoped3A = tpu.sem_alloc : memref<!tpu.dma_semaphore, #tpu.memory_space<semaphore_mem>>
        %dma_start3A_32 = tpu.memref_slice %arg4[%mul3A_14] : memref<160000xi32, #tpu.memory_space<hbm>> -> memref<10000xi32, #tpu.memory_space<hbm>>
        %dma_start3A_33 = tpu.memref_slice %arg4[%mul3A_14] : memref<160000xi32, #tpu.memory_space<hbm>> -> memref<10000xi32, #tpu.memory_space<hbm>>
        tpu.enqueue_dma source(%dma_start3A_33 : memref<10000xi32, #tpu.memory_space<hbm>>) target(%arg14 : memref<10000xi32, #tpu.memory_space<vmem>>) target_semaphore(%run_scoped3A : memref<!tpu.dma_semaphore, #tpu.memory_space<semaphore_mem>>)
        %dma_wait3A_34 = tpu.memref_slice %arg4[%mul3A_14] : memref<160000xi32, #tpu.memory_space<hbm>> -> memref<10000xi32, #tpu.memory_space<hbm>>
        %dma_wait3A_35 = tpu.memref_slice %arg4[%mul3A_14] : memref<160000xi32, #tpu.memory_space<hbm>> -> memref<10000xi32, #tpu.memory_space<hbm>>
        tpu.wait_dma2 semaphore(%run_scoped3A : memref<!tpu.dma_semaphore, #tpu.memory_space<semaphore_mem>>) src(%dma_wait3A_35 : memref<10000xi32, #tpu.memory_space<hbm>>) dst(%arg14 : memref<10000xi32, #tpu.memory_space<vmem>>)
        tpu.yield
      }) : () -> ()
      "tpu.region"() ({
        %run_scoped3A = tpu.sem_alloc : memref<!tpu.dma_semaphore, #tpu.memory_space<semaphore_mem>>
        %dma_start3A_32 = tpu.memref_slice %arg5[%mul3A_14] : memref<160000xi32, #tpu.memory_space<hbm>> -> memref<10000xi32, #tpu.memory_space<hbm>>
        %dma_start3A_33 = tpu.memref_slice %arg5[%mul3A_14] : memref<160000xi32, #tpu.memory_space<hbm>> -> memref<10000xi32, #tpu.memory_space<hbm>>
        tpu.enqueue_dma source(%dma_start3A_33 : memref<10000xi32, #tpu.memory_space<hbm>>) target(%arg15 : memref<10000xi32, #tpu.memory_space<vmem>>) target_semaphore(%run_scoped3A : memref<!tpu.dma_semaphore, #tpu.memory_space<semaphore_mem>>)
        %dma_wait3A_34 = tpu.memref_slice %arg5[%mul3A_14] : memref<160000xi32, #tpu.memory_space<hbm>> -> memref<10000xi32, #tpu.memory_space<hbm>>
        %dma_wait3A_35 = tpu.memref_slice %arg5[%mul3A_14] : memref<160000xi32, #tpu.memory_space<hbm>> -> memref<10000xi32, #tpu.memory_space<hbm>>
        tpu.wait_dma2 semaphore(%run_scoped3A : memref<!tpu.dma_semaphore, #tpu.memory_space<semaphore_mem>>) src(%dma_wait3A_35 : memref<10000xi32, #tpu.memory_space<hbm>>) dst(%arg15 : memref<10000xi32, #tpu.memory_space<vmem>>)
        tpu.yield
      }) : () -> ()
      %barrier3A = arith.constant 0 : index
      tpu.barrier barrier_id(%barrier3A)
      %scan3A = arith.constant 0 : i32
      %scan3A_15 = arith.constant 0 : i32
      %scan3A_16 = arith.constant 62 : i32
      %scan3A_17 = arith.addi %scan3A_15, %scan3A_16 : i32
      %scan3A_18 = arith.constant 1 : i32
      scf.for %scan3A_32 = %scan3A_15 to %scan3A_17 step %scan3A_18  : i32 {
        %mul3A_33 = arith.constant 160 : i32
        %mul3A_34 = arith.muli %scan3A_32, %mul3A_33 : i32
        %add3A = arith.constant 80 : i32
        %add3A_35 = arith.addi %mul3A_34, %add3A : i32
        %dma_start3A_36 = tpu.memref_slice %arg14[%mul3A_34] : memref<10000xi32, #tpu.memory_space<vmem>> -> memref<80xi32, #tpu.memory_space<vmem>>
        %dma_start3A_37 = arith.constant 0 : i32
        %dma_start3A_38 = arith.constant 0 : i32
        %dma_start3A_39 = tpu.memref_slice %arg3[%dma_start3A_37, %dma_start3A_38] : memref<10000x128xf32, #tpu.memory_space<hbm>> -> memref<10000x128xf32, #tpu.memory_space<hbm>>
        tpu.enqueue_indirect_dma source(%dma_start3A_39 : memref<10000x128xf32, #tpu.memory_space<hbm>>) target(%arg16 : memref<80x128xf32, #tpu.memory_space<vmem>>) offsets(%dma_start3A_36 : memref<80xi32, #tpu.memory_space<vmem>>) semaphore(%arg18 : memref<!tpu.dma_semaphore, #tpu.memory_space<semaphore_mem>>)
        %dma_start3A_40 = tpu.memref_slice %arg14[%add3A_35] : memref<10000xi32, #tpu.memory_space<vmem>> -> memref<80xi32, #tpu.memory_space<vmem>>
        %dma_start3A_41 = arith.constant 0 : i32
        %dma_start3A_42 = arith.constant 0 : i32
        %dma_start3A_43 = tpu.memref_slice %arg3[%dma_start3A_41, %dma_start3A_42] : memref<10000x128xf32, #tpu.memory_space<hbm>> -> memref<10000x128xf32, #tpu.memory_space<hbm>>
        tpu.enqueue_indirect_dma source(%dma_start3A_43 : memref<10000x128xf32, #tpu.memory_space<hbm>>) target(%arg17 : memref<80x128xf32, #tpu.memory_space<vmem>>) offsets(%dma_start3A_40 : memref<80xi32, #tpu.memory_space<vmem>>) semaphore(%arg19 : memref<!tpu.dma_semaphore, #tpu.memory_space<semaphore_mem>>)
        %dma_wait3A_44 = tpu.memref_slice %arg14[%mul3A_34] : memref<10000xi32, #tpu.memory_space<vmem>> -> memref<80xi32, #tpu.memory_space<vmem>>
        %dma_wait3A_45 = arith.constant 0 : i32
        %dma_wait3A_46 = arith.constant 0 : i32
        %dma_wait3A_47 = tpu.memref_slice %arg3[%dma_wait3A_45, %dma_wait3A_46] : memref<10000x128xf32, #tpu.memory_space<hbm>> -> memref<10000x128xf32, #tpu.memory_space<hbm>>
        tpu.wait_indirect_dma semaphore(%arg18 : memref<!tpu.dma_semaphore, #tpu.memory_space<semaphore_mem>>) src(%dma_wait3A_47 : memref<10000x128xf32, #tpu.memory_space<hbm>>) dst(%arg16 : memref<80x128xf32, #tpu.memory_space<vmem>>)
        "tpu.region"() ({
          %run_scoped3A = tpu.sem_alloc : memref<!tpu.dma_semaphore, #tpu.memory_space<semaphore_mem>>
          %dma_start3A_52 = tpu.memref_slice %arg15[%mul3A_34] : memref<10000xi32, #tpu.memory_space<vmem>> -> memref<80xi32, #tpu.memory_space<vmem>>
          %dma_start3A_53 = arith.constant 0 : i32
          %dma_start3A_54 = arith.constant 0 : i32
          %dma_start3A_55 = tpu.memref_slice %arg12[%dma_start3A_53, %dma_start3A_54] : memref<10000x128xf32, #tpu.memory_space<vmem_shared>> -> memref<10000x128xf32, #tpu.memory_space<vmem_shared>>
          tpu.enqueue_indirect_dma source(%arg16 : memref<80x128xf32, #tpu.memory_space<vmem>>) target(%dma_start3A_55 : memref<10000x128xf32, #tpu.memory_space<vmem_shared>>) offsets(%dma_start3A_52 : memref<80xi32, #tpu.memory_space<vmem>>) semaphore(%run_scoped3A : memref<!tpu.dma_semaphore, #tpu.memory_space<semaphore_mem>>) {add = true}
          %dma_wait3A_56 = tpu.memref_slice %arg15[%mul3A_34] : memref<10000xi32, #tpu.memory_space<vmem>> -> memref<80xi32, #tpu.memory_space<vmem>>
          %dma_wait3A_57 = arith.constant 0 : i32
          %dma_wait3A_58 = arith.constant 0 : i32
          %dma_wait3A_59 = tpu.memref_slice %arg12[%dma_wait3A_57, %dma_wait3A_58] : memref<10000x128xf32, #tpu.memory_space<vmem_shared>> -> memref<10000x128xf32, #tpu.memory_space<vmem_shared>>
          tpu.wait_indirect_dma semaphore(%run_scoped3A : memref<!tpu.dma_semaphore, #tpu.memory_space<semaphore_mem>>) src(%arg16 : memref<80x128xf32, #tpu.memory_space<vmem>>) dst(%dma_wait3A_59 : memref<10000x128xf32, #tpu.memory_space<vmem_shared>>)
          tpu.yield
        }) : () -> ()
        %dma_wait3A_48 = tpu.memref_slice %arg14[%add3A_35] : memref<10000xi32, #tpu.memory_space<vmem>> -> memref<80xi32, #tpu.memory_space<vmem>>
        %dma_wait3A_49 = arith.constant 0 : i32
        %dma_wait3A_50 = arith.constant 0 : i32
        %dma_wait3A_51 = tpu.memref_slice %arg3[%dma_wait3A_49, %dma_wait3A_50] : memref<10000x128xf32, #tpu.memory_space<hbm>> -> memref<10000x128xf32, #tpu.memory_space<hbm>>
        tpu.wait_indirect_dma semaphore(%arg19 : memref<!tpu.dma_semaphore, #tpu.memory_space<semaphore_mem>>) src(%dma_wait3A_51 : memref<10000x128xf32, #tpu.memory_space<hbm>>) dst(%arg17 : memref<80x128xf32, #tpu.memory_space<vmem>>)
        "tpu.region"() ({
          %run_scoped3A = tpu.sem_alloc : memref<!tpu.dma_semaphore, #tpu.memory_space<semaphore_mem>>
          %dma_start3A_52 = tpu.memref_slice %arg15[%add3A_35] : memref<10000xi32, #tpu.memory_space<vmem>> -> memref<80xi32, #tpu.memory_space<vmem>>
          %dma_start3A_53 = arith.constant 0 : i32
          %dma_start3A_54 = arith.constant 0 : i32
          %dma_start3A_55 = tpu.memref_slice %arg12[%dma_start3A_53, %dma_start3A_54] : memref<10000x128xf32, #tpu.memory_space<vmem_shared>> -> memref<10000x128xf32, #tpu.memory_space<vmem_shared>>
          tpu.enqueue_indirect_dma source(%arg17 : memref<80x128xf32, #tpu.memory_space<vmem>>) target(%dma_start3A_55 : memref<10000x128xf32, #tpu.memory_space<vmem_shared>>) offsets(%dma_start3A_52 : memref<80xi32, #tpu.memory_space<vmem>>) semaphore(%run_scoped3A : memref<!tpu.dma_semaphore, #tpu.memory_space<semaphore_mem>>) {add = true}
          %dma_wait3A_56 = tpu.memref_slice %arg15[%add3A_35] : memref<10000xi32, #tpu.memory_space<vmem>> -> memref<80xi32, #tpu.memory_space<vmem>>
          %dma_wait3A_57 = arith.constant 0 : i32
          %dma_wait3A_58 = arith.constant 0 : i32
          %dma_wait3A_59 = tpu.memref_slice %arg12[%dma_wait3A_57, %dma_wait3A_58] : memref<10000x128xf32, #tpu.memory_space<vmem_shared>> -> memref<10000x128xf32, #tpu.memory_space<vmem_shared>>
          tpu.wait_indirect_dma semaphore(%run_scoped3A : memref<!tpu.dma_semaphore, #tpu.memory_space<semaphore_mem>>) src(%arg17 : memref<80x128xf32, #tpu.memory_space<vmem>>) dst(%dma_wait3A_59 : memref<10000x128xf32, #tpu.memory_space<vmem_shared>>)
          tpu.yield
        }) : () -> ()
      }
      %scan3A_19 = arith.constant 62 : i32
      %dma_start3A = arith.constant 9920 : i32
      %dma_start3A_20 = tpu.memref_slice %arg14[%dma_start3A] : memref<10000xi32, #tpu.memory_space<vmem>> -> memref<80xi32, #tpu.memory_space<vmem>>
      %dma_start3A_21 = arith.constant 0 : i32
      %dma_start3A_22 = arith.constant 0 : i32
      %dma_start3A_23 = tpu.memref_slice %arg3[%dma_start3A_21, %dma_start3A_22] : memref<10000x128xf32, #tpu.memory_space<hbm>> -> memref<10000x128xf32, #tpu.memory_space<hbm>>
      tpu.enqueue_indirect_dma source(%dma_start3A_23 : memref<10000x128xf32, #tpu.memory_space<hbm>>) target(%arg16 : memref<80x128xf32, #tpu.memory_space<vmem>>) offsets(%dma_start3A_20 : memref<80xi32, #tpu.memory_space<vmem>>) semaphore(%arg18 : memref<!tpu.dma_semaphore, #tpu.memory_space<semaphore_mem>>)
      %dma_wait3A = arith.constant 9920 : i32
      %dma_wait3A_24 = tpu.memref_slice %arg14[%dma_wait3A] : memref<10000xi32, #tpu.memory_space<vmem>> -> memref<80xi32, #tpu.memory_space<vmem>>
      %dma_wait3A_25 = arith.constant 0 : i32
      %dma_wait3A_26 = arith.constant 0 : i32
      %dma_wait3A_27 = tpu.memref_slice %arg3[%dma_wait3A_25, %dma_wait3A_26] : memref<10000x128xf32, #tpu.memory_space<hbm>> -> memref<10000x128xf32, #tpu.memory_space<hbm>>
      tpu.wait_indirect_dma semaphore(%arg18 : memref<!tpu.dma_semaphore, #tpu.memory_space<semaphore_mem>>) src(%dma_wait3A_27 : memref<10000x128xf32, #tpu.memory_space<hbm>>) dst(%arg16 : memref<80x128xf32, #tpu.memory_space<vmem>>)
      "tpu.region"() ({
        %run_scoped3A = tpu.sem_alloc : memref<!tpu.dma_semaphore, #tpu.memory_space<semaphore_mem>>
        %dma_start3A_32 = arith.constant 9920 : i32
        %dma_start3A_33 = tpu.memref_slice %arg15[%dma_start3A_32] : memref<10000xi32, #tpu.memory_space<vmem>> -> memref<80xi32, #tpu.memory_space<vmem>>
        %dma_start3A_34 = arith.constant 0 : i32
        %dma_start3A_35 = arith.constant 0 : i32
        %dma_start3A_36 = tpu.memref_slice %arg12[%dma_start3A_34, %dma_start3A_35] : memref<10000x128xf32, #tpu.memory_space<vmem_shared>> -> memref<10000x128xf32, #tpu.memory_space<vmem_shared>>
        tpu.enqueue_indirect_dma source(%arg16 : memref<80x128xf32, #tpu.memory_space<vmem>>) target(%dma_start3A_36 : memref<10000x128xf32, #tpu.memory_space<vmem_shared>>) offsets(%dma_start3A_33 : memref<80xi32, #tpu.memory_space<vmem>>) semaphore(%run_scoped3A : memref<!tpu.dma_semaphore, #tpu.memory_space<semaphore_mem>>) {add = true}
        %dma_wait3A_37 = arith.constant 9920 : i32
        %dma_wait3A_38 = tpu.memref_slice %arg15[%dma_wait3A_37] : memref<10000xi32, #tpu.memory_space<vmem>> -> memref<80xi32, #tpu.memory_space<vmem>>
        %dma_wait3A_39 = arith.constant 0 : i32
        %dma_wait3A_40 = arith.constant 0 : i32
        %dma_wait3A_41 = tpu.memref_slice %arg12[%dma_wait3A_39, %dma_wait3A_40] : memref<10000x128xf32, #tpu.memory_space<vmem_shared>> -> memref<10000x128xf32, #tpu.memory_space<vmem_shared>>
        tpu.wait_indirect_dma semaphore(%run_scoped3A : memref<!tpu.dma_semaphore, #tpu.memory_space<semaphore_mem>>) src(%arg16 : memref<80x128xf32, #tpu.memory_space<vmem>>) dst(%dma_wait3A_41 : memref<10000x128xf32, #tpu.memory_space<vmem_shared>>)
        tpu.yield
      }) : () -> ()
      %barrier3A_28 = arith.constant 0 : index
      tpu.barrier barrier_id(%barrier3A_28)
      "tpu.region"() ({
        %run_scoped3A = tpu.sem_alloc : memref<!tpu.dma_semaphore, #tpu.memory_space<semaphore_mem>>
        %dma_start3A_32 = arith.constant 0 : i32
        %dma_start3A_33 = tpu.memref_slice %arg10[%mul3A_0, %dma_start3A_32] : memref<10000x128xf32, #tpu.memory_space<hbm>> -> memref<624x128xf32, #tpu.memory_space<hbm>>
        %dma_start3A_34 = arith.constant 0 : i32
        %dma_start3A_35 = tpu.memref_slice %arg12[%mul3A_0, %dma_start3A_34] : memref<10000x128xf32, #tpu.memory_space<vmem_shared>> -> memref<624x128xf32, #tpu.memory_space<vmem_shared>>
        tpu.enqueue_dma source(%dma_start3A_35 : memref<624x128xf32, #tpu.memory_space<vmem_shared>>) target(%dma_start3A_33 : memref<624x128xf32, #tpu.memory_space<hbm>>) target_semaphore(%run_scoped3A : memref<!tpu.dma_semaphore, #tpu.memory_space<semaphore_mem>>)
        %dma_wait3A_36 = arith.constant 0 : i32
        %dma_wait3A_37 = tpu.memref_slice %arg10[%mul3A_0, %dma_wait3A_36] : memref<10000x128xf32, #tpu.memory_space<hbm>> -> memref<624x128xf32, #tpu.memory_space<hbm>>
        %dma_wait3A_38 = arith.constant 0 : i32
        %dma_wait3A_39 = tpu.memref_slice %arg12[%mul3A_0, %dma_wait3A_38] : memref<10000x128xf32, #tpu.memory_space<vmem_shared>> -> memref<624x128xf32, #tpu.memory_space<vmem_shared>>
        tpu.wait_dma2 semaphore(%run_scoped3A : memref<!tpu.dma_semaphore, #tpu.memory_space<semaphore_mem>>) src(%dma_wait3A_39 : memref<624x128xf32, #tpu.memory_space<vmem_shared>>) dst(%dma_wait3A_37 : memref<624x128xf32, #tpu.memory_space<hbm>>)
        tpu.yield
      }) : () -> ()
      %convert_element_type3A_29 = arith.extui %eq3A_1 : i1 to i32
      %cond3A_30 = arith.constant 0 : i32
      %cond3A_31 = arith.cmpi ne, %convert_element_type3A_29, %cond3A_30 : i32
      scf.if %cond3A_31 {
        "tpu.region"() ({
          %run_scoped3A = tpu.sem_alloc : memref<!tpu.dma_semaphore, #tpu.memory_space<semaphore_mem>>
          %dma_start3A_32 = arith.constant 9984 : i32
          %dma_start3A_33 = arith.constant 0 : i32
          %dma_start3A_34 = tpu.memref_slice %arg10[%dma_start3A_32, %dma_start3A_33] : memref<10000x128xf32, #tpu.memory_space<hbm>> -> memref<16x128xf32, #tpu.memory_space<hbm>>
          %dma_start3A_35 = arith.constant 9984 : i32
          %dma_start3A_36 = arith.constant 0 : i32
          %dma_start3A_37 = tpu.memref_slice %arg12[%dma_start3A_35, %dma_start3A_36] : memref<10000x128xf32, #tpu.memory_space<vmem_shared>> -> memref<16x128xf32, #tpu.memory_space<vmem_shared>>
          tpu.enqueue_dma source(%dma_start3A_37 : memref<16x128xf32, #tpu.memory_space<vmem_shared>>) target(%dma_start3A_34 : memref<16x128xf32, #tpu.memory_space<hbm>>) target_semaphore(%run_scoped3A : memref<!tpu.dma_semaphore, #tpu.memory_space<semaphore_mem>>)
          %dma_wait3A_38 = arith.constant 9984 : i32
          %dma_wait3A_39 = arith.constant 0 : i32
          %dma_wait3A_40 = tpu.memref_slice %arg10[%dma_wait3A_38, %dma_wait3A_39] : memref<10000x128xf32, #tpu.memory_space<hbm>> -> memref<16x128xf32, #tpu.memory_space<hbm>>
          %dma_wait3A_41 = arith.constant 9984 : i32
          %dma_wait3A_42 = arith.constant 0 : i32
          %dma_wait3A_43 = tpu.memref_slice %arg12[%dma_wait3A_41, %dma_wait3A_42] : memref<10000x128xf32, #tpu.memory_space<vmem_shared>> -> memref<16x128xf32, #tpu.memory_space<vmem_shared>>
          tpu.wait_dma2 semaphore(%run_scoped3A : memref<!tpu.dma_semaphore, #tpu.memory_space<semaphore_mem>>) src(%dma_wait3A_43 : memref<16x128xf32, #tpu.memory_space<vmem_shared>>) dst(%dma_wait3A_40 : memref<16x128xf32, #tpu.memory_space<hbm>>)
          tpu.yield
        }) : () -> ()
      } else {
      }
    } else {
    }
    return
  }
}

#map = affine_map<(d0, d1) -> (0, 0)>
#map1 = affine_map<(d0, d1) -> (0)>
module attributes {stable_mosaic.version = 14 : i64} {
  func.func @k(%arg0: i32, %arg1: i32, %arg2: memref<10000x128xf32, #tpu.memory_space<hbm>>, %arg3: memref<10000x128xf32, #tpu.memory_space<hbm>>, %arg4: memref<160000xi32, #tpu.memory_space<hbm>>, %arg5: memref<160000xi32, #tpu.memory_space<hbm>>, %arg6: memref<624x128xf32, #tpu.memory_space<hbm>>, %arg7: memref<10000x128xf32, #tpu.memory_space<hbm>>, %arg8: memref<10000x128xf32, #tpu.memory_space<hbm>>, %arg9: memref<10000x128xf32, #tpu.memory_space<vmem_shared>>, %arg10: memref<10000xi32, #tpu.memory_space<vmem>>, %arg11: memref<10000xi32, #tpu.memory_space<vmem>>, %arg12: memref<80x128xf32, #tpu.memory_space<vmem>>, %arg13: memref<80x128xf32, #tpu.memory_space<vmem>>, %arg14: memref<!tpu.dma_semaphore, #tpu.memory_space<semaphore_mem>>, %arg15: memref<!tpu.dma_semaphore, #tpu.memory_space<semaphore_mem>>) attributes {dimension_semantics = [#tpu.dimension_semantics<core_parallel>, #tpu.dimension_semantics<subcore_parallel>], iteration_bounds = array<i64: 2, 16>, scalar_prefetch = 0 : i64, scratch_operands = 7 : i64, tpu.core_type = #tpu.core_type<sc_vector_subcore>, window_params = [{transform_indices = #map}, {transform_indices = #map}, {transform_indices = #map1}, {transform_indices = #map1}, {transform_indices = #map}, {transform_indices = #map}, {transform_indices = #map}]} {
    %mul3A = arith.constant 624 : i32
    %mul3A_0 = arith.muli %arg1, %mul3A : i32
    %eq3A = arith.constant 15 : i32
    %eq3A_1 = arith.cmpi eq, %arg1, %eq3A : i32
    "tpu.region"() ({
      %run_scoped3A = tpu.sem_alloc : memref<!tpu.dma_semaphore, #tpu.memory_space<semaphore_mem>>
      %dma_start3A = arith.constant 0 : i32
      %dma_start3A_13 = tpu.memref_slice %arg9[%mul3A_0, %dma_start3A] : memref<10000x128xf32, #tpu.memory_space<vmem_shared>> -> memref<624x128xf32, #tpu.memory_space<vmem_shared>>
      tpu.enqueue_dma source(%arg6 : memref<624x128xf32, #tpu.memory_space<hbm>>) target(%dma_start3A_13 : memref<624x128xf32, #tpu.memory_space<vmem_shared>>) target_semaphore(%run_scoped3A : memref<!tpu.dma_semaphore, #tpu.memory_space<semaphore_mem>>)
      %dma_wait3A = arith.constant 0 : i32
      %dma_wait3A_14 = tpu.memref_slice %arg9[%mul3A_0, %dma_wait3A] : memref<10000x128xf32, #tpu.memory_space<vmem_shared>> -> memref<624x128xf32, #tpu.memory_space<vmem_shared>>
      tpu.wait_dma2 semaphore(%run_scoped3A : memref<!tpu.dma_semaphore, #tpu.memory_space<semaphore_mem>>) src(%arg6 : memref<624x128xf32, #tpu.memory_space<hbm>>) dst(%dma_wait3A_14 : memref<624x128xf32, #tpu.memory_space<vmem_shared>>)
      tpu.yield
    }) : () -> ()
    %convert_element_type3A = arith.extui %eq3A_1 : i1 to i32
    %cond3A = arith.constant 0 : i32
    %cond3A_2 = arith.cmpi ne, %convert_element_type3A, %cond3A : i32
    scf.if %cond3A_2 {
      "tpu.region"() ({
        %run_scoped3A = tpu.sem_alloc : memref<!tpu.dma_semaphore, #tpu.memory_space<semaphore_mem>>
        %dma_start3A = arith.constant 9984 : i32
        %dma_start3A_13 = arith.constant 0 : i32
        %dma_start3A_14 = tpu.memref_slice %arg9[%dma_start3A, %dma_start3A_13] : memref<10000x128xf32, #tpu.memory_space<vmem_shared>> -> memref<16x128xf32, #tpu.memory_space<vmem_shared>>
        %dma_start3A_15 = arith.constant 0 : i32
        %dma_start3A_16 = arith.constant 0 : i32
        %dma_start3A_17 = tpu.memref_slice %arg6[%dma_start3A_15, %dma_start3A_16] : memref<624x128xf32, #tpu.memory_space<hbm>> -> memref<16x128xf32, #tpu.memory_space<hbm>>
        tpu.enqueue_dma source(%dma_start3A_17 : memref<16x128xf32, #tpu.memory_space<hbm>>) target(%dma_start3A_14 : memref<16x128xf32, #tpu.memory_space<vmem_shared>>) target_semaphore(%run_scoped3A : memref<!tpu.dma_semaphore, #tpu.memory_space<semaphore_mem>>)
        %dma_wait3A = arith.constant 9984 : i32
        %dma_wait3A_18 = arith.constant 0 : i32
        %dma_wait3A_19 = tpu.memref_slice %arg9[%dma_wait3A, %dma_wait3A_18] : memref<10000x128xf32, #tpu.memory_space<vmem_shared>> -> memref<16x128xf32, #tpu.memory_space<vmem_shared>>
        %dma_wait3A_20 = arith.constant 0 : i32
        %dma_wait3A_21 = arith.constant 0 : i32
        %dma_wait3A_22 = tpu.memref_slice %arg6[%dma_wait3A_20, %dma_wait3A_21] : memref<624x128xf32, #tpu.memory_space<hbm>> -> memref<16x128xf32, #tpu.memory_space<hbm>>
        tpu.wait_dma2 semaphore(%run_scoped3A : memref<!tpu.dma_semaphore, #tpu.memory_space<semaphore_mem>>) src(%dma_wait3A_22 : memref<16x128xf32, #tpu.memory_space<hbm>>) dst(%dma_wait3A_19 : memref<16x128xf32, #tpu.memory_space<vmem_shared>>)
        tpu.yield
      }) : () -> ()
    } else {
    }
    %eq3A_3 = arith.constant 0 : i32
    %eq3A_4 = arith.cmpi eq, %arg0, %eq3A_3 : i32
    %convert_element_type3A_5 = arith.extui %eq3A_4 : i1 to i32
    %cond3A_6 = arith.constant 0 : i32
    %cond3A_7 = arith.cmpi ne, %convert_element_type3A_5, %cond3A_6 : i32
    scf.if %cond3A_7 {
      %mul3A_13 = arith.constant 10000 : i32
      %mul3A_14 = arith.muli %arg1, %mul3A_13 : i32
      "tpu.region"() ({
        %run_scoped3A = tpu.sem_alloc : memref<!tpu.dma_semaphore, #tpu.memory_space<semaphore_mem>>
        %dma_start3A_32 = tpu.memref_slice %arg4[%mul3A_14] : memref<160000xi32, #tpu.memory_space<hbm>> -> memref<10000xi32, #tpu.memory_space<hbm>>
        %dma_start3A_33 = tpu.memref_slice %arg4[%mul3A_14] : memref<160000xi32, #tpu.memory_space<hbm>> -> memref<10000xi32, #tpu.memory_space<hbm>>
        tpu.enqueue_dma source(%dma_start3A_33 : memref<10000xi32, #tpu.memory_space<hbm>>) target(%arg10 : memref<10000xi32, #tpu.memory_space<vmem>>) target_semaphore(%run_scoped3A : memref<!tpu.dma_semaphore, #tpu.memory_space<semaphore_mem>>)
        %dma_wait3A_34 = tpu.memref_slice %arg4[%mul3A_14] : memref<160000xi32, #tpu.memory_space<hbm>> -> memref<10000xi32, #tpu.memory_space<hbm>>
        %dma_wait3A_35 = tpu.memref_slice %arg4[%mul3A_14] : memref<160000xi32, #tpu.memory_space<hbm>> -> memref<10000xi32, #tpu.memory_space<hbm>>
        tpu.wait_dma2 semaphore(%run_scoped3A : memref<!tpu.dma_semaphore, #tpu.memory_space<semaphore_mem>>) src(%dma_wait3A_35 : memref<10000xi32, #tpu.memory_space<hbm>>) dst(%arg10 : memref<10000xi32, #tpu.memory_space<vmem>>)
        tpu.yield
      }) : () -> ()
      "tpu.region"() ({
        %run_scoped3A = tpu.sem_alloc : memref<!tpu.dma_semaphore, #tpu.memory_space<semaphore_mem>>
        %dma_start3A_32 = tpu.memref_slice %arg5[%mul3A_14] : memref<160000xi32, #tpu.memory_space<hbm>> -> memref<10000xi32, #tpu.memory_space<hbm>>
        %dma_start3A_33 = tpu.memref_slice %arg5[%mul3A_14] : memref<160000xi32, #tpu.memory_space<hbm>> -> memref<10000xi32, #tpu.memory_space<hbm>>
        tpu.enqueue_dma source(%dma_start3A_33 : memref<10000xi32, #tpu.memory_space<hbm>>) target(%arg11 : memref<10000xi32, #tpu.memory_space<vmem>>) target_semaphore(%run_scoped3A : memref<!tpu.dma_semaphore, #tpu.memory_space<semaphore_mem>>)
        %dma_wait3A_34 = tpu.memref_slice %arg5[%mul3A_14] : memref<160000xi32, #tpu.memory_space<hbm>> -> memref<10000xi32, #tpu.memory_space<hbm>>
        %dma_wait3A_35 = tpu.memref_slice %arg5[%mul3A_14] : memref<160000xi32, #tpu.memory_space<hbm>> -> memref<10000xi32, #tpu.memory_space<hbm>>
        tpu.wait_dma2 semaphore(%run_scoped3A : memref<!tpu.dma_semaphore, #tpu.memory_space<semaphore_mem>>) src(%dma_wait3A_35 : memref<10000xi32, #tpu.memory_space<hbm>>) dst(%arg11 : memref<10000xi32, #tpu.memory_space<vmem>>)
        tpu.yield
      }) : () -> ()
      %barrier3A = arith.constant 0 : index
      tpu.barrier barrier_id(%barrier3A)
      %scan3A = arith.constant 0 : i32
      %scan3A_15 = arith.constant 0 : i32
      %scan3A_16 = arith.constant 62 : i32
      %scan3A_17 = arith.addi %scan3A_15, %scan3A_16 : i32
      %scan3A_18 = arith.constant 1 : i32
      scf.for %scan3A_32 = %scan3A_15 to %scan3A_17 step %scan3A_18  : i32 {
        %mul3A_33 = arith.constant 160 : i32
        %mul3A_34 = arith.muli %scan3A_32, %mul3A_33 : i32
        %add3A = arith.constant 80 : i32
        %add3A_35 = arith.addi %mul3A_34, %add3A : i32
        %dma_start3A_36 = tpu.memref_slice %arg10[%mul3A_34] : memref<10000xi32, #tpu.memory_space<vmem>> -> memref<80xi32, #tpu.memory_space<vmem>>
        %dma_start3A_37 = arith.constant 0 : i32
        %dma_start3A_38 = arith.constant 0 : i32
        %dma_start3A_39 = tpu.memref_slice %arg2[%dma_start3A_37, %dma_start3A_38] : memref<10000x128xf32, #tpu.memory_space<hbm>> -> memref<10000x128xf32, #tpu.memory_space<hbm>>
        tpu.enqueue_indirect_dma source(%dma_start3A_39 : memref<10000x128xf32, #tpu.memory_space<hbm>>) target(%arg12 : memref<80x128xf32, #tpu.memory_space<vmem>>) offsets(%dma_start3A_36 : memref<80xi32, #tpu.memory_space<vmem>>) semaphore(%arg14 : memref<!tpu.dma_semaphore, #tpu.memory_space<semaphore_mem>>)
        %dma_start3A_40 = tpu.memref_slice %arg10[%add3A_35] : memref<10000xi32, #tpu.memory_space<vmem>> -> memref<80xi32, #tpu.memory_space<vmem>>
        %dma_start3A_41 = arith.constant 0 : i32
        %dma_start3A_42 = arith.constant 0 : i32
        %dma_start3A_43 = tpu.memref_slice %arg2[%dma_start3A_41, %dma_start3A_42] : memref<10000x128xf32, #tpu.memory_space<hbm>> -> memref<10000x128xf32, #tpu.memory_space<hbm>>
        tpu.enqueue_indirect_dma source(%dma_start3A_43 : memref<10000x128xf32, #tpu.memory_space<hbm>>) target(%arg13 : memref<80x128xf32, #tpu.memory_space<vmem>>) offsets(%dma_start3A_40 : memref<80xi32, #tpu.memory_space<vmem>>) semaphore(%arg15 : memref<!tpu.dma_semaphore, #tpu.memory_space<semaphore_mem>>)
        %dma_wait3A_44 = tpu.memref_slice %arg10[%mul3A_34] : memref<10000xi32, #tpu.memory_space<vmem>> -> memref<80xi32, #tpu.memory_space<vmem>>
        %dma_wait3A_45 = arith.constant 0 : i32
        %dma_wait3A_46 = arith.constant 0 : i32
        %dma_wait3A_47 = tpu.memref_slice %arg2[%dma_wait3A_45, %dma_wait3A_46] : memref<10000x128xf32, #tpu.memory_space<hbm>> -> memref<10000x128xf32, #tpu.memory_space<hbm>>
        tpu.wait_indirect_dma semaphore(%arg14 : memref<!tpu.dma_semaphore, #tpu.memory_space<semaphore_mem>>) src(%dma_wait3A_47 : memref<10000x128xf32, #tpu.memory_space<hbm>>) dst(%arg12 : memref<80x128xf32, #tpu.memory_space<vmem>>)
        "tpu.region"() ({
          %run_scoped3A = tpu.sem_alloc : memref<!tpu.dma_semaphore, #tpu.memory_space<semaphore_mem>>
          %dma_start3A_52 = tpu.memref_slice %arg11[%mul3A_34] : memref<10000xi32, #tpu.memory_space<vmem>> -> memref<80xi32, #tpu.memory_space<vmem>>
          %dma_start3A_53 = arith.constant 0 : i32
          %dma_start3A_54 = arith.constant 0 : i32
          %dma_start3A_55 = tpu.memref_slice %arg9[%dma_start3A_53, %dma_start3A_54] : memref<10000x128xf32, #tpu.memory_space<vmem_shared>> -> memref<10000x128xf32, #tpu.memory_space<vmem_shared>>
          tpu.enqueue_indirect_dma source(%arg12 : memref<80x128xf32, #tpu.memory_space<vmem>>) target(%dma_start3A_55 : memref<10000x128xf32, #tpu.memory_space<vmem_shared>>) offsets(%dma_start3A_52 : memref<80xi32, #tpu.memory_space<vmem>>) semaphore(%run_scoped3A : memref<!tpu.dma_semaphore, #tpu.memory_space<semaphore_mem>>) {add = true}
          %dma_wait3A_56 = tpu.memref_slice %arg11[%mul3A_34] : memref<10000xi32, #tpu.memory_space<vmem>> -> memref<80xi32, #tpu.memory_space<vmem>>
          %dma_wait3A_57 = arith.constant 0 : i32
          %dma_wait3A_58 = arith.constant 0 : i32
          %dma_wait3A_59 = tpu.memref_slice %arg9[%dma_wait3A_57, %dma_wait3A_58] : memref<10000x128xf32, #tpu.memory_space<vmem_shared>> -> memref<10000x128xf32, #tpu.memory_space<vmem_shared>>
          tpu.wait_indirect_dma semaphore(%run_scoped3A : memref<!tpu.dma_semaphore, #tpu.memory_space<semaphore_mem>>) src(%arg12 : memref<80x128xf32, #tpu.memory_space<vmem>>) dst(%dma_wait3A_59 : memref<10000x128xf32, #tpu.memory_space<vmem_shared>>)
          tpu.yield
        }) : () -> ()
        %dma_wait3A_48 = tpu.memref_slice %arg10[%add3A_35] : memref<10000xi32, #tpu.memory_space<vmem>> -> memref<80xi32, #tpu.memory_space<vmem>>
        %dma_wait3A_49 = arith.constant 0 : i32
        %dma_wait3A_50 = arith.constant 0 : i32
        %dma_wait3A_51 = tpu.memref_slice %arg2[%dma_wait3A_49, %dma_wait3A_50] : memref<10000x128xf32, #tpu.memory_space<hbm>> -> memref<10000x128xf32, #tpu.memory_space<hbm>>
        tpu.wait_indirect_dma semaphore(%arg15 : memref<!tpu.dma_semaphore, #tpu.memory_space<semaphore_mem>>) src(%dma_wait3A_51 : memref<10000x128xf32, #tpu.memory_space<hbm>>) dst(%arg13 : memref<80x128xf32, #tpu.memory_space<vmem>>)
        "tpu.region"() ({
          %run_scoped3A = tpu.sem_alloc : memref<!tpu.dma_semaphore, #tpu.memory_space<semaphore_mem>>
          %dma_start3A_52 = tpu.memref_slice %arg11[%add3A_35] : memref<10000xi32, #tpu.memory_space<vmem>> -> memref<80xi32, #tpu.memory_space<vmem>>
          %dma_start3A_53 = arith.constant 0 : i32
          %dma_start3A_54 = arith.constant 0 : i32
          %dma_start3A_55 = tpu.memref_slice %arg9[%dma_start3A_53, %dma_start3A_54] : memref<10000x128xf32, #tpu.memory_space<vmem_shared>> -> memref<10000x128xf32, #tpu.memory_space<vmem_shared>>
          tpu.enqueue_indirect_dma source(%arg13 : memref<80x128xf32, #tpu.memory_space<vmem>>) target(%dma_start3A_55 : memref<10000x128xf32, #tpu.memory_space<vmem_shared>>) offsets(%dma_start3A_52 : memref<80xi32, #tpu.memory_space<vmem>>) semaphore(%run_scoped3A : memref<!tpu.dma_semaphore, #tpu.memory_space<semaphore_mem>>) {add = true}
          %dma_wait3A_56 = tpu.memref_slice %arg11[%add3A_35] : memref<10000xi32, #tpu.memory_space<vmem>> -> memref<80xi32, #tpu.memory_space<vmem>>
          %dma_wait3A_57 = arith.constant 0 : i32
          %dma_wait3A_58 = arith.constant 0 : i32
          %dma_wait3A_59 = tpu.memref_slice %arg9[%dma_wait3A_57, %dma_wait3A_58] : memref<10000x128xf32, #tpu.memory_space<vmem_shared>> -> memref<10000x128xf32, #tpu.memory_space<vmem_shared>>
          tpu.wait_indirect_dma semaphore(%run_scoped3A : memref<!tpu.dma_semaphore, #tpu.memory_space<semaphore_mem>>) src(%arg13 : memref<80x128xf32, #tpu.memory_space<vmem>>) dst(%dma_wait3A_59 : memref<10000x128xf32, #tpu.memory_space<vmem_shared>>)
          tpu.yield
        }) : () -> ()
      }
      %scan3A_19 = arith.constant 62 : i32
      %dma_start3A = arith.constant 9920 : i32
      %dma_start3A_20 = tpu.memref_slice %arg10[%dma_start3A] : memref<10000xi32, #tpu.memory_space<vmem>> -> memref<80xi32, #tpu.memory_space<vmem>>
      %dma_start3A_21 = arith.constant 0 : i32
      %dma_start3A_22 = arith.constant 0 : i32
      %dma_start3A_23 = tpu.memref_slice %arg2[%dma_start3A_21, %dma_start3A_22] : memref<10000x128xf32, #tpu.memory_space<hbm>> -> memref<10000x128xf32, #tpu.memory_space<hbm>>
      tpu.enqueue_indirect_dma source(%dma_start3A_23 : memref<10000x128xf32, #tpu.memory_space<hbm>>) target(%arg12 : memref<80x128xf32, #tpu.memory_space<vmem>>) offsets(%dma_start3A_20 : memref<80xi32, #tpu.memory_space<vmem>>) semaphore(%arg14 : memref<!tpu.dma_semaphore, #tpu.memory_space<semaphore_mem>>)
      %dma_wait3A = arith.constant 9920 : i32
      %dma_wait3A_24 = tpu.memref_slice %arg10[%dma_wait3A] : memref<10000xi32, #tpu.memory_space<vmem>> -> memref<80xi32, #tpu.memory_space<vmem>>
      %dma_wait3A_25 = arith.constant 0 : i32
      %dma_wait3A_26 = arith.constant 0 : i32
      %dma_wait3A_27 = tpu.memref_slice %arg2[%dma_wait3A_25, %dma_wait3A_26] : memref<10000x128xf32, #tpu.memory_space<hbm>> -> memref<10000x128xf32, #tpu.memory_space<hbm>>
      tpu.wait_indirect_dma semaphore(%arg14 : memref<!tpu.dma_semaphore, #tpu.memory_space<semaphore_mem>>) src(%dma_wait3A_27 : memref<10000x128xf32, #tpu.memory_space<hbm>>) dst(%arg12 : memref<80x128xf32, #tpu.memory_space<vmem>>)
      "tpu.region"() ({
        %run_scoped3A = tpu.sem_alloc : memref<!tpu.dma_semaphore, #tpu.memory_space<semaphore_mem>>
        %dma_start3A_32 = arith.constant 9920 : i32
        %dma_start3A_33 = tpu.memref_slice %arg11[%dma_start3A_32] : memref<10000xi32, #tpu.memory_space<vmem>> -> memref<80xi32, #tpu.memory_space<vmem>>
        %dma_start3A_34 = arith.constant 0 : i32
        %dma_start3A_35 = arith.constant 0 : i32
        %dma_start3A_36 = tpu.memref_slice %arg9[%dma_start3A_34, %dma_start3A_35] : memref<10000x128xf32, #tpu.memory_space<vmem_shared>> -> memref<10000x128xf32, #tpu.memory_space<vmem_shared>>
        tpu.enqueue_indirect_dma source(%arg12 : memref<80x128xf32, #tpu.memory_space<vmem>>) target(%dma_start3A_36 : memref<10000x128xf32, #tpu.memory_space<vmem_shared>>) offsets(%dma_start3A_33 : memref<80xi32, #tpu.memory_space<vmem>>) semaphore(%run_scoped3A : memref<!tpu.dma_semaphore, #tpu.memory_space<semaphore_mem>>) {add = true}
        %dma_wait3A_37 = arith.constant 9920 : i32
        %dma_wait3A_38 = tpu.memref_slice %arg11[%dma_wait3A_37] : memref<10000xi32, #tpu.memory_space<vmem>> -> memref<80xi32, #tpu.memory_space<vmem>>
        %dma_wait3A_39 = arith.constant 0 : i32
        %dma_wait3A_40 = arith.constant 0 : i32
        %dma_wait3A_41 = tpu.memref_slice %arg9[%dma_wait3A_39, %dma_wait3A_40] : memref<10000x128xf32, #tpu.memory_space<vmem_shared>> -> memref<10000x128xf32, #tpu.memory_space<vmem_shared>>
        tpu.wait_indirect_dma semaphore(%run_scoped3A : memref<!tpu.dma_semaphore, #tpu.memory_space<semaphore_mem>>) src(%arg12 : memref<80x128xf32, #tpu.memory_space<vmem>>) dst(%dma_wait3A_41 : memref<10000x128xf32, #tpu.memory_space<vmem_shared>>)
        tpu.yield
      }) : () -> ()
      %barrier3A_28 = arith.constant 0 : index
      tpu.barrier barrier_id(%barrier3A_28)
      "tpu.region"() ({
        %run_scoped3A = tpu.sem_alloc : memref<!tpu.dma_semaphore, #tpu.memory_space<semaphore_mem>>
        %dma_start3A_32 = arith.constant 0 : i32
        %dma_start3A_33 = tpu.memref_slice %arg7[%mul3A_0, %dma_start3A_32] : memref<10000x128xf32, #tpu.memory_space<hbm>> -> memref<624x128xf32, #tpu.memory_space<hbm>>
        %dma_start3A_34 = arith.constant 0 : i32
        %dma_start3A_35 = tpu.memref_slice %arg9[%mul3A_0, %dma_start3A_34] : memref<10000x128xf32, #tpu.memory_space<vmem_shared>> -> memref<624x128xf32, #tpu.memory_space<vmem_shared>>
        tpu.enqueue_dma source(%dma_start3A_35 : memref<624x128xf32, #tpu.memory_space<vmem_shared>>) target(%dma_start3A_33 : memref<624x128xf32, #tpu.memory_space<hbm>>) target_semaphore(%run_scoped3A : memref<!tpu.dma_semaphore, #tpu.memory_space<semaphore_mem>>)
        %dma_wait3A_36 = arith.constant 0 : i32
        %dma_wait3A_37 = tpu.memref_slice %arg7[%mul3A_0, %dma_wait3A_36] : memref<10000x128xf32, #tpu.memory_space<hbm>> -> memref<624x128xf32, #tpu.memory_space<hbm>>
        %dma_wait3A_38 = arith.constant 0 : i32
        %dma_wait3A_39 = tpu.memref_slice %arg9[%mul3A_0, %dma_wait3A_38] : memref<10000x128xf32, #tpu.memory_space<vmem_shared>> -> memref<624x128xf32, #tpu.memory_space<vmem_shared>>
        tpu.wait_dma2 semaphore(%run_scoped3A : memref<!tpu.dma_semaphore, #tpu.memory_space<semaphore_mem>>) src(%dma_wait3A_39 : memref<624x128xf32, #tpu.memory_space<vmem_shared>>) dst(%dma_wait3A_37 : memref<624x128xf32, #tpu.memory_space<hbm>>)
        tpu.yield
      }) : () -> ()
      %convert_element_type3A_29 = arith.extui %eq3A_1 : i1 to i32
      %cond3A_30 = arith.constant 0 : i32
      %cond3A_31 = arith.cmpi ne, %convert_element_type3A_29, %cond3A_30 : i32
      scf.if %cond3A_31 {
        "tpu.region"() ({
          %run_scoped3A = tpu.sem_alloc : memref<!tpu.dma_semaphore, #tpu.memory_space<semaphore_mem>>
          %dma_start3A_32 = arith.constant 9984 : i32
          %dma_start3A_33 = arith.constant 0 : i32
          %dma_start3A_34 = tpu.memref_slice %arg7[%dma_start3A_32, %dma_start3A_33] : memref<10000x128xf32, #tpu.memory_space<hbm>> -> memref<16x128xf32, #tpu.memory_space<hbm>>
          %dma_start3A_35 = arith.constant 9984 : i32
          %dma_start3A_36 = arith.constant 0 : i32
          %dma_start3A_37 = tpu.memref_slice %arg9[%dma_start3A_35, %dma_start3A_36] : memref<10000x128xf32, #tpu.memory_space<vmem_shared>> -> memref<16x128xf32, #tpu.memory_space<vmem_shared>>
          tpu.enqueue_dma source(%dma_start3A_37 : memref<16x128xf32, #tpu.memory_space<vmem_shared>>) target(%dma_start3A_34 : memref<16x128xf32, #tpu.memory_space<hbm>>) target_semaphore(%run_scoped3A : memref<!tpu.dma_semaphore, #tpu.memory_space<semaphore_mem>>)
          %dma_wait3A_38 = arith.constant 9984 : i32
          %dma_wait3A_39 = arith.constant 0 : i32
          %dma_wait3A_40 = tpu.memref_slice %arg7[%dma_wait3A_38, %dma_wait3A_39] : memref<10000x128xf32, #tpu.memory_space<hbm>> -> memref<16x128xf32, #tpu.memory_space<hbm>>
          %dma_wait3A_41 = arith.constant 9984 : i32
          %dma_wait3A_42 = arith.constant 0 : i32
          %dma_wait3A_43 = tpu.memref_slice %arg9[%dma_wait3A_41, %dma_wait3A_42] : memref<10000x128xf32, #tpu.memory_space<vmem_shared>> -> memref<16x128xf32, #tpu.memory_space<vmem_shared>>
          tpu.wait_dma2 semaphore(%run_scoped3A : memref<!tpu.dma_semaphore, #tpu.memory_space<semaphore_mem>>) src(%dma_wait3A_43 : memref<16x128xf32, #tpu.memory_space<vmem_shared>>) dst(%dma_wait3A_40 : memref<16x128xf32, #tpu.memory_space<hbm>>)
          tpu.yield
        }) : () -> ()
      } else {
      }
    } else {
    }
    %eq3A_8 = arith.constant 1 : i32
    %eq3A_9 = arith.cmpi eq, %arg0, %eq3A_8 : i32
    %convert_element_type3A_10 = arith.extui %eq3A_9 : i1 to i32
    %cond3A_11 = arith.constant 0 : i32
    %cond3A_12 = arith.cmpi ne, %convert_element_type3A_10, %cond3A_11 : i32
    scf.if %cond3A_12 {
      %mul3A_13 = arith.constant 10000 : i32
      %mul3A_14 = arith.muli %arg1, %mul3A_13 : i32
      "tpu.region"() ({
        %run_scoped3A = tpu.sem_alloc : memref<!tpu.dma_semaphore, #tpu.memory_space<semaphore_mem>>
        %dma_start3A_32 = tpu.memref_slice %arg4[%mul3A_14] : memref<160000xi32, #tpu.memory_space<hbm>> -> memref<10000xi32, #tpu.memory_space<hbm>>
        %dma_start3A_33 = tpu.memref_slice %arg4[%mul3A_14] : memref<160000xi32, #tpu.memory_space<hbm>> -> memref<10000xi32, #tpu.memory_space<hbm>>
        tpu.enqueue_dma source(%dma_start3A_33 : memref<10000xi32, #tpu.memory_space<hbm>>) target(%arg10 : memref<10000xi32, #tpu.memory_space<vmem>>) target_semaphore(%run_scoped3A : memref<!tpu.dma_semaphore, #tpu.memory_space<semaphore_mem>>)
        %dma_wait3A_34 = tpu.memref_slice %arg4[%mul3A_14] : memref<160000xi32, #tpu.memory_space<hbm>> -> memref<10000xi32, #tpu.memory_space<hbm>>
        %dma_wait3A_35 = tpu.memref_slice %arg4[%mul3A_14] : memref<160000xi32, #tpu.memory_space<hbm>> -> memref<10000xi32, #tpu.memory_space<hbm>>
        tpu.wait_dma2 semaphore(%run_scoped3A : memref<!tpu.dma_semaphore, #tpu.memory_space<semaphore_mem>>) src(%dma_wait3A_35 : memref<10000xi32, #tpu.memory_space<hbm>>) dst(%arg10 : memref<10000xi32, #tpu.memory_space<vmem>>)
        tpu.yield
      }) : () -> ()
      "tpu.region"() ({
        %run_scoped3A = tpu.sem_alloc : memref<!tpu.dma_semaphore, #tpu.memory_space<semaphore_mem>>
        %dma_start3A_32 = tpu.memref_slice %arg5[%mul3A_14] : memref<160000xi32, #tpu.memory_space<hbm>> -> memref<10000xi32, #tpu.memory_space<hbm>>
        %dma_start3A_33 = tpu.memref_slice %arg5[%mul3A_14] : memref<160000xi32, #tpu.memory_space<hbm>> -> memref<10000xi32, #tpu.memory_space<hbm>>
        tpu.enqueue_dma source(%dma_start3A_33 : memref<10000xi32, #tpu.memory_space<hbm>>) target(%arg11 : memref<10000xi32, #tpu.memory_space<vmem>>) target_semaphore(%run_scoped3A : memref<!tpu.dma_semaphore, #tpu.memory_space<semaphore_mem>>)
        %dma_wait3A_34 = tpu.memref_slice %arg5[%mul3A_14] : memref<160000xi32, #tpu.memory_space<hbm>> -> memref<10000xi32, #tpu.memory_space<hbm>>
        %dma_wait3A_35 = tpu.memref_slice %arg5[%mul3A_14] : memref<160000xi32, #tpu.memory_space<hbm>> -> memref<10000xi32, #tpu.memory_space<hbm>>
        tpu.wait_dma2 semaphore(%run_scoped3A : memref<!tpu.dma_semaphore, #tpu.memory_space<semaphore_mem>>) src(%dma_wait3A_35 : memref<10000xi32, #tpu.memory_space<hbm>>) dst(%arg11 : memref<10000xi32, #tpu.memory_space<vmem>>)
        tpu.yield
      }) : () -> ()
      %barrier3A = arith.constant 0 : index
      tpu.barrier barrier_id(%barrier3A)
      %scan3A = arith.constant 0 : i32
      %scan3A_15 = arith.constant 0 : i32
      %scan3A_16 = arith.constant 62 : i32
      %scan3A_17 = arith.addi %scan3A_15, %scan3A_16 : i32
      %scan3A_18 = arith.constant 1 : i32
      scf.for %scan3A_32 = %scan3A_15 to %scan3A_17 step %scan3A_18  : i32 {
        %mul3A_33 = arith.constant 160 : i32
        %mul3A_34 = arith.muli %scan3A_32, %mul3A_33 : i32
        %add3A = arith.constant 80 : i32
        %add3A_35 = arith.addi %mul3A_34, %add3A : i32
        %dma_start3A_36 = tpu.memref_slice %arg10[%mul3A_34] : memref<10000xi32, #tpu.memory_space<vmem>> -> memref<80xi32, #tpu.memory_space<vmem>>
        %dma_start3A_37 = arith.constant 0 : i32
        %dma_start3A_38 = arith.constant 0 : i32
        %dma_start3A_39 = tpu.memref_slice %arg3[%dma_start3A_37, %dma_start3A_38] : memref<10000x128xf32, #tpu.memory_space<hbm>> -> memref<10000x128xf32, #tpu.memory_space<hbm>>
        tpu.enqueue_indirect_dma source(%dma_start3A_39 : memref<10000x128xf32, #tpu.memory_space<hbm>>) target(%arg12 : memref<80x128xf32, #tpu.memory_space<vmem>>) offsets(%dma_start3A_36 : memref<80xi32, #tpu.memory_space<vmem>>) semaphore(%arg14 : memref<!tpu.dma_semaphore, #tpu.memory_space<semaphore_mem>>)
        %dma_start3A_40 = tpu.memref_slice %arg10[%add3A_35] : memref<10000xi32, #tpu.memory_space<vmem>> -> memref<80xi32, #tpu.memory_space<vmem>>
        %dma_start3A_41 = arith.constant 0 : i32
        %dma_start3A_42 = arith.constant 0 : i32
        %dma_start3A_43 = tpu.memref_slice %arg3[%dma_start3A_41, %dma_start3A_42] : memref<10000x128xf32, #tpu.memory_space<hbm>> -> memref<10000x128xf32, #tpu.memory_space<hbm>>
        tpu.enqueue_indirect_dma source(%dma_start3A_43 : memref<10000x128xf32, #tpu.memory_space<hbm>>) target(%arg13 : memref<80x128xf32, #tpu.memory_space<vmem>>) offsets(%dma_start3A_40 : memref<80xi32, #tpu.memory_space<vmem>>) semaphore(%arg15 : memref<!tpu.dma_semaphore, #tpu.memory_space<semaphore_mem>>)
        %dma_wait3A_44 = tpu.memref_slice %arg10[%mul3A_34] : memref<10000xi32, #tpu.memory_space<vmem>> -> memref<80xi32, #tpu.memory_space<vmem>>
        %dma_wait3A_45 = arith.constant 0 : i32
        %dma_wait3A_46 = arith.constant 0 : i32
        %dma_wait3A_47 = tpu.memref_slice %arg3[%dma_wait3A_45, %dma_wait3A_46] : memref<10000x128xf32, #tpu.memory_space<hbm>> -> memref<10000x128xf32, #tpu.memory_space<hbm>>
        tpu.wait_indirect_dma semaphore(%arg14 : memref<!tpu.dma_semaphore, #tpu.memory_space<semaphore_mem>>) src(%dma_wait3A_47 : memref<10000x128xf32, #tpu.memory_space<hbm>>) dst(%arg12 : memref<80x128xf32, #tpu.memory_space<vmem>>)
        "tpu.region"() ({
          %run_scoped3A = tpu.sem_alloc : memref<!tpu.dma_semaphore, #tpu.memory_space<semaphore_mem>>
          %dma_start3A_52 = tpu.memref_slice %arg11[%mul3A_34] : memref<10000xi32, #tpu.memory_space<vmem>> -> memref<80xi32, #tpu.memory_space<vmem>>
          %dma_start3A_53 = arith.constant 0 : i32
          %dma_start3A_54 = arith.constant 0 : i32
          %dma_start3A_55 = tpu.memref_slice %arg9[%dma_start3A_53, %dma_start3A_54] : memref<10000x128xf32, #tpu.memory_space<vmem_shared>> -> memref<10000x128xf32, #tpu.memory_space<vmem_shared>>
          tpu.enqueue_indirect_dma source(%arg12 : memref<80x128xf32, #tpu.memory_space<vmem>>) target(%dma_start3A_55 : memref<10000x128xf32, #tpu.memory_space<vmem_shared>>) offsets(%dma_start3A_52 : memref<80xi32, #tpu.memory_space<vmem>>) semaphore(%run_scoped3A : memref<!tpu.dma_semaphore, #tpu.memory_space<semaphore_mem>>) {add = true}
          %dma_wait3A_56 = tpu.memref_slice %arg11[%mul3A_34] : memref<10000xi32, #tpu.memory_space<vmem>> -> memref<80xi32, #tpu.memory_space<vmem>>
          %dma_wait3A_57 = arith.constant 0 : i32
          %dma_wait3A_58 = arith.constant 0 : i32
          %dma_wait3A_59 = tpu.memref_slice %arg9[%dma_wait3A_57, %dma_wait3A_58] : memref<10000x128xf32, #tpu.memory_space<vmem_shared>> -> memref<10000x128xf32, #tpu.memory_space<vmem_shared>>
          tpu.wait_indirect_dma semaphore(%run_scoped3A : memref<!tpu.dma_semaphore, #tpu.memory_space<semaphore_mem>>) src(%arg12 : memref<80x128xf32, #tpu.memory_space<vmem>>) dst(%dma_wait3A_59 : memref<10000x128xf32, #tpu.memory_space<vmem_shared>>)
          tpu.yield
        }) : () -> ()
        %dma_wait3A_48 = tpu.memref_slice %arg10[%add3A_35] : memref<10000xi32, #tpu.memory_space<vmem>> -> memref<80xi32, #tpu.memory_space<vmem>>
        %dma_wait3A_49 = arith.constant 0 : i32
        %dma_wait3A_50 = arith.constant 0 : i32
        %dma_wait3A_51 = tpu.memref_slice %arg3[%dma_wait3A_49, %dma_wait3A_50] : memref<10000x128xf32, #tpu.memory_space<hbm>> -> memref<10000x128xf32, #tpu.memory_space<hbm>>
        tpu.wait_indirect_dma semaphore(%arg15 : memref<!tpu.dma_semaphore, #tpu.memory_space<semaphore_mem>>) src(%dma_wait3A_51 : memref<10000x128xf32, #tpu.memory_space<hbm>>) dst(%arg13 : memref<80x128xf32, #tpu.memory_space<vmem>>)
        "tpu.region"() ({
          %run_scoped3A = tpu.sem_alloc : memref<!tpu.dma_semaphore, #tpu.memory_space<semaphore_mem>>
          %dma_start3A_52 = tpu.memref_slice %arg11[%add3A_35] : memref<10000xi32, #tpu.memory_space<vmem>> -> memref<80xi32, #tpu.memory_space<vmem>>
          %dma_start3A_53 = arith.constant 0 : i32
          %dma_start3A_54 = arith.constant 0 : i32
          %dma_start3A_55 = tpu.memref_slice %arg9[%dma_start3A_53, %dma_start3A_54] : memref<10000x128xf32, #tpu.memory_space<vmem_shared>> -> memref<10000x128xf32, #tpu.memory_space<vmem_shared>>
          tpu.enqueue_indirect_dma source(%arg13 : memref<80x128xf32, #tpu.memory_space<vmem>>) target(%dma_start3A_55 : memref<10000x128xf32, #tpu.memory_space<vmem_shared>>) offsets(%dma_start3A_52 : memref<80xi32, #tpu.memory_space<vmem>>) semaphore(%run_scoped3A : memref<!tpu.dma_semaphore, #tpu.memory_space<semaphore_mem>>) {add = true}
          %dma_wait3A_56 = tpu.memref_slice %arg11[%add3A_35] : memref<10000xi32, #tpu.memory_space<vmem>> -> memref<80xi32, #tpu.memory_space<vmem>>
          %dma_wait3A_57 = arith.constant 0 : i32
          %dma_wait3A_58 = arith.constant 0 : i32
          %dma_wait3A_59 = tpu.memref_slice %arg9[%dma_wait3A_57, %dma_wait3A_58] : memref<10000x128xf32, #tpu.memory_space<vmem_shared>> -> memref<10000x128xf32, #tpu.memory_space<vmem_shared>>
          tpu.wait_indirect_dma semaphore(%run_scoped3A : memref<!tpu.dma_semaphore, #tpu.memory_space<semaphore_mem>>) src(%arg13 : memref<80x128xf32, #tpu.memory_space<vmem>>) dst(%dma_wait3A_59 : memref<10000x128xf32, #tpu.memory_space<vmem_shared>>)
          tpu.yield
        }) : () -> ()
      }
      %scan3A_19 = arith.constant 62 : i32
      %dma_start3A = arith.constant 9920 : i32
      %dma_start3A_20 = tpu.memref_slice %arg10[%dma_start3A] : memref<10000xi32, #tpu.memory_space<vmem>> -> memref<80xi32, #tpu.memory_space<vmem>>
      %dma_start3A_21 = arith.constant 0 : i32
      %dma_start3A_22 = arith.constant 0 : i32
      %dma_start3A_23 = tpu.memref_slice %arg3[%dma_start3A_21, %dma_start3A_22] : memref<10000x128xf32, #tpu.memory_space<hbm>> -> memref<10000x128xf32, #tpu.memory_space<hbm>>
      tpu.enqueue_indirect_dma source(%dma_start3A_23 : memref<10000x128xf32, #tpu.memory_space<hbm>>) target(%arg12 : memref<80x128xf32, #tpu.memory_space<vmem>>) offsets(%dma_start3A_20 : memref<80xi32, #tpu.memory_space<vmem>>) semaphore(%arg14 : memref<!tpu.dma_semaphore, #tpu.memory_space<semaphore_mem>>)
      %dma_wait3A = arith.constant 9920 : i32
      %dma_wait3A_24 = tpu.memref_slice %arg10[%dma_wait3A] : memref<10000xi32, #tpu.memory_space<vmem>> -> memref<80xi32, #tpu.memory_space<vmem>>
      %dma_wait3A_25 = arith.constant 0 : i32
      %dma_wait3A_26 = arith.constant 0 : i32
      %dma_wait3A_27 = tpu.memref_slice %arg3[%dma_wait3A_25, %dma_wait3A_26] : memref<10000x128xf32, #tpu.memory_space<hbm>> -> memref<10000x128xf32, #tpu.memory_space<hbm>>
      tpu.wait_indirect_dma semaphore(%arg14 : memref<!tpu.dma_semaphore, #tpu.memory_space<semaphore_mem>>) src(%dma_wait3A_27 : memref<10000x128xf32, #tpu.memory_space<hbm>>) dst(%arg12 : memref<80x128xf32, #tpu.memory_space<vmem>>)
      "tpu.region"() ({
        %run_scoped3A = tpu.sem_alloc : memref<!tpu.dma_semaphore, #tpu.memory_space<semaphore_mem>>
        %dma_start3A_32 = arith.constant 9920 : i32
        %dma_start3A_33 = tpu.memref_slice %arg11[%dma_start3A_32] : memref<10000xi32, #tpu.memory_space<vmem>> -> memref<80xi32, #tpu.memory_space<vmem>>
        %dma_start3A_34 = arith.constant 0 : i32
        %dma_start3A_35 = arith.constant 0 : i32
        %dma_start3A_36 = tpu.memref_slice %arg9[%dma_start3A_34, %dma_start3A_35] : memref<10000x128xf32, #tpu.memory_space<vmem_shared>> -> memref<10000x128xf32, #tpu.memory_space<vmem_shared>>
        tpu.enqueue_indirect_dma source(%arg12 : memref<80x128xf32, #tpu.memory_space<vmem>>) target(%dma_start3A_36 : memref<10000x128xf32, #tpu.memory_space<vmem_shared>>) offsets(%dma_start3A_33 : memref<80xi32, #tpu.memory_space<vmem>>) semaphore(%run_scoped3A : memref<!tpu.dma_semaphore, #tpu.memory_space<semaphore_mem>>) {add = true}
        %dma_wait3A_37 = arith.constant 9920 : i32
        %dma_wait3A_38 = tpu.memref_slice %arg11[%dma_wait3A_37] : memref<10000xi32, #tpu.memory_space<vmem>> -> memref<80xi32, #tpu.memory_space<vmem>>
        %dma_wait3A_39 = arith.constant 0 : i32
        %dma_wait3A_40 = arith.constant 0 : i32
        %dma_wait3A_41 = tpu.memref_slice %arg9[%dma_wait3A_39, %dma_wait3A_40] : memref<10000x128xf32, #tpu.memory_space<vmem_shared>> -> memref<10000x128xf32, #tpu.memory_space<vmem_shared>>
        tpu.wait_indirect_dma semaphore(%run_scoped3A : memref<!tpu.dma_semaphore, #tpu.memory_space<semaphore_mem>>) src(%arg12 : memref<80x128xf32, #tpu.memory_space<vmem>>) dst(%dma_wait3A_41 : memref<10000x128xf32, #tpu.memory_space<vmem_shared>>)
        tpu.yield
      }) : () -> ()
      %barrier3A_28 = arith.constant 0 : index
      tpu.barrier barrier_id(%barrier3A_28)
      "tpu.region"() ({
        %run_scoped3A = tpu.sem_alloc : memref<!tpu.dma_semaphore, #tpu.memory_space<semaphore_mem>>
        %dma_start3A_32 = arith.constant 0 : i32
        %dma_start3A_33 = tpu.memref_slice %arg8[%mul3A_0, %dma_start3A_32] : memref<10000x128xf32, #tpu.memory_space<hbm>> -> memref<624x128xf32, #tpu.memory_space<hbm>>
        %dma_start3A_34 = arith.constant 0 : i32
        %dma_start3A_35 = tpu.memref_slice %arg9[%mul3A_0, %dma_start3A_34] : memref<10000x128xf32, #tpu.memory_space<vmem_shared>> -> memref<624x128xf32, #tpu.memory_space<vmem_shared>>
        tpu.enqueue_dma source(%dma_start3A_35 : memref<624x128xf32, #tpu.memory_space<vmem_shared>>) target(%dma_start3A_33 : memref<624x128xf32, #tpu.memory_space<hbm>>) target_semaphore(%run_scoped3A : memref<!tpu.dma_semaphore, #tpu.memory_space<semaphore_mem>>)
        %dma_wait3A_36 = arith.constant 0 : i32
        %dma_wait3A_37 = tpu.memref_slice %arg8[%mul3A_0, %dma_wait3A_36] : memref<10000x128xf32, #tpu.memory_space<hbm>> -> memref<624x128xf32, #tpu.memory_space<hbm>>
        %dma_wait3A_38 = arith.constant 0 : i32
        %dma_wait3A_39 = tpu.memref_slice %arg9[%mul3A_0, %dma_wait3A_38] : memref<10000x128xf32, #tpu.memory_space<vmem_shared>> -> memref<624x128xf32, #tpu.memory_space<vmem_shared>>
        tpu.wait_dma2 semaphore(%run_scoped3A : memref<!tpu.dma_semaphore, #tpu.memory_space<semaphore_mem>>) src(%dma_wait3A_39 : memref<624x128xf32, #tpu.memory_space<vmem_shared>>) dst(%dma_wait3A_37 : memref<624x128xf32, #tpu.memory_space<hbm>>)
        tpu.yield
      }) : () -> ()
      %convert_element_type3A_29 = arith.extui %eq3A_1 : i1 to i32
      %cond3A_30 = arith.constant 0 : i32
      %cond3A_31 = arith.cmpi ne, %convert_element_type3A_29, %cond3A_30 : i32
      scf.if %cond3A_31 {
        "tpu.region"() ({
          %run_scoped3A = tpu.sem_alloc : memref<!tpu.dma_semaphore, #tpu.memory_space<semaphore_mem>>
          %dma_start3A_32 = arith.constant 9984 : i32
          %dma_start3A_33 = arith.constant 0 : i32
          %dma_start3A_34 = tpu.memref_slice %arg8[%dma_start3A_32, %dma_start3A_33] : memref<10000x128xf32, #tpu.memory_space<hbm>> -> memref<16x128xf32, #tpu.memory_space<hbm>>
          %dma_start3A_35 = arith.constant 9984 : i32
          %dma_start3A_36 = arith.constant 0 : i32
          %dma_start3A_37 = tpu.memref_slice %arg9[%dma_start3A_35, %dma_start3A_36] : memref<10000x128xf32, #tpu.memory_space<vmem_shared>> -> memref<16x128xf32, #tpu.memory_space<vmem_shared>>
          tpu.enqueue_dma source(%dma_start3A_37 : memref<16x128xf32, #tpu.memory_space<vmem_shared>>) target(%dma_start3A_34 : memref<16x128xf32, #tpu.memory_space<hbm>>) target_semaphore(%run_scoped3A : memref<!tpu.dma_semaphore, #tpu.memory_space<semaphore_mem>>)
          %dma_wait3A_38 = arith.constant 9984 : i32
          %dma_wait3A_39 = arith.constant 0 : i32
          %dma_wait3A_40 = tpu.memref_slice %arg8[%dma_wait3A_38, %dma_wait3A_39] : memref<10000x128xf32, #tpu.memory_space<hbm>> -> memref<16x128xf32, #tpu.memory_space<hbm>>
          %dma_wait3A_41 = arith.constant 9984 : i32
          %dma_wait3A_42 = arith.constant 0 : i32
          %dma_wait3A_43 = tpu.memref_slice %arg9[%dma_wait3A_41, %dma_wait3A_42] : memref<10000x128xf32, #tpu.memory_space<vmem_shared>> -> memref<16x128xf32, #tpu.memory_space<vmem_shared>>
          tpu.wait_dma2 semaphore(%run_scoped3A : memref<!tpu.dma_semaphore, #tpu.memory_space<semaphore_mem>>) src(%dma_wait3A_43 : memref<16x128xf32, #tpu.memory_space<vmem_shared>>) dst(%dma_wait3A_40 : memref<16x128xf32, #tpu.memory_space<hbm>>)
          tpu.yield
        }) : () -> ()
      } else {
      }
    } else {
    }
    return
  }
}

#map = affine_map<(d0, d1) -> (0, 0)>
#map1 = affine_map<(d0, d1) -> (0)>
module attributes {stable_mosaic.version = 14 : i64} {
  func.func @k(%arg0: i32, %arg1: i32, %arg2: memref<10000x128xf32, #tpu.memory_space<hbm>>, %arg3: memref<10000x128xf32, #tpu.memory_space<hbm>>, %arg4: memref<160000xi32, #tpu.memory_space<hbm>>, %arg5: memref<160000xi32, #tpu.memory_space<hbm>>, %arg6: memref<624x128xf32, #tpu.memory_space<hbm>>, %arg7: memref<10000x128xf32, #tpu.memory_space<hbm>>, %arg8: memref<10000x128xf32, #tpu.memory_space<hbm>>, %arg9: memref<10000x128xf32, #tpu.memory_space<vmem_shared>>, %arg10: memref<10000xi32, #tpu.memory_space<vmem>>, %arg11: memref<10000xi32, #tpu.memory_space<vmem>>, %arg12: memref<80x128xf32, #tpu.memory_space<vmem>>, %arg13: memref<80x128xf32, #tpu.memory_space<vmem>>, %arg14: memref<!tpu.dma_semaphore, #tpu.memory_space<semaphore_mem>>, %arg15: memref<!tpu.dma_semaphore, #tpu.memory_space<semaphore_mem>>) attributes {dimension_semantics = [#tpu.dimension_semantics<core_parallel>, #tpu.dimension_semantics<subcore_parallel>], iteration_bounds = array<i64: 2, 16>, scalar_prefetch = 0 : i64, scratch_operands = 7 : i64, tpu.core_type = #tpu.core_type<sc_vector_subcore>, window_params = [{transform_indices = #map}, {transform_indices = #map}, {transform_indices = #map1}, {transform_indices = #map1}, {transform_indices = #map}, {transform_indices = #map}, {transform_indices = #map}]} {
    %mul3A = arith.constant 624 : i32
    %mul3A_0 = arith.muli %arg1, %mul3A : i32
    %eq3A = arith.constant 15 : i32
    %eq3A_1 = arith.cmpi eq, %arg1, %eq3A : i32
    "tpu.region"() ({
      %run_scoped3A = tpu.sem_alloc : memref<!tpu.dma_semaphore, #tpu.memory_space<semaphore_mem>>
      %dma_start3A = arith.constant 0 : i32
      %dma_start3A_13 = tpu.memref_slice %arg9[%mul3A_0, %dma_start3A] : memref<10000x128xf32, #tpu.memory_space<vmem_shared>> -> memref<624x128xf32, #tpu.memory_space<vmem_shared>>
      tpu.enqueue_dma source(%arg6 : memref<624x128xf32, #tpu.memory_space<hbm>>) target(%dma_start3A_13 : memref<624x128xf32, #tpu.memory_space<vmem_shared>>) target_semaphore(%run_scoped3A : memref<!tpu.dma_semaphore, #tpu.memory_space<semaphore_mem>>)
      %dma_wait3A = arith.constant 0 : i32
      %dma_wait3A_14 = tpu.memref_slice %arg9[%mul3A_0, %dma_wait3A] : memref<10000x128xf32, #tpu.memory_space<vmem_shared>> -> memref<624x128xf32, #tpu.memory_space<vmem_shared>>
      tpu.wait_dma2 semaphore(%run_scoped3A : memref<!tpu.dma_semaphore, #tpu.memory_space<semaphore_mem>>) src(%arg6 : memref<624x128xf32, #tpu.memory_space<hbm>>) dst(%dma_wait3A_14 : memref<624x128xf32, #tpu.memory_space<vmem_shared>>)
      tpu.yield
    }) : () -> ()
    %convert_element_type3A = arith.extui %eq3A_1 : i1 to i32
    %cond3A = arith.constant 0 : i32
    %cond3A_2 = arith.cmpi ne, %convert_element_type3A, %cond3A : i32
    scf.if %cond3A_2 {
      "tpu.region"() ({
        %run_scoped3A = tpu.sem_alloc : memref<!tpu.dma_semaphore, #tpu.memory_space<semaphore_mem>>
        %dma_start3A = arith.constant 9984 : i32
        %dma_start3A_13 = arith.constant 0 : i32
        %dma_start3A_14 = tpu.memref_slice %arg9[%dma_start3A, %dma_start3A_13] : memref<10000x128xf32, #tpu.memory_space<vmem_shared>> -> memref<16x128xf32, #tpu.memory_space<vmem_shared>>
        %dma_start3A_15 = arith.constant 0 : i32
        %dma_start3A_16 = arith.constant 0 : i32
        %dma_start3A_17 = tpu.memref_slice %arg6[%dma_start3A_15, %dma_start3A_16] : memref<624x128xf32, #tpu.memory_space<hbm>> -> memref<16x128xf32, #tpu.memory_space<hbm>>
        tpu.enqueue_dma source(%dma_start3A_17 : memref<16x128xf32, #tpu.memory_space<hbm>>) target(%dma_start3A_14 : memref<16x128xf32, #tpu.memory_space<vmem_shared>>) target_semaphore(%run_scoped3A : memref<!tpu.dma_semaphore, #tpu.memory_space<semaphore_mem>>)
        %dma_wait3A = arith.constant 9984 : i32
        %dma_wait3A_18 = arith.constant 0 : i32
        %dma_wait3A_19 = tpu.memref_slice %arg9[%dma_wait3A, %dma_wait3A_18] : memref<10000x128xf32, #tpu.memory_space<vmem_shared>> -> memref<16x128xf32, #tpu.memory_space<vmem_shared>>
        %dma_wait3A_20 = arith.constant 0 : i32
        %dma_wait3A_21 = arith.constant 0 : i32
        %dma_wait3A_22 = tpu.memref_slice %arg6[%dma_wait3A_20, %dma_wait3A_21] : memref<624x128xf32, #tpu.memory_space<hbm>> -> memref<16x128xf32, #tpu.memory_space<hbm>>
        tpu.wait_dma2 semaphore(%run_scoped3A : memref<!tpu.dma_semaphore, #tpu.memory_space<semaphore_mem>>) src(%dma_wait3A_22 : memref<16x128xf32, #tpu.memory_space<hbm>>) dst(%dma_wait3A_19 : memref<16x128xf32, #tpu.memory_space<vmem_shared>>)
        tpu.yield
      }) : () -> ()
    } else {
    }
    %eq3A_3 = arith.constant 0 : i32
    %eq3A_4 = arith.cmpi eq, %arg0, %eq3A_3 : i32
    %convert_element_type3A_5 = arith.extui %eq3A_4 : i1 to i32
    %cond3A_6 = arith.constant 0 : i32
    %cond3A_7 = arith.cmpi ne, %convert_element_type3A_5, %cond3A_6 : i32
    scf.if %cond3A_7 {
      %mul3A_13 = arith.constant 10000 : i32
      %mul3A_14 = arith.muli %arg1, %mul3A_13 : i32
      "tpu.region"() ({
        %run_scoped3A = tpu.sem_alloc : memref<!tpu.dma_semaphore, #tpu.memory_space<semaphore_mem>>
        %dma_start3A_32 = tpu.memref_slice %arg4[%mul3A_14] : memref<160000xi32, #tpu.memory_space<hbm>> -> memref<10000xi32, #tpu.memory_space<hbm>>
        %dma_start3A_33 = tpu.memref_slice %arg4[%mul3A_14] : memref<160000xi32, #tpu.memory_space<hbm>> -> memref<10000xi32, #tpu.memory_space<hbm>>
        tpu.enqueue_dma source(%dma_start3A_33 : memref<10000xi32, #tpu.memory_space<hbm>>) target(%arg10 : memref<10000xi32, #tpu.memory_space<vmem>>) target_semaphore(%run_scoped3A : memref<!tpu.dma_semaphore, #tpu.memory_space<semaphore_mem>>)
        %dma_wait3A_34 = tpu.memref_slice %arg4[%mul3A_14] : memref<160000xi32, #tpu.memory_space<hbm>> -> memref<10000xi32, #tpu.memory_space<hbm>>
        %dma_wait3A_35 = tpu.memref_slice %arg4[%mul3A_14] : memref<160000xi32, #tpu.memory_space<hbm>> -> memref<10000xi32, #tpu.memory_space<hbm>>
        tpu.wait_dma2 semaphore(%run_scoped3A : memref<!tpu.dma_semaphore, #tpu.memory_space<semaphore_mem>>) src(%dma_wait3A_35 : memref<10000xi32, #tpu.memory_space<hbm>>) dst(%arg10 : memref<10000xi32, #tpu.memory_space<vmem>>)
        tpu.yield
      }) : () -> ()
      "tpu.region"() ({
        %run_scoped3A = tpu.sem_alloc : memref<!tpu.dma_semaphore, #tpu.memory_space<semaphore_mem>>
        %dma_start3A_32 = tpu.memref_slice %arg5[%mul3A_14] : memref<160000xi32, #tpu.memory_space<hbm>> -> memref<10000xi32, #tpu.memory_space<hbm>>
        %dma_start3A_33 = tpu.memref_slice %arg5[%mul3A_14] : memref<160000xi32, #tpu.memory_space<hbm>> -> memref<10000xi32, #tpu.memory_space<hbm>>
        tpu.enqueue_dma source(%dma_start3A_33 : memref<10000xi32, #tpu.memory_space<hbm>>) target(%arg11 : memref<10000xi32, #tpu.memory_space<vmem>>) target_semaphore(%run_scoped3A : memref<!tpu.dma_semaphore, #tpu.memory_space<semaphore_mem>>)
        %dma_wait3A_34 = tpu.memref_slice %arg5[%mul3A_14] : memref<160000xi32, #tpu.memory_space<hbm>> -> memref<10000xi32, #tpu.memory_space<hbm>>
        %dma_wait3A_35 = tpu.memref_slice %arg5[%mul3A_14] : memref<160000xi32, #tpu.memory_space<hbm>> -> memref<10000xi32, #tpu.memory_space<hbm>>
        tpu.wait_dma2 semaphore(%run_scoped3A : memref<!tpu.dma_semaphore, #tpu.memory_space<semaphore_mem>>) src(%dma_wait3A_35 : memref<10000xi32, #tpu.memory_space<hbm>>) dst(%arg11 : memref<10000xi32, #tpu.memory_space<vmem>>)
        tpu.yield
      }) : () -> ()
      %barrier3A = arith.constant 0 : index
      tpu.barrier barrier_id(%barrier3A)
      %scan3A = arith.constant 0 : i32
      %scan3A_15 = arith.constant 0 : i32
      %scan3A_16 = arith.constant 62 : i32
      %scan3A_17 = arith.addi %scan3A_15, %scan3A_16 : i32
      %scan3A_18 = arith.constant 1 : i32
      scf.for %scan3A_32 = %scan3A_15 to %scan3A_17 step %scan3A_18  : i32 {
        %mul3A_33 = arith.constant 160 : i32
        %mul3A_34 = arith.muli %scan3A_32, %mul3A_33 : i32
        %add3A = arith.constant 80 : i32
        %add3A_35 = arith.addi %mul3A_34, %add3A : i32
        %dma_start3A_36 = tpu.memref_slice %arg10[%mul3A_34] : memref<10000xi32, #tpu.memory_space<vmem>> -> memref<80xi32, #tpu.memory_space<vmem>>
        %dma_start3A_37 = arith.constant 0 : i32
        %dma_start3A_38 = arith.constant 0 : i32
        %dma_start3A_39 = tpu.memref_slice %arg2[%dma_start3A_37, %dma_start3A_38] : memref<10000x128xf32, #tpu.memory_space<hbm>> -> memref<10000x128xf32, #tpu.memory_space<hbm>>
        tpu.enqueue_indirect_dma source(%dma_start3A_39 : memref<10000x128xf32, #tpu.memory_space<hbm>>) target(%arg12 : memref<80x128xf32, #tpu.memory_space<vmem>>) offsets(%dma_start3A_36 : memref<80xi32, #tpu.memory_space<vmem>>) semaphore(%arg14 : memref<!tpu.dma_semaphore, #tpu.memory_space<semaphore_mem>>)
        %dma_start3A_40 = tpu.memref_slice %arg10[%add3A_35] : memref<10000xi32, #tpu.memory_space<vmem>> -> memref<80xi32, #tpu.memory_space<vmem>>
        %dma_start3A_41 = arith.constant 0 : i32
        %dma_start3A_42 = arith.constant 0 : i32
        %dma_start3A_43 = tpu.memref_slice %arg2[%dma_start3A_41, %dma_start3A_42] : memref<10000x128xf32, #tpu.memory_space<hbm>> -> memref<10000x128xf32, #tpu.memory_space<hbm>>
        tpu.enqueue_indirect_dma source(%dma_start3A_43 : memref<10000x128xf32, #tpu.memory_space<hbm>>) target(%arg13 : memref<80x128xf32, #tpu.memory_space<vmem>>) offsets(%dma_start3A_40 : memref<80xi32, #tpu.memory_space<vmem>>) semaphore(%arg15 : memref<!tpu.dma_semaphore, #tpu.memory_space<semaphore_mem>>)
        %dma_wait3A_44 = tpu.memref_slice %arg10[%mul3A_34] : memref<10000xi32, #tpu.memory_space<vmem>> -> memref<80xi32, #tpu.memory_space<vmem>>
        %dma_wait3A_45 = arith.constant 0 : i32
        %dma_wait3A_46 = arith.constant 0 : i32
        %dma_wait3A_47 = tpu.memref_slice %arg2[%dma_wait3A_45, %dma_wait3A_46] : memref<10000x128xf32, #tpu.memory_space<hbm>> -> memref<10000x128xf32, #tpu.memory_space<hbm>>
        tpu.wait_indirect_dma semaphore(%arg14 : memref<!tpu.dma_semaphore, #tpu.memory_space<semaphore_mem>>) src(%dma_wait3A_47 : memref<10000x128xf32, #tpu.memory_space<hbm>>) dst(%arg12 : memref<80x128xf32, #tpu.memory_space<vmem>>)
        "tpu.region"() ({
          %run_scoped3A = tpu.sem_alloc : memref<!tpu.dma_semaphore, #tpu.memory_space<semaphore_mem>>
          %dma_start3A_52 = tpu.memref_slice %arg11[%mul3A_34] : memref<10000xi32, #tpu.memory_space<vmem>> -> memref<80xi32, #tpu.memory_space<vmem>>
          %dma_start3A_53 = arith.constant 0 : i32
          %dma_start3A_54 = arith.constant 0 : i32
          %dma_start3A_55 = tpu.memref_slice %arg9[%dma_start3A_53, %dma_start3A_54] : memref<10000x128xf32, #tpu.memory_space<vmem_shared>> -> memref<10000x128xf32, #tpu.memory_space<vmem_shared>>
          tpu.enqueue_indirect_dma source(%arg12 : memref<80x128xf32, #tpu.memory_space<vmem>>) target(%dma_start3A_55 : memref<10000x128xf32, #tpu.memory_space<vmem_shared>>) offsets(%dma_start3A_52 : memref<80xi32, #tpu.memory_space<vmem>>) semaphore(%run_scoped3A : memref<!tpu.dma_semaphore, #tpu.memory_space<semaphore_mem>>) {add = true}
          %dma_wait3A_56 = tpu.memref_slice %arg11[%mul3A_34] : memref<10000xi32, #tpu.memory_space<vmem>> -> memref<80xi32, #tpu.memory_space<vmem>>
          %dma_wait3A_57 = arith.constant 0 : i32
          %dma_wait3A_58 = arith.constant 0 : i32
          %dma_wait3A_59 = tpu.memref_slice %arg9[%dma_wait3A_57, %dma_wait3A_58] : memref<10000x128xf32, #tpu.memory_space<vmem_shared>> -> memref<10000x128xf32, #tpu.memory_space<vmem_shared>>
          tpu.wait_indirect_dma semaphore(%run_scoped3A : memref<!tpu.dma_semaphore, #tpu.memory_space<semaphore_mem>>) src(%arg12 : memref<80x128xf32, #tpu.memory_space<vmem>>) dst(%dma_wait3A_59 : memref<10000x128xf32, #tpu.memory_space<vmem_shared>>)
          tpu.yield
        }) : () -> ()
        %dma_wait3A_48 = tpu.memref_slice %arg10[%add3A_35] : memref<10000xi32, #tpu.memory_space<vmem>> -> memref<80xi32, #tpu.memory_space<vmem>>
        %dma_wait3A_49 = arith.constant 0 : i32
        %dma_wait3A_50 = arith.constant 0 : i32
        %dma_wait3A_51 = tpu.memref_slice %arg2[%dma_wait3A_49, %dma_wait3A_50] : memref<10000x128xf32, #tpu.memory_space<hbm>> -> memref<10000x128xf32, #tpu.memory_space<hbm>>
        tpu.wait_indirect_dma semaphore(%arg15 : memref<!tpu.dma_semaphore, #tpu.memory_space<semaphore_mem>>) src(%dma_wait3A_51 : memref<10000x128xf32, #tpu.memory_space<hbm>>) dst(%arg13 : memref<80x128xf32, #tpu.memory_space<vmem>>)
        "tpu.region"() ({
          %run_scoped3A = tpu.sem_alloc : memref<!tpu.dma_semaphore, #tpu.memory_space<semaphore_mem>>
          %dma_start3A_52 = tpu.memref_slice %arg11[%add3A_35] : memref<10000xi32, #tpu.memory_space<vmem>> -> memref<80xi32, #tpu.memory_space<vmem>>
          %dma_start3A_53 = arith.constant 0 : i32
          %dma_start3A_54 = arith.constant 0 : i32
          %dma_start3A_55 = tpu.memref_slice %arg9[%dma_start3A_53, %dma_start3A_54] : memref<10000x128xf32, #tpu.memory_space<vmem_shared>> -> memref<10000x128xf32, #tpu.memory_space<vmem_shared>>
          tpu.enqueue_indirect_dma source(%arg13 : memref<80x128xf32, #tpu.memory_space<vmem>>) target(%dma_start3A_55 : memref<10000x128xf32, #tpu.memory_space<vmem_shared>>) offsets(%dma_start3A_52 : memref<80xi32, #tpu.memory_space<vmem>>) semaphore(%run_scoped3A : memref<!tpu.dma_semaphore, #tpu.memory_space<semaphore_mem>>) {add = true}
          %dma_wait3A_56 = tpu.memref_slice %arg11[%add3A_35] : memref<10000xi32, #tpu.memory_space<vmem>> -> memref<80xi32, #tpu.memory_space<vmem>>
          %dma_wait3A_57 = arith.constant 0 : i32
          %dma_wait3A_58 = arith.constant 0 : i32
          %dma_wait3A_59 = tpu.memref_slice %arg9[%dma_wait3A_57, %dma_wait3A_58] : memref<10000x128xf32, #tpu.memory_space<vmem_shared>> -> memref<10000x128xf32, #tpu.memory_space<vmem_shared>>
          tpu.wait_indirect_dma semaphore(%run_scoped3A : memref<!tpu.dma_semaphore, #tpu.memory_space<semaphore_mem>>) src(%arg13 : memref<80x128xf32, #tpu.memory_space<vmem>>) dst(%dma_wait3A_59 : memref<10000x128xf32, #tpu.memory_space<vmem_shared>>)
          tpu.yield
        }) : () -> ()
      }
      %scan3A_19 = arith.constant 62 : i32
      %dma_start3A = arith.constant 9920 : i32
      %dma_start3A_20 = tpu.memref_slice %arg10[%dma_start3A] : memref<10000xi32, #tpu.memory_space<vmem>> -> memref<80xi32, #tpu.memory_space<vmem>>
      %dma_start3A_21 = arith.constant 0 : i32
      %dma_start3A_22 = arith.constant 0 : i32
      %dma_start3A_23 = tpu.memref_slice %arg2[%dma_start3A_21, %dma_start3A_22] : memref<10000x128xf32, #tpu.memory_space<hbm>> -> memref<10000x128xf32, #tpu.memory_space<hbm>>
      tpu.enqueue_indirect_dma source(%dma_start3A_23 : memref<10000x128xf32, #tpu.memory_space<hbm>>) target(%arg12 : memref<80x128xf32, #tpu.memory_space<vmem>>) offsets(%dma_start3A_20 : memref<80xi32, #tpu.memory_space<vmem>>) semaphore(%arg14 : memref<!tpu.dma_semaphore, #tpu.memory_space<semaphore_mem>>)
      %dma_wait3A = arith.constant 9920 : i32
      %dma_wait3A_24 = tpu.memref_slice %arg10[%dma_wait3A] : memref<10000xi32, #tpu.memory_space<vmem>> -> memref<80xi32, #tpu.memory_space<vmem>>
      %dma_wait3A_25 = arith.constant 0 : i32
      %dma_wait3A_26 = arith.constant 0 : i32
      %dma_wait3A_27 = tpu.memref_slice %arg2[%dma_wait3A_25, %dma_wait3A_26] : memref<10000x128xf32, #tpu.memory_space<hbm>> -> memref<10000x128xf32, #tpu.memory_space<hbm>>
      tpu.wait_indirect_dma semaphore(%arg14 : memref<!tpu.dma_semaphore, #tpu.memory_space<semaphore_mem>>) src(%dma_wait3A_27 : memref<10000x128xf32, #tpu.memory_space<hbm>>) dst(%arg12 : memref<80x128xf32, #tpu.memory_space<vmem>>)
      "tpu.region"() ({
        %run_scoped3A = tpu.sem_alloc : memref<!tpu.dma_semaphore, #tpu.memory_space<semaphore_mem>>
        %dma_start3A_32 = arith.constant 9920 : i32
        %dma_start3A_33 = tpu.memref_slice %arg11[%dma_start3A_32] : memref<10000xi32, #tpu.memory_space<vmem>> -> memref<80xi32, #tpu.memory_space<vmem>>
        %dma_start3A_34 = arith.constant 0 : i32
        %dma_start3A_35 = arith.constant 0 : i32
        %dma_start3A_36 = tpu.memref_slice %arg9[%dma_start3A_34, %dma_start3A_35] : memref<10000x128xf32, #tpu.memory_space<vmem_shared>> -> memref<10000x128xf32, #tpu.memory_space<vmem_shared>>
        tpu.enqueue_indirect_dma source(%arg12 : memref<80x128xf32, #tpu.memory_space<vmem>>) target(%dma_start3A_36 : memref<10000x128xf32, #tpu.memory_space<vmem_shared>>) offsets(%dma_start3A_33 : memref<80xi32, #tpu.memory_space<vmem>>) semaphore(%run_scoped3A : memref<!tpu.dma_semaphore, #tpu.memory_space<semaphore_mem>>) {add = true}
        %dma_wait3A_37 = arith.constant 9920 : i32
        %dma_wait3A_38 = tpu.memref_slice %arg11[%dma_wait3A_37] : memref<10000xi32, #tpu.memory_space<vmem>> -> memref<80xi32, #tpu.memory_space<vmem>>
        %dma_wait3A_39 = arith.constant 0 : i32
        %dma_wait3A_40 = arith.constant 0 : i32
        %dma_wait3A_41 = tpu.memref_slice %arg9[%dma_wait3A_39, %dma_wait3A_40] : memref<10000x128xf32, #tpu.memory_space<vmem_shared>> -> memref<10000x128xf32, #tpu.memory_space<vmem_shared>>
        tpu.wait_indirect_dma semaphore(%run_scoped3A : memref<!tpu.dma_semaphore, #tpu.memory_space<semaphore_mem>>) src(%arg12 : memref<80x128xf32, #tpu.memory_space<vmem>>) dst(%dma_wait3A_41 : memref<10000x128xf32, #tpu.memory_space<vmem_shared>>)
        tpu.yield
      }) : () -> ()
      %barrier3A_28 = arith.constant 0 : index
      tpu.barrier barrier_id(%barrier3A_28)
      "tpu.region"() ({
        %run_scoped3A = tpu.sem_alloc : memref<!tpu.dma_semaphore, #tpu.memory_space<semaphore_mem>>
        %dma_start3A_32 = arith.constant 0 : i32
        %dma_start3A_33 = tpu.memref_slice %arg7[%mul3A_0, %dma_start3A_32] : memref<10000x128xf32, #tpu.memory_space<hbm>> -> memref<624x128xf32, #tpu.memory_space<hbm>>
        %dma_start3A_34 = arith.constant 0 : i32
        %dma_start3A_35 = tpu.memref_slice %arg9[%mul3A_0, %dma_start3A_34] : memref<10000x128xf32, #tpu.memory_space<vmem_shared>> -> memref<624x128xf32, #tpu.memory_space<vmem_shared>>
        tpu.enqueue_dma source(%dma_start3A_35 : memref<624x128xf32, #tpu.memory_space<vmem_shared>>) target(%dma_start3A_33 : memref<624x128xf32, #tpu.memory_space<hbm>>) target_semaphore(%run_scoped3A : memref<!tpu.dma_semaphore, #tpu.memory_space<semaphore_mem>>)
        %dma_wait3A_36 = arith.constant 0 : i32
        %dma_wait3A_37 = tpu.memref_slice %arg7[%mul3A_0, %dma_wait3A_36] : memref<10000x128xf32, #tpu.memory_space<hbm>> -> memref<624x128xf32, #tpu.memory_space<hbm>>
        %dma_wait3A_38 = arith.constant 0 : i32
        %dma_wait3A_39 = tpu.memref_slice %arg9[%mul3A_0, %dma_wait3A_38] : memref<10000x128xf32, #tpu.memory_space<vmem_shared>> -> memref<624x128xf32, #tpu.memory_space<vmem_shared>>
        tpu.wait_dma2 semaphore(%run_scoped3A : memref<!tpu.dma_semaphore, #tpu.memory_space<semaphore_mem>>) src(%dma_wait3A_39 : memref<624x128xf32, #tpu.memory_space<vmem_shared>>) dst(%dma_wait3A_37 : memref<624x128xf32, #tpu.memory_space<hbm>>)
        tpu.yield
      }) : () -> ()
      %convert_element_type3A_29 = arith.extui %eq3A_1 : i1 to i32
      %cond3A_30 = arith.constant 0 : i32
      %cond3A_31 = arith.cmpi ne, %convert_element_type3A_29, %cond3A_30 : i32
      scf.if %cond3A_31 {
        "tpu.region"() ({
          %run_scoped3A = tpu.sem_alloc : memref<!tpu.dma_semaphore, #tpu.memory_space<semaphore_mem>>
          %dma_start3A_32 = arith.constant 9984 : i32
          %dma_start3A_33 = arith.constant 0 : i32
          %dma_start3A_34 = tpu.memref_slice %arg7[%dma_start3A_32, %dma_start3A_33] : memref<10000x128xf32, #tpu.memory_space<hbm>> -> memref<16x128xf32, #tpu.memory_space<hbm>>
          %dma_start3A_35 = arith.constant 9984 : i32
          %dma_start3A_36 = arith.constant 0 : i32
          %dma_start3A_37 = tpu.memref_slice %arg9[%dma_start3A_35, %dma_start3A_36] : memref<10000x128xf32, #tpu.memory_space<vmem_shared>> -> memref<16x128xf32, #tpu.memory_space<vmem_shared>>
          tpu.enqueue_dma source(%dma_start3A_37 : memref<16x128xf32, #tpu.memory_space<vmem_shared>>) target(%dma_start3A_34 : memref<16x128xf32, #tpu.memory_space<hbm>>) target_semaphore(%run_scoped3A : memref<!tpu.dma_semaphore, #tpu.memory_space<semaphore_mem>>)
          %dma_wait3A_38 = arith.constant 9984 : i32
          %dma_wait3A_39 = arith.constant 0 : i32
          %dma_wait3A_40 = tpu.memref_slice %arg7[%dma_wait3A_38, %dma_wait3A_39] : memref<10000x128xf32, #tpu.memory_space<hbm>> -> memref<16x128xf32, #tpu.memory_space<hbm>>
          %dma_wait3A_41 = arith.constant 9984 : i32
          %dma_wait3A_42 = arith.constant 0 : i32
          %dma_wait3A_43 = tpu.memref_slice %arg9[%dma_wait3A_41, %dma_wait3A_42] : memref<10000x128xf32, #tpu.memory_space<vmem_shared>> -> memref<16x128xf32, #tpu.memory_space<vmem_shared>>
          tpu.wait_dma2 semaphore(%run_scoped3A : memref<!tpu.dma_semaphore, #tpu.memory_space<semaphore_mem>>) src(%dma_wait3A_43 : memref<16x128xf32, #tpu.memory_space<vmem_shared>>) dst(%dma_wait3A_40 : memref<16x128xf32, #tpu.memory_space<hbm>>)
          tpu.yield
        }) : () -> ()
      } else {
      }
    } else {
    }
    %eq3A_8 = arith.constant 1 : i32
    %eq3A_9 = arith.cmpi eq, %arg0, %eq3A_8 : i32
    %convert_element_type3A_10 = arith.extui %eq3A_9 : i1 to i32
    %cond3A_11 = arith.constant 0 : i32
    %cond3A_12 = arith.cmpi ne, %convert_element_type3A_10, %cond3A_11 : i32
    scf.if %cond3A_12 {
      %mul3A_13 = arith.constant 10000 : i32
      %mul3A_14 = arith.muli %arg1, %mul3A_13 : i32
      "tpu.region"() ({
        %run_scoped3A = tpu.sem_alloc : memref<!tpu.dma_semaphore, #tpu.memory_space<semaphore_mem>>
        %dma_start3A_32 = tpu.memref_slice %arg4[%mul3A_14] : memref<160000xi32, #tpu.memory_space<hbm>> -> memref<10000xi32, #tpu.memory_space<hbm>>
        %dma_start3A_33 = tpu.memref_slice %arg4[%mul3A_14] : memref<160000xi32, #tpu.memory_space<hbm>> -> memref<10000xi32, #tpu.memory_space<hbm>>
        tpu.enqueue_dma source(%dma_start3A_33 : memref<10000xi32, #tpu.memory_space<hbm>>) target(%arg10 : memref<10000xi32, #tpu.memory_space<vmem>>) target_semaphore(%run_scoped3A : memref<!tpu.dma_semaphore, #tpu.memory_space<semaphore_mem>>)
        %dma_wait3A_34 = tpu.memref_slice %arg4[%mul3A_14] : memref<160000xi32, #tpu.memory_space<hbm>> -> memref<10000xi32, #tpu.memory_space<hbm>>
        %dma_wait3A_35 = tpu.memref_slice %arg4[%mul3A_14] : memref<160000xi32, #tpu.memory_space<hbm>> -> memref<10000xi32, #tpu.memory_space<hbm>>
        tpu.wait_dma2 semaphore(%run_scoped3A : memref<!tpu.dma_semaphore, #tpu.memory_space<semaphore_mem>>) src(%dma_wait3A_35 : memref<10000xi32, #tpu.memory_space<hbm>>) dst(%arg10 : memref<10000xi32, #tpu.memory_space<vmem>>)
        tpu.yield
      }) : () -> ()
      "tpu.region"() ({
        %run_scoped3A = tpu.sem_alloc : memref<!tpu.dma_semaphore, #tpu.memory_space<semaphore_mem>>
        %dma_start3A_32 = tpu.memref_slice %arg5[%mul3A_14] : memref<160000xi32, #tpu.memory_space<hbm>> -> memref<10000xi32, #tpu.memory_space<hbm>>
        %dma_start3A_33 = tpu.memref_slice %arg5[%mul3A_14] : memref<160000xi32, #tpu.memory_space<hbm>> -> memref<10000xi32, #tpu.memory_space<hbm>>
        tpu.enqueue_dma source(%dma_start3A_33 : memref<10000xi32, #tpu.memory_space<hbm>>) target(%arg11 : memref<10000xi32, #tpu.memory_space<vmem>>) target_semaphore(%run_scoped3A : memref<!tpu.dma_semaphore, #tpu.memory_space<semaphore_mem>>)
        %dma_wait3A_34 = tpu.memref_slice %arg5[%mul3A_14] : memref<160000xi32, #tpu.memory_space<hbm>> -> memref<10000xi32, #tpu.memory_space<hbm>>
        %dma_wait3A_35 = tpu.memref_slice %arg5[%mul3A_14] : memref<160000xi32, #tpu.memory_space<hbm>> -> memref<10000xi32, #tpu.memory_space<hbm>>
        tpu.wait_dma2 semaphore(%run_scoped3A : memref<!tpu.dma_semaphore, #tpu.memory_space<semaphore_mem>>) src(%dma_wait3A_35 : memref<10000xi32, #tpu.memory_space<hbm>>) dst(%arg11 : memref<10000xi32, #tpu.memory_space<vmem>>)
        tpu.yield
      }) : () -> ()
      %barrier3A = arith.constant 0 : index
      tpu.barrier barrier_id(%barrier3A)
      %scan3A = arith.constant 0 : i32
      %scan3A_15 = arith.constant 0 : i32
      %scan3A_16 = arith.constant 62 : i32
      %scan3A_17 = arith.addi %scan3A_15, %scan3A_16 : i32
      %scan3A_18 = arith.constant 1 : i32
      scf.for %scan3A_32 = %scan3A_15 to %scan3A_17 step %scan3A_18  : i32 {
        %mul3A_33 = arith.constant 160 : i32
        %mul3A_34 = arith.muli %scan3A_32, %mul3A_33 : i32
        %add3A = arith.constant 80 : i32
        %add3A_35 = arith.addi %mul3A_34, %add3A : i32
        %dma_start3A_36 = tpu.memref_slice %arg10[%mul3A_34] : memref<10000xi32, #tpu.memory_space<vmem>> -> memref<80xi32, #tpu.memory_space<vmem>>
        %dma_start3A_37 = arith.constant 0 : i32
        %dma_start3A_38 = arith.constant 0 : i32
        %dma_start3A_39 = tpu.memref_slice %arg3[%dma_start3A_37, %dma_start3A_38] : memref<10000x128xf32, #tpu.memory_space<hbm>> -> memref<10000x128xf32, #tpu.memory_space<hbm>>
        tpu.enqueue_indirect_dma source(%dma_start3A_39 : memref<10000x128xf32, #tpu.memory_space<hbm>>) target(%arg12 : memref<80x128xf32, #tpu.memory_space<vmem>>) offsets(%dma_start3A_36 : memref<80xi32, #tpu.memory_space<vmem>>) semaphore(%arg14 : memref<!tpu.dma_semaphore, #tpu.memory_space<semaphore_mem>>)
        %dma_start3A_40 = tpu.memref_slice %arg10[%add3A_35] : memref<10000xi32, #tpu.memory_space<vmem>> -> memref<80xi32, #tpu.memory_space<vmem>>
        %dma_start3A_41 = arith.constant 0 : i32
        %dma_start3A_42 = arith.constant 0 : i32
        %dma_start3A_43 = tpu.memref_slice %arg3[%dma_start3A_41, %dma_start3A_42] : memref<10000x128xf32, #tpu.memory_space<hbm>> -> memref<10000x128xf32, #tpu.memory_space<hbm>>
        tpu.enqueue_indirect_dma source(%dma_start3A_43 : memref<10000x128xf32, #tpu.memory_space<hbm>>) target(%arg13 : memref<80x128xf32, #tpu.memory_space<vmem>>) offsets(%dma_start3A_40 : memref<80xi32, #tpu.memory_space<vmem>>) semaphore(%arg15 : memref<!tpu.dma_semaphore, #tpu.memory_space<semaphore_mem>>)
        %dma_wait3A_44 = tpu.memref_slice %arg10[%mul3A_34] : memref<10000xi32, #tpu.memory_space<vmem>> -> memref<80xi32, #tpu.memory_space<vmem>>
        %dma_wait3A_45 = arith.constant 0 : i32
        %dma_wait3A_46 = arith.constant 0 : i32
        %dma_wait3A_47 = tpu.memref_slice %arg3[%dma_wait3A_45, %dma_wait3A_46] : memref<10000x128xf32, #tpu.memory_space<hbm>> -> memref<10000x128xf32, #tpu.memory_space<hbm>>
        tpu.wait_indirect_dma semaphore(%arg14 : memref<!tpu.dma_semaphore, #tpu.memory_space<semaphore_mem>>) src(%dma_wait3A_47 : memref<10000x128xf32, #tpu.memory_space<hbm>>) dst(%arg12 : memref<80x128xf32, #tpu.memory_space<vmem>>)
        "tpu.region"() ({
          %run_scoped3A = tpu.sem_alloc : memref<!tpu.dma_semaphore, #tpu.memory_space<semaphore_mem>>
          %dma_start3A_52 = tpu.memref_slice %arg11[%mul3A_34] : memref<10000xi32, #tpu.memory_space<vmem>> -> memref<80xi32, #tpu.memory_space<vmem>>
          %dma_start3A_53 = arith.constant 0 : i32
          %dma_start3A_54 = arith.constant 0 : i32
          %dma_start3A_55 = tpu.memref_slice %arg9[%dma_start3A_53, %dma_start3A_54] : memref<10000x128xf32, #tpu.memory_space<vmem_shared>> -> memref<10000x128xf32, #tpu.memory_space<vmem_shared>>
          tpu.enqueue_indirect_dma source(%arg12 : memref<80x128xf32, #tpu.memory_space<vmem>>) target(%dma_start3A_55 : memref<10000x128xf32, #tpu.memory_space<vmem_shared>>) offsets(%dma_start3A_52 : memref<80xi32, #tpu.memory_space<vmem>>) semaphore(%run_scoped3A : memref<!tpu.dma_semaphore, #tpu.memory_space<semaphore_mem>>) {add = true}
          %dma_wait3A_56 = tpu.memref_slice %arg11[%mul3A_34] : memref<10000xi32, #tpu.memory_space<vmem>> -> memref<80xi32, #tpu.memory_space<vmem>>
          %dma_wait3A_57 = arith.constant 0 : i32
          %dma_wait3A_58 = arith.constant 0 : i32
          %dma_wait3A_59 = tpu.memref_slice %arg9[%dma_wait3A_57, %dma_wait3A_58] : memref<10000x128xf32, #tpu.memory_space<vmem_shared>> -> memref<10000x128xf32, #tpu.memory_space<vmem_shared>>
          tpu.wait_indirect_dma semaphore(%run_scoped3A : memref<!tpu.dma_semaphore, #tpu.memory_space<semaphore_mem>>) src(%arg12 : memref<80x128xf32, #tpu.memory_space<vmem>>) dst(%dma_wait3A_59 : memref<10000x128xf32, #tpu.memory_space<vmem_shared>>)
          tpu.yield
        }) : () -> ()
        %dma_wait3A_48 = tpu.memref_slice %arg10[%add3A_35] : memref<10000xi32, #tpu.memory_space<vmem>> -> memref<80xi32, #tpu.memory_space<vmem>>
        %dma_wait3A_49 = arith.constant 0 : i32
        %dma_wait3A_50 = arith.constant 0 : i32
        %dma_wait3A_51 = tpu.memref_slice %arg3[%dma_wait3A_49, %dma_wait3A_50] : memref<10000x128xf32, #tpu.memory_space<hbm>> -> memref<10000x128xf32, #tpu.memory_space<hbm>>
        tpu.wait_indirect_dma semaphore(%arg15 : memref<!tpu.dma_semaphore, #tpu.memory_space<semaphore_mem>>) src(%dma_wait3A_51 : memref<10000x128xf32, #tpu.memory_space<hbm>>) dst(%arg13 : memref<80x128xf32, #tpu.memory_space<vmem>>)
        "tpu.region"() ({
          %run_scoped3A = tpu.sem_alloc : memref<!tpu.dma_semaphore, #tpu.memory_space<semaphore_mem>>
          %dma_start3A_52 = tpu.memref_slice %arg11[%add3A_35] : memref<10000xi32, #tpu.memory_space<vmem>> -> memref<80xi32, #tpu.memory_space<vmem>>
          %dma_start3A_53 = arith.constant 0 : i32
          %dma_start3A_54 = arith.constant 0 : i32
          %dma_start3A_55 = tpu.memref_slice %arg9[%dma_start3A_53, %dma_start3A_54] : memref<10000x128xf32, #tpu.memory_space<vmem_shared>> -> memref<10000x128xf32, #tpu.memory_space<vmem_shared>>
          tpu.enqueue_indirect_dma source(%arg13 : memref<80x128xf32, #tpu.memory_space<vmem>>) target(%dma_start3A_55 : memref<10000x128xf32, #tpu.memory_space<vmem_shared>>) offsets(%dma_start3A_52 : memref<80xi32, #tpu.memory_space<vmem>>) semaphore(%run_scoped3A : memref<!tpu.dma_semaphore, #tpu.memory_space<semaphore_mem>>) {add = true}
          %dma_wait3A_56 = tpu.memref_slice %arg11[%add3A_35] : memref<10000xi32, #tpu.memory_space<vmem>> -> memref<80xi32, #tpu.memory_space<vmem>>
          %dma_wait3A_57 = arith.constant 0 : i32
          %dma_wait3A_58 = arith.constant 0 : i32
          %dma_wait3A_59 = tpu.memref_slice %arg9[%dma_wait3A_57, %dma_wait3A_58] : memref<10000x128xf32, #tpu.memory_space<vmem_shared>> -> memref<10000x128xf32, #tpu.memory_space<vmem_shared>>
          tpu.wait_indirect_dma semaphore(%run_scoped3A : memref<!tpu.dma_semaphore, #tpu.memory_space<semaphore_mem>>) src(%arg13 : memref<80x128xf32, #tpu.memory_space<vmem>>) dst(%dma_wait3A_59 : memref<10000x128xf32, #tpu.memory_space<vmem_shared>>)
          tpu.yield
        }) : () -> ()
      }
      %scan3A_19 = arith.constant 62 : i32
      %dma_start3A = arith.constant 9920 : i32
      %dma_start3A_20 = tpu.memref_slice %arg10[%dma_start3A] : memref<10000xi32, #tpu.memory_space<vmem>> -> memref<80xi32, #tpu.memory_space<vmem>>
      %dma_start3A_21 = arith.constant 0 : i32
      %dma_start3A_22 = arith.constant 0 : i32
      %dma_start3A_23 = tpu.memref_slice %arg3[%dma_start3A_21, %dma_start3A_22] : memref<10000x128xf32, #tpu.memory_space<hbm>> -> memref<10000x128xf32, #tpu.memory_space<hbm>>
      tpu.enqueue_indirect_dma source(%dma_start3A_23 : memref<10000x128xf32, #tpu.memory_space<hbm>>) target(%arg12 : memref<80x128xf32, #tpu.memory_space<vmem>>) offsets(%dma_start3A_20 : memref<80xi32, #tpu.memory_space<vmem>>) semaphore(%arg14 : memref<!tpu.dma_semaphore, #tpu.memory_space<semaphore_mem>>)
      %dma_wait3A = arith.constant 9920 : i32
      %dma_wait3A_24 = tpu.memref_slice %arg10[%dma_wait3A] : memref<10000xi32, #tpu.memory_space<vmem>> -> memref<80xi32, #tpu.memory_space<vmem>>
      %dma_wait3A_25 = arith.constant 0 : i32
      %dma_wait3A_26 = arith.constant 0 : i32
      %dma_wait3A_27 = tpu.memref_slice %arg3[%dma_wait3A_25, %dma_wait3A_26] : memref<10000x128xf32, #tpu.memory_space<hbm>> -> memref<10000x128xf32, #tpu.memory_space<hbm>>
      tpu.wait_indirect_dma semaphore(%arg14 : memref<!tpu.dma_semaphore, #tpu.memory_space<semaphore_mem>>) src(%dma_wait3A_27 : memref<10000x128xf32, #tpu.memory_space<hbm>>) dst(%arg12 : memref<80x128xf32, #tpu.memory_space<vmem>>)
      "tpu.region"() ({
        %run_scoped3A = tpu.sem_alloc : memref<!tpu.dma_semaphore, #tpu.memory_space<semaphore_mem>>
        %dma_start3A_32 = arith.constant 9920 : i32
        %dma_start3A_33 = tpu.memref_slice %arg11[%dma_start3A_32] : memref<10000xi32, #tpu.memory_space<vmem>> -> memref<80xi32, #tpu.memory_space<vmem>>
        %dma_start3A_34 = arith.constant 0 : i32
        %dma_start3A_35 = arith.constant 0 : i32
        %dma_start3A_36 = tpu.memref_slice %arg9[%dma_start3A_34, %dma_start3A_35] : memref<10000x128xf32, #tpu.memory_space<vmem_shared>> -> memref<10000x128xf32, #tpu.memory_space<vmem_shared>>
        tpu.enqueue_indirect_dma source(%arg12 : memref<80x128xf32, #tpu.memory_space<vmem>>) target(%dma_start3A_36 : memref<10000x128xf32, #tpu.memory_space<vmem_shared>>) offsets(%dma_start3A_33 : memref<80xi32, #tpu.memory_space<vmem>>) semaphore(%run_scoped3A : memref<!tpu.dma_semaphore, #tpu.memory_space<semaphore_mem>>) {add = true}
        %dma_wait3A_37 = arith.constant 9920 : i32
        %dma_wait3A_38 = tpu.memref_slice %arg11[%dma_wait3A_37] : memref<10000xi32, #tpu.memory_space<vmem>> -> memref<80xi32, #tpu.memory_space<vmem>>
        %dma_wait3A_39 = arith.constant 0 : i32
        %dma_wait3A_40 = arith.constant 0 : i32
        %dma_wait3A_41 = tpu.memref_slice %arg9[%dma_wait3A_39, %dma_wait3A_40] : memref<10000x128xf32, #tpu.memory_space<vmem_shared>> -> memref<10000x128xf32, #tpu.memory_space<vmem_shared>>
        tpu.wait_indirect_dma semaphore(%run_scoped3A : memref<!tpu.dma_semaphore, #tpu.memory_space<semaphore_mem>>) src(%arg12 : memref<80x128xf32, #tpu.memory_space<vmem>>) dst(%dma_wait3A_41 : memref<10000x128xf32, #tpu.memory_space<vmem_shared>>)
        tpu.yield
      }) : () -> ()
      %barrier3A_28 = arith.constant 0 : index
      tpu.barrier barrier_id(%barrier3A_28)
      "tpu.region"() ({
        %run_scoped3A = tpu.sem_alloc : memref<!tpu.dma_semaphore, #tpu.memory_space<semaphore_mem>>
        %dma_start3A_32 = arith.constant 0 : i32
        %dma_start3A_33 = tpu.memref_slice %arg8[%mul3A_0, %dma_start3A_32] : memref<10000x128xf32, #tpu.memory_space<hbm>> -> memref<624x128xf32, #tpu.memory_space<hbm>>
        %dma_start3A_34 = arith.constant 0 : i32
        %dma_start3A_35 = tpu.memref_slice %arg9[%mul3A_0, %dma_start3A_34] : memref<10000x128xf32, #tpu.memory_space<vmem_shared>> -> memref<624x128xf32, #tpu.memory_space<vmem_shared>>
        tpu.enqueue_dma source(%dma_start3A_35 : memref<624x128xf32, #tpu.memory_space<vmem_shared>>) target(%dma_start3A_33 : memref<624x128xf32, #tpu.memory_space<hbm>>) target_semaphore(%run_scoped3A : memref<!tpu.dma_semaphore, #tpu.memory_space<semaphore_mem>>)
        %dma_wait3A_36 = arith.constant 0 : i32
        %dma_wait3A_37 = tpu.memref_slice %arg8[%mul3A_0, %dma_wait3A_36] : memref<10000x128xf32, #tpu.memory_space<hbm>> -> memref<624x128xf32, #tpu.memory_space<hbm>>
        %dma_wait3A_38 = arith.constant 0 : i32
        %dma_wait3A_39 = tpu.memref_slice %arg9[%mul3A_0, %dma_wait3A_38] : memref<10000x128xf32, #tpu.memory_space<vmem_shared>> -> memref<624x128xf32, #tpu.memory_space<vmem_shared>>
        tpu.wait_dma2 semaphore(%run_scoped3A : memref<!tpu.dma_semaphore, #tpu.memory_space<semaphore_mem>>) src(%dma_wait3A_39 : memref<624x128xf32, #tpu.memory_space<vmem_shared>>) dst(%dma_wait3A_37 : memref<624x128xf32, #tpu.memory_space<hbm>>)
        tpu.yield
      }) : () -> ()
      %convert_element_type3A_29 = arith.extui %eq3A_1 : i1 to i32
      %cond3A_30 = arith.constant 0 : i32
      %cond3A_31 = arith.cmpi ne, %convert_element_type3A_29, %cond3A_30 : i32
      scf.if %cond3A_31 {
        "tpu.region"() ({
          %run_scoped3A = tpu.sem_alloc : memref<!tpu.dma_semaphore, #tpu.memory_space<semaphore_mem>>
          %dma_start3A_32 = arith.constant 9984 : i32
          %dma_start3A_33 = arith.constant 0 : i32
          %dma_start3A_34 = tpu.memref_slice %arg8[%dma_start3A_32, %dma_start3A_33] : memref<10000x128xf32, #tpu.memory_space<hbm>> -> memref<16x128xf32, #tpu.memory_space<hbm>>
          %dma_start3A_35 = arith.constant 9984 : i32
          %dma_start3A_36 = arith.constant 0 : i32
          %dma_start3A_37 = tpu.memref_slice %arg9[%dma_start3A_35, %dma_start3A_36] : memref<10000x128xf32, #tpu.memory_space<vmem_shared>> -> memref<16x128xf32, #tpu.memory_space<vmem_shared>>
          tpu.enqueue_dma source(%dma_start3A_37 : memref<16x128xf32, #tpu.memory_space<vmem_shared>>) target(%dma_start3A_34 : memref<16x128xf32, #tpu.memory_space<hbm>>) target_semaphore(%run_scoped3A : memref<!tpu.dma_semaphore, #tpu.memory_space<semaphore_mem>>)
          %dma_wait3A_38 = arith.constant 9984 : i32
          %dma_wait3A_39 = arith.constant 0 : i32
          %dma_wait3A_40 = tpu.memref_slice %arg8[%dma_wait3A_38, %dma_wait3A_39] : memref<10000x128xf32, #tpu.memory_space<hbm>> -> memref<16x128xf32, #tpu.memory_space<hbm>>
          %dma_wait3A_41 = arith.constant 9984 : i32
          %dma_wait3A_42 = arith.constant 0 : i32
          %dma_wait3A_43 = tpu.memref_slice %arg9[%dma_wait3A_41, %dma_wait3A_42] : memref<10000x128xf32, #tpu.memory_space<vmem_shared>> -> memref<16x128xf32, #tpu.memory_space<vmem_shared>>
          tpu.wait_dma2 semaphore(%run_scoped3A : memref<!tpu.dma_semaphore, #tpu.memory_space<semaphore_mem>>) src(%dma_wait3A_43 : memref<16x128xf32, #tpu.memory_space<vmem_shared>>) dst(%dma_wait3A_40 : memref<16x128xf32, #tpu.memory_space<hbm>>)
          tpu.yield
        }) : () -> ()
      } else {
      }
    } else {
    }
    return
  }
}

module attributes {stable_mosaic.version = 14 : i64} {
  func.func @_tc_layer_body(%arg0: i32, %arg1: memref<1000x128xf32, #tpu.memory_space<vmem>>, %arg2: memref<1000x128xf32, #tpu.memory_space<vmem>>, %arg3: memref<1000x128xf32, #tpu.memory_space<vmem>>, %arg4: memref<1000x128xf32, #tpu.memory_space<vmem>>, %arg5: memref<1000x1xf32, #tpu.memory_space<vmem>>, %arg6: memref<2x128x256xf32, #tpu.memory_space<vmem>>, %arg7: memref<2x128x256xf32, #tpu.memory_space<vmem>>, %arg8: memref<1x256xf32, #tpu.memory_space<vmem>>, %arg9: memref<1000x128xf32, #tpu.memory_space<vmem>>, %arg10: memref<1000x128xf32, #tpu.memory_space<vmem>>) attributes {dimension_semantics = [#tpu.dimension_semantics<arbitrary>], iteration_bounds = array<i64: 10>, scalar_prefetch = 0 : i64, scratch_operands = 0 : i64, tpu.core_type = #tpu.core_type<tc>, window_params = [{transform_indices = @transform_0, window_bounds = array<i64: 1000, 128>}, {transform_indices = @transform_1, window_bounds = array<i64: 1000, 128>}, {transform_indices = @transform_2, window_bounds = array<i64: 1000, 128>}, {transform_indices = @transform_3, window_bounds = array<i64: 1000, 128>}, {transform_indices = @transform_4, window_bounds = array<i64: 1000, 1>}, {pipeline_mode = #tpu.pipeline_mode<synchronous>, transform_indices = @transform_5, window_bounds = array<i64: 2, 128, 256>}, {pipeline_mode = #tpu.pipeline_mode<synchronous>, transform_indices = @transform_6, window_bounds = array<i64: 2, 128, 256>}, {pipeline_mode = #tpu.pipeline_mode<synchronous>, transform_indices = @transform_7, window_bounds = array<i64: 1, 256>}, {transform_indices = @transform_8, window_bounds = array<i64: 1000, 128>}, {transform_indices = @transform_9, window_bounds = array<i64: 1000, 128>}]} {
    %get3A = arith.constant 0 : index
    %get3A_0 = arith.constant 0 : index
    %get3A_1 = vector.load %arg5[%get3A, %get3A_0] : memref<1000x1xf32, #tpu.memory_space<vmem>>, vector<1000x1xf32>
    %max3A = arith.constant 1.000000e+00 : f32
    %max3A_2 = vector.broadcast %max3A : f32 to vector<1000x1xf32>
    %max3A_3 = arith.maximumf %get3A_1, %max3A_2 : vector<1000x1xf32>
    %div3A = arith.constant 1.000000e+00 : f32
    %div3A_4 = vector.broadcast %div3A : f32 to vector<1000x1xf32>
    %div3A_5 = arith.divf %div3A_4, %max3A_3 : vector<1000x1xf32>
    %get3A_6 = arith.constant 0 : index
    %get3A_7 = arith.constant 0 : index
    %get3A_8 = vector.load %arg1[%get3A_6, %get3A_7] : memref<1000x128xf32, #tpu.memory_space<vmem>>, vector<1000x128xf32>
    %mul3A = vector.broadcast %div3A_5 : vector<1000x1xf32> to vector<1000x128xf32>
    %mul3A_9 = arith.mulf %get3A_8, %mul3A : vector<1000x128xf32>
    %get3A_10 = arith.constant 0 : index
    %get3A_11 = arith.constant 0 : index
    %get3A_12 = arith.constant 0 : index
    %get3A_13 = vector.load %arg6[%get3A_10, %get3A_11, %get3A_12] : memref<2x128x256xf32, #tpu.memory_space<vmem>>, vector<1x128x256xf32>
    %get3A_14 = vector.shape_cast %get3A_13 : vector<1x128x256xf32> to vector<128x256xf32>
    %dot_general3A = arith.constant dense<0.000000e+00> : vector<1000x256xf32>
    %dot_general3A_15 = tpu.matmul %mul3A_9, %get3A_14, %dot_general3A {dimension_numbers = #tpu.dot_dimension_numbers<[1], [0], [0], [1], [0, 0, 1, 1], [], []>, precision = #tpu.contract_precision<fp32>, transpose_lhs_hint = false} : vector<1000x128xf32>, vector<128x256xf32>, vector<1000x256xf32> -> vector<1000x256xf32>
    %get3A_16 = arith.constant 0 : index
    %get3A_17 = arith.constant 0 : index
    %get3A_18 = vector.load %arg2[%get3A_16, %get3A_17] : memref<1000x128xf32, #tpu.memory_space<vmem>>, vector<1000x128xf32>
    %mul3A_19 = vector.broadcast %div3A_5 : vector<1000x1xf32> to vector<1000x128xf32>
    %mul3A_20 = arith.mulf %get3A_18, %mul3A_19 : vector<1000x128xf32>
    %get3A_21 = arith.constant 1 : index
    %get3A_22 = arith.constant 0 : index
    %get3A_23 = arith.constant 0 : index
    %get3A_24 = vector.load %arg6[%get3A_21, %get3A_22, %get3A_23] : memref<2x128x256xf32, #tpu.memory_space<vmem>>, vector<1x128x256xf32>
    %get3A_25 = vector.shape_cast %get3A_24 : vector<1x128x256xf32> to vector<128x256xf32>
    %dot_general3A_26 = arith.constant dense<0.000000e+00> : vector<1000x256xf32>
    %dot_general3A_27 = tpu.matmul %mul3A_20, %get3A_25, %dot_general3A_26 {dimension_numbers = #tpu.dot_dimension_numbers<[1], [0], [0], [1], [0, 0, 1, 1], [], []>, precision = #tpu.contract_precision<fp32>, transpose_lhs_hint = false} : vector<1000x128xf32>, vector<128x256xf32>, vector<1000x256xf32> -> vector<1000x256xf32>
    %add3A = arith.addf %dot_general3A_15, %dot_general3A_27 : vector<1000x256xf32>
    %get3A_28 = arith.constant 0 : index
    %get3A_29 = arith.constant 0 : index
    %get3A_30 = vector.load %arg3[%get3A_28, %get3A_29] : memref<1000x128xf32, #tpu.memory_space<vmem>>, vector<1000x128xf32>
    %get3A_31 = arith.constant 0 : index
    %get3A_32 = arith.constant 0 : index
    %get3A_33 = arith.constant 0 : index
    %get3A_34 = vector.load %arg7[%get3A_31, %get3A_32, %get3A_33] : memref<2x128x256xf32, #tpu.memory_space<vmem>>, vector<1x128x256xf32>
    %get3A_35 = vector.shape_cast %get3A_34 : vector<1x128x256xf32> to vector<128x256xf32>
    %dot_general3A_36 = arith.constant dense<0.000000e+00> : vector<1000x256xf32>
    %dot_general3A_37 = tpu.matmul %get3A_30, %get3A_35, %dot_general3A_36 {dimension_numbers = #tpu.dot_dimension_numbers<[1], [0], [0], [1], [0, 0, 1, 1], [], []>, precision = #tpu.contract_precision<fp32>, transpose_lhs_hint = false} : vector<1000x128xf32>, vector<128x256xf32>, vector<1000x256xf32> -> vector<1000x256xf32>
    %add3A_38 = arith.addf %add3A, %dot_general3A_37 : vector<1000x256xf32>
    %get3A_39 = arith.constant 0 : index
    %get3A_40 = arith.constant 0 : index
    %get3A_41 = vector.load %arg4[%get3A_39, %get3A_40] : memref<1000x128xf32, #tpu.memory_space<vmem>>, vector<1000x128xf32>
    %get3A_42 = arith.constant 1 : index
    %get3A_43 = arith.constant 0 : index
    %get3A_44 = arith.constant 0 : index
    %get3A_45 = vector.load %arg7[%get3A_42, %get3A_43, %get3A_44] : memref<2x128x256xf32, #tpu.memory_space<vmem>>, vector<1x128x256xf32>
    %get3A_46 = vector.shape_cast %get3A_45 : vector<1x128x256xf32> to vector<128x256xf32>
    %dot_general3A_47 = arith.constant dense<0.000000e+00> : vector<1000x256xf32>
    %dot_general3A_48 = tpu.matmul %get3A_41, %get3A_46, %dot_general3A_47 {dimension_numbers = #tpu.dot_dimension_numbers<[1], [0], [0], [1], [0, 0, 1, 1], [], []>, precision = #tpu.contract_precision<fp32>, transpose_lhs_hint = false} : vector<1000x128xf32>, vector<128x256xf32>, vector<1000x256xf32> -> vector<1000x256xf32>
    %add3A_49 = arith.addf %add3A_38, %dot_general3A_48 : vector<1000x256xf32>
    %get3A_50 = arith.constant 0 : index
    %get3A_51 = arith.constant 0 : index
    %get3A_52 = vector.load %arg8[%get3A_50, %get3A_51] : memref<1x256xf32, #tpu.memory_space<vmem>>, vector<1x256xf32>
    %add3A_53 = vector.broadcast %get3A_52 : vector<1x256xf32> to vector<1000x256xf32>
    %add3A_54 = arith.addf %add3A_49, %add3A_53 : vector<1000x256xf32>
    %max3A_55 = arith.constant 0.000000e+00 : f32
    %max3A_56 = vector.broadcast %max3A_55 : f32 to vector<1000x256xf32>
    %max3A_57 = arith.maximumf %add3A_54, %max3A_56 : vector<1000x256xf32>
    %slice3A = vector.extract_strided_slice %max3A_57 {offsets = [0, 0], sizes = [1000, 128], strides = [1, 1]} : vector<1000x256xf32> to vector<1000x128xf32>
    %swap3A = arith.constant 0 : index
    %swap3A_58 = arith.constant 0 : index
    %swap3A_59 = vector.load %arg9[%swap3A, %swap3A_58] : memref<1000x128xf32, #tpu.memory_space<vmem>>, vector<1000x128xf32>
    tpu.vector_store %arg9[%swap3A, %swap3A_58], %slice3A {strides = array<i32>} : memref<1000x128xf32, #tpu.memory_space<vmem>>, vector<1000x128xf32>,
    %slice3A_60 = vector.extract_strided_slice %max3A_57 {offsets = [0, 128], sizes = [1000, 128], strides = [1, 1]} : vector<1000x256xf32> to vector<1000x128xf32>
    %swap3A_61 = arith.constant 0 : index
    %swap3A_62 = arith.constant 0 : index
    %swap3A_63 = vector.load %arg10[%swap3A_61, %swap3A_62] : memref<1000x128xf32, #tpu.memory_space<vmem>>, vector<1000x128xf32>
    tpu.vector_store %arg10[%swap3A_61, %swap3A_62], %slice3A_60 {strides = array<i32>} : memref<1000x128xf32, #tpu.memory_space<vmem>>, vector<1000x128xf32>,
    return
  }
  func.func @transform_0(%arg0: i32) -> (i32, i32) {
    %c0_i32 = arith.constant 0 : i32
    %c0_i32_0 = arith.constant 0 : i32
    return %arg0, %c0_i32 : i32, i32
  }
  func.func @transform_1(%arg0: i32) -> (i32, i32) {
    %c0_i32 = arith.constant 0 : i32
    %c0_i32_0 = arith.constant 0 : i32
    return %arg0, %c0_i32 : i32, i32
  }
  func.func @transform_2(%arg0: i32) -> (i32, i32) {
    %c0_i32 = arith.constant 0 : i32
    %c0_i32_0 = arith.constant 0 : i32
    return %arg0, %c0_i32 : i32, i32
  }
  func.func @transform_3(%arg0: i32) -> (i32, i32) {
    %c0_i32 = arith.constant 0 : i32
    %c0_i32_0 = arith.constant 0 : i32
    return %arg0, %c0_i32 : i32, i32
  }
  func.func @transform_4(%arg0: i32) -> (i32, i32) {
    %c0_i32 = arith.constant 0 : i32
    %c0_i32_0 = arith.constant 0 : i32
    return %arg0, %c0_i32 : i32, i32
  }
  func.func @transform_5(%arg0: i32) -> (i32, i32, i32) {
    %c0_i32 = arith.constant 0 : i32
    %c0_i32_0 = arith.constant 0 : i32
    %c0_i32_1 = arith.constant 0 : i32
    %c0_i32_2 = arith.constant 0 : i32
    return %c0_i32, %c0_i32_0, %c0_i32_1 : i32, i32, i32
  }
  func.func @transform_6(%arg0: i32) -> (i32, i32, i32) {
    %c0_i32 = arith.constant 0 : i32
    %c0_i32_0 = arith.constant 0 : i32
    %c0_i32_1 = arith.constant 0 : i32
    %c0_i32_2 = arith.constant 0 : i32
    return %c0_i32, %c0_i32_0, %c0_i32_1 : i32, i32, i32
  }
  func.func @transform_7(%arg0: i32) -> (i32, i32) {
    %c0_i32 = arith.constant 0 : i32
    %c0_i32_0 = arith.constant 0 : i32
    %c0_i32_1 = arith.constant 0 : i32
    return %c0_i32, %c0_i32_0 : i32, i32
  }
  func.func @transform_8(%arg0: i32) -> (i32, i32) {
    %c0_i32 = arith.constant 0 : i32
    %c0_i32_0 = arith.constant 0 : i32
    return %arg0, %c0_i32 : i32, i32
  }
  func.func @transform_9(%arg0: i32) -> (i32, i32) {
    %c0_i32 = arith.constant 0 : i32
    %c0_i32_0 = arith.constant 0 : i32
    return %arg0, %c0_i32 : i32, i32
  }
}

module attributes {stable_mosaic.version = 14 : i64} {
  func.func @_tc_final_body(%arg0: i32, %arg1: memref<1000x128xf32, #tpu.memory_space<vmem>>, %arg2: memref<1000x128xf32, #tpu.memory_space<vmem>>, %arg3: memref<1000x128xf32, #tpu.memory_space<vmem>>, %arg4: memref<1000x128xf32, #tpu.memory_space<vmem>>, %arg5: memref<1000x1xf32, #tpu.memory_space<vmem>>, %arg6: memref<2x128x256xf32, #tpu.memory_space<vmem>>, %arg7: memref<2x128x256xf32, #tpu.memory_space<vmem>>, %arg8: memref<1x256xf32, #tpu.memory_space<vmem>>, %arg9: memref<256x128xf32, #tpu.memory_space<vmem>>, %arg10: memref<1x128xf32, #tpu.memory_space<vmem>>, %arg11: memref<1x128xf32, #tpu.memory_space<vmem>>, %arg12: memref<8x256xf32, #tpu.memory_space<vmem>>) attributes {dimension_semantics = [#tpu.dimension_semantics<arbitrary>], iteration_bounds = array<i64: 10>, scalar_prefetch = 0 : i64, scratch_operands = 1 : i64, tpu.core_type = #tpu.core_type<tc>, window_params = [{transform_indices = @transform_0, window_bounds = array<i64: 1000, 128>}, {transform_indices = @transform_1, window_bounds = array<i64: 1000, 128>}, {transform_indices = @transform_2, window_bounds = array<i64: 1000, 128>}, {transform_indices = @transform_3, window_bounds = array<i64: 1000, 128>}, {transform_indices = @transform_4, window_bounds = array<i64: 1000, 1>}, {pipeline_mode = #tpu.pipeline_mode<synchronous>, transform_indices = @transform_5, window_bounds = array<i64: 2, 128, 256>}, {pipeline_mode = #tpu.pipeline_mode<synchronous>, transform_indices = @transform_6, window_bounds = array<i64: 2, 128, 256>}, {pipeline_mode = #tpu.pipeline_mode<synchronous>, transform_indices = @transform_7, window_bounds = array<i64: 1, 256>}, {pipeline_mode = #tpu.pipeline_mode<synchronous>, transform_indices = @transform_8, window_bounds = array<i64: 256, 128>}, {pipeline_mode = #tpu.pipeline_mode<synchronous>, transform_indices = @transform_9, window_bounds = array<i64: 1, 128>}, {pipeline_mode = #tpu.pipeline_mode<synchronous>, transform_indices = @transform_10, window_bounds = array<i64: 1, 128>}]} {
    %get3A = arith.constant 0 : index
    %get3A_0 = arith.constant 0 : index
    %get3A_1 = vector.load %arg5[%get3A, %get3A_0] : memref<1000x1xf32, #tpu.memory_space<vmem>>, vector<1000x1xf32>
    %max3A = arith.constant 1.000000e+00 : f32
    %max3A_2 = vector.broadcast %max3A : f32 to vector<1000x1xf32>
    %max3A_3 = arith.maximumf %get3A_1, %max3A_2 : vector<1000x1xf32>
    %div3A = arith.constant 1.000000e+00 : f32
    %div3A_4 = vector.broadcast %div3A : f32 to vector<1000x1xf32>
    %div3A_5 = arith.divf %div3A_4, %max3A_3 : vector<1000x1xf32>
    %get3A_6 = arith.constant 0 : index
    %get3A_7 = arith.constant 0 : index
    %get3A_8 = vector.load %arg1[%get3A_6, %get3A_7] : memref<1000x128xf32, #tpu.memory_space<vmem>>, vector<1000x128xf32>
    %mul3A = vector.broadcast %div3A_5 : vector<1000x1xf32> to vector<1000x128xf32>
    %mul3A_9 = arith.mulf %get3A_8, %mul3A : vector<1000x128xf32>
    %get3A_10 = arith.constant 0 : index
    %get3A_11 = arith.constant 0 : index
    %get3A_12 = arith.constant 0 : index
    %get3A_13 = vector.load %arg6[%get3A_10, %get3A_11, %get3A_12] : memref<2x128x256xf32, #tpu.memory_space<vmem>>, vector<1x128x256xf32>
    %get3A_14 = vector.shape_cast %get3A_13 : vector<1x128x256xf32> to vector<128x256xf32>
    %dot_general3A = arith.constant dense<0.000000e+00> : vector<1000x256xf32>
    %dot_general3A_15 = tpu.matmul %mul3A_9, %get3A_14, %dot_general3A {dimension_numbers = #tpu.dot_dimension_numbers<[1], [0], [0], [1], [0, 0, 1, 1], [], []>, precision = #tpu.contract_precision<fp32>, transpose_lhs_hint = false} : vector<1000x128xf32>, vector<128x256xf32>, vector<1000x256xf32> -> vector<1000x256xf32>
    %get3A_16 = arith.constant 0 : index
    %get3A_17 = arith.constant 0 : index
    %get3A_18 = vector.load %arg2[%get3A_16, %get3A_17] : memref<1000x128xf32, #tpu.memory_space<vmem>>, vector<1000x128xf32>
    %mul3A_19 = vector.broadcast %div3A_5 : vector<1000x1xf32> to vector<1000x128xf32>
    %mul3A_20 = arith.mulf %get3A_18, %mul3A_19 : vector<1000x128xf32>
    %get3A_21 = arith.constant 1 : index
    %get3A_22 = arith.constant 0 : index
    %get3A_23 = arith.constant 0 : index
    %get3A_24 = vector.load %arg6[%get3A_21, %get3A_22, %get3A_23] : memref<2x128x256xf32, #tpu.memory_space<vmem>>, vector<1x128x256xf32>
    %get3A_25 = vector.shape_cast %get3A_24 : vector<1x128x256xf32> to vector<128x256xf32>
    %dot_general3A_26 = arith.constant dense<0.000000e+00> : vector<1000x256xf32>
    %dot_general3A_27 = tpu.matmul %mul3A_20, %get3A_25, %dot_general3A_26 {dimension_numbers = #tpu.dot_dimension_numbers<[1], [0], [0], [1], [0, 0, 1, 1], [], []>, precision = #tpu.contract_precision<fp32>, transpose_lhs_hint = false} : vector<1000x128xf32>, vector<128x256xf32>, vector<1000x256xf32> -> vector<1000x256xf32>
    %add3A = arith.addf %dot_general3A_15, %dot_general3A_27 : vector<1000x256xf32>
    %get3A_28 = arith.constant 0 : index
    %get3A_29 = arith.constant 0 : index
    %get3A_30 = vector.load %arg3[%get3A_28, %get3A_29] : memref<1000x128xf32, #tpu.memory_space<vmem>>, vector<1000x128xf32>
    %get3A_31 = arith.constant 0 : index
    %get3A_32 = arith.constant 0 : index
    %get3A_33 = arith.constant 0 : index
    %get3A_34 = vector.load %arg7[%get3A_31, %get3A_32, %get3A_33] : memref<2x128x256xf32, #tpu.memory_space<vmem>>, vector<1x128x256xf32>
    %get3A_35 = vector.shape_cast %get3A_34 : vector<1x128x256xf32> to vector<128x256xf32>
    %dot_general3A_36 = arith.constant dense<0.000000e+00> : vector<1000x256xf32>
    %dot_general3A_37 = tpu.matmul %get3A_30, %get3A_35, %dot_general3A_36 {dimension_numbers = #tpu.dot_dimension_numbers<[1], [0], [0], [1], [0, 0, 1, 1], [], []>, precision = #tpu.contract_precision<fp32>, transpose_lhs_hint = false} : vector<1000x128xf32>, vector<128x256xf32>, vector<1000x256xf32> -> vector<1000x256xf32>
    %add3A_38 = arith.addf %add3A, %dot_general3A_37 : vector<1000x256xf32>
    %get3A_39 = arith.constant 0 : index
    %get3A_40 = arith.constant 0 : index
    %get3A_41 = vector.load %arg4[%get3A_39, %get3A_40] : memref<1000x128xf32, #tpu.memory_space<vmem>>, vector<1000x128xf32>
    %get3A_42 = arith.constant 1 : index
    %get3A_43 = arith.constant 0 : index
    %get3A_44 = arith.constant 0 : index
    %get3A_45 = vector.load %arg7[%get3A_42, %get3A_43, %get3A_44] : memref<2x128x256xf32, #tpu.memory_space<vmem>>, vector<1x128x256xf32>
    %get3A_46 = vector.shape_cast %get3A_45 : vector<1x128x256xf32> to vector<128x256xf32>
    %dot_general3A_47 = arith.constant dense<0.000000e+00> : vector<1000x256xf32>
    %dot_general3A_48 = tpu.matmul %get3A_41, %get3A_46, %dot_general3A_47 {dimension_numbers = #tpu.dot_dimension_numbers<[1], [0], [0], [1], [0, 0, 1, 1], [], []>, precision = #tpu.contract_precision<fp32>, transpose_lhs_hint = false} : vector<1000x128xf32>, vector<128x256xf32>, vector<1000x256xf32> -> vector<1000x256xf32>
    %add3A_49 = arith.addf %add3A_38, %dot_general3A_48 : vector<1000x256xf32>
    %get3A_50 = arith.constant 0 : index
    %get3A_51 = arith.constant 0 : index
    %get3A_52 = vector.load %arg8[%get3A_50, %get3A_51] : memref<1x256xf32, #tpu.memory_space<vmem>>, vector<1x256xf32>
    %add3A_53 = vector.broadcast %get3A_52 : vector<1x256xf32> to vector<1000x256xf32>
    %add3A_54 = arith.addf %add3A_49, %add3A_53 : vector<1000x256xf32>
    %reshape3A = vector.shape_cast %add3A_54 : vector<1000x256xf32> to vector<125x8x256xf32>
    %reduce_max3A = arith.constant dense<0xFF800000> : vector<8x256xf32>
    %reduce_max3A_55 = vector.multi_reduction <maximumf>, %reshape3A, %reduce_max3A [0] : vector<125x8x256xf32> to vector<8x256xf32>
    %eq3A = arith.constant 0 : i32
    %eq3A_56 = arith.cmpi eq, %arg0, %eq3A : i32
    %convert_element_type3A = arith.extui %eq3A_56 : i1 to i32
    %cond3A = arith.constant 0 : i32
    %cond3A_57 = arith.cmpi ne, %convert_element_type3A, %cond3A : i32
    scf.if %cond3A_57 {
      %swap3A = arith.constant 0 : index
      %swap3A_67 = arith.constant 0 : index
      %swap3A_68 = vector.load %arg12[%swap3A, %swap3A_67] : memref<8x256xf32, #tpu.memory_space<vmem>>, vector<8x256xf32>
      tpu.vector_store %arg12[%swap3A, %swap3A_67], %reduce_max3A_55 {strides = array<i32>} : memref<8x256xf32, #tpu.memory_space<vmem>>, vector<8x256xf32>,
    } else {
    }
    %gt3A = arith.constant 0 : i32
    %gt3A_58 = arith.cmpi sgt, %arg0, %gt3A : i32
    %convert_element_type3A_59 = arith.extui %gt3A_58 : i1 to i32
    %cond3A_60 = arith.constant 0 : i32
    %cond3A_61 = arith.cmpi ne, %convert_element_type3A_59, %cond3A_60 : i32
    scf.if %cond3A_61 {
      %get3A_67 = arith.constant 0 : index
      %get3A_68 = arith.constant 0 : index
      %get3A_69 = vector.load %arg12[%get3A_67, %get3A_68] : memref<8x256xf32, #tpu.memory_space<vmem>>, vector<8x256xf32>
      %max3A_70 = arith.maximumf %get3A_69, %reduce_max3A_55 : vector<8x256xf32>
      %swap3A = arith.constant 0 : index
      %swap3A_71 = arith.constant 0 : index
      %swap3A_72 = vector.load %arg12[%swap3A, %swap3A_71] : memref<8x256xf32, #tpu.memory_space<vmem>>, vector<8x256xf32>
      tpu.vector_store %arg12[%swap3A, %swap3A_71], %max3A_70 {strides = array<i32>} : memref<8x256xf32, #tpu.memory_space<vmem>>, vector<8x256xf32>,
    } else {
    }
    %eq3A_62 = arith.constant 9 : i32
    %eq3A_63 = arith.cmpi eq, %arg0, %eq3A_62 : i32
    %convert_element_type3A_64 = arith.extui %eq3A_63 : i1 to i32
    %cond3A_65 = arith.constant 0 : i32
    %cond3A_66 = arith.cmpi ne, %convert_element_type3A_64, %cond3A_65 : i32
    scf.if %cond3A_66 {
      %get3A_67 = arith.constant 0 : index
      %get3A_68 = arith.constant 0 : index
      %get3A_69 = vector.load %arg12[%get3A_67, %get3A_68] : memref<8x256xf32, #tpu.memory_space<vmem>>, vector<8x256xf32>
      %reduce_max3A_70 = arith.constant dense<0xFF800000> : vector<256xf32>
      %reduce_max3A_71 = vector.multi_reduction <maximumf>, %get3A_69, %reduce_max3A_70 [0] : vector<8x256xf32> to vector<256xf32>
      %broadcast_in_dim3A = vector.shape_cast %reduce_max3A_71 : vector<256xf32> to vector<1x256xf32>
      %broadcast_in_dim3A_72 = vector.shape_cast %broadcast_in_dim3A : vector<1x256xf32> to vector<1x256xf32>
      %broadcast_in_dim3A_73 = vector.broadcast %broadcast_in_dim3A_72 : vector<1x256xf32> to vector<8x256xf32>
      %get3A_74 = arith.constant 0 : index
      %get3A_75 = arith.constant 0 : index
      %get3A_76 = vector.load %arg9[%get3A_74, %get3A_75] : memref<256x128xf32, #tpu.memory_space<vmem>>, vector<256x128xf32>
      %dot_general3A_77 = arith.constant dense<0.000000e+00> : vector<8x128xf32>
      %dot_general3A_78 = tpu.matmul %broadcast_in_dim3A_73, %get3A_76, %dot_general3A_77 {dimension_numbers = #tpu.dot_dimension_numbers<[1], [0], [0], [1], [0, 0, 1, 1], [], []>, precision = #tpu.contract_precision<fp32>, transpose_lhs_hint = false} : vector<8x256xf32>, vector<256x128xf32>, vector<8x128xf32> -> vector<8x128xf32>
      %get3A_79 = arith.constant 0 : index
      %get3A_80 = arith.constant 0 : index
      %get3A_81 = vector.load %arg10[%get3A_79, %get3A_80] : memref<1x128xf32, #tpu.memory_space<vmem>>, vector<1x128xf32>
      %add3A_82 = vector.broadcast %get3A_81 : vector<1x128xf32> to vector<8x128xf32>
      %add3A_83 = arith.addf %dot_general3A_78, %add3A_82 : vector<8x128xf32>
      %slice3A = vector.extract_strided_slice %add3A_83 {offsets = [0, 0], sizes = [1, 128], strides = [1, 1]} : vector<8x128xf32> to vector<1x128xf32>
      %swap3A = arith.constant 0 : index
      %swap3A_84 = arith.constant 0 : index
      %swap3A_85 = vector.load %arg11[%swap3A, %swap3A_84] : memref<1x128xf32, #tpu.memory_space<vmem>>, vector<1x128xf32>
      tpu.vector_store %arg11[%swap3A, %swap3A_84], %slice3A {strides = array<i32>} : memref<1x128xf32, #tpu.memory_space<vmem>>, vector<1x128xf32>,
    } else {
    }
    return
  }
  func.func @transform_0(%arg0: i32) -> (i32, i32) {
    %c0_i32 = arith.constant 0 : i32
    %c0_i32_0 = arith.constant 0 : i32
    return %arg0, %c0_i32 : i32, i32
  }
  func.func @transform_1(%arg0: i32) -> (i32, i32) {
    %c0_i32 = arith.constant 0 : i32
    %c0_i32_0 = arith.constant 0 : i32
    return %arg0, %c0_i32 : i32, i32
  }
  func.func @transform_2(%arg0: i32) -> (i32, i32) {
    %c0_i32 = arith.constant 0 : i32
    %c0_i32_0 = arith.constant 0 : i32
    return %arg0, %c0_i32 : i32, i32
  }
  func.func @transform_3(%arg0: i32) -> (i32, i32) {
    %c0_i32 = arith.constant 0 : i32
    %c0_i32_0 = arith.constant 0 : i32
    return %arg0, %c0_i32 : i32, i32
  }
  func.func @transform_4(%arg0: i32) -> (i32, i32) {
    %c0_i32 = arith.constant 0 : i32
    %c0_i32_0 = arith.constant 0 : i32
    return %arg0, %c0_i32 : i32, i32
  }
  func.func @transform_5(%arg0: i32) -> (i32, i32, i32) {
    %c0_i32 = arith.constant 0 : i32
    %c0_i32_0 = arith.constant 0 : i32
    %c0_i32_1 = arith.constant 0 : i32
    %c0_i32_2 = arith.constant 0 : i32
    return %c0_i32, %c0_i32_0, %c0_i32_1 : i32, i32, i32
  }
  func.func @transform_6(%arg0: i32) -> (i32, i32, i32) {
    %c0_i32 = arith.constant 0 : i32
    %c0_i32_0 = arith.constant 0 : i32
    %c0_i32_1 = arith.constant 0 : i32
    %c0_i32_2 = arith.constant 0 : i32
    return %c0_i32, %c0_i32_0, %c0_i32_1 : i32, i32, i32
  }
  func.func @transform_7(%arg0: i32) -> (i32, i32) {
    %c0_i32 = arith.constant 0 : i32
    %c0_i32_0 = arith.constant 0 : i32
    %c0_i32_1 = arith.constant 0 : i32
    return %c0_i32, %c0_i32_0 : i32, i32
  }
  func.func @transform_8(%arg0: i32) -> (i32, i32) {
    %c0_i32 = arith.constant 0 : i32
    %c0_i32_0 = arith.constant 0 : i32
    %c0_i32_1 = arith.constant 0 : i32
    return %c0_i32, %c0_i32_0 : i32, i32
  }
  func.func @transform_9(%arg0: i32) -> (i32, i32) {
    %c0_i32 = arith.constant 0 : i32
    %c0_i32_0 = arith.constant 0 : i32
    %c0_i32_1 = arith.constant 0 : i32
    return %c0_i32, %c0_i32_0 : i32, i32
  }
  func.func @transform_10(%arg0: i32) -> (i32, i32) {
    %c0_i32 = arith.constant 0 : i32
    %c0_i32_0 = arith.constant 0 : i32
    %c0_i32_1 = arith.constant 0 : i32
    return %c0_i32, %c0_i32_0 : i32, i32
  }
}

</mosaic_0001>

<sc_bundles>
// kernel: kernel.11.cloned.1.call-start
scs
__scs_entry_jumppad:
0x0: {  	(pc) =	sbr.rel $0x88, $3  }
0x1: {  	(tag) =	ssettag $0x0;
	lr =	simm.s32 $0x1  }
0x2: {  	[smem:$0x3F94] =	sst lr;
	_ =	strace $0xD0000000  }
0x3: {  	_ = 	snop  }
0x4: {  	_ = 	snop  }
0x5: {  	_ = 	snop  }
0x6: {  	_ = 	snop  }
0x7: {  	_ = 	snop  }
__scs_overlays_trampoline_lowered:
0x8: {  	[smem:$0x3FA3] =	sst s0  }
0x9: {  	[smem:$0x3FA4] =	sst s1  }
0xa: {  	[smem:$0x3FA5] =	sst s2  }
0xb: {  	[smem:$0x3FA6] =	sst s3  }
0xc: {  	[smem:$0x3FA7] =	sst s4  }
0xd: {  	[smem:$0x3FA8] =	sst s5  }
0xe: {  	[smem:$0x3FA9] =	sst s6  }
0xf: {  	[smem:$0x3FAA] =	sst s7  }
0x10: {  	[smem:$0x3FAB] =	sst s8  }
0x11: {  	[smem:$0x3FAC] =	sst s9;
	s0 =	simm.s32 @!p0 $0x0  }
0x12: {  	s1 =	sld [smem:$0x3F92];
	s0 =	simm.s32 @p0 $0x1  }
0x13: {  	[smem:$0x3FAD] =	sst s0;
	s0 =	simm.s32 @!p1 $0x0  }
0x14: {  	s2 =	sld [smem:$0x3F91];
	s0 =	simm.s32 @p1 $0x1  }
0x15: {  	[smem:$0x3FAE] =	sst s0;
	s0 =	simm.s32 @!p2 $0x0  }
0x16: {  	s3 =	sld [smem:$0x3FDB];
	s0 =	simm.s32 @p2 $0x1  }
0x17: {  	s4 =	simm.s32 $0x1BF5;
	[smem:$0x3FB0] =	sst s0  }
0x18: {  	s0 =	sld [smem:$0x3F93];
	_ =	swait.ge [sflag:s4], $0x0  }
0x19: {  	s7 =	sld [smem:$0x3F94]  }
0x1a: {  	s8 =	sadd.s32 $0xFFFFE003, lr  }
0x1b: {  	s9 =	sadd.s32 $0xFFFFFEF7, lr;
	s5 =	simm.s32 $0xFFFFFFFF;
	p2 =	slt.u32 s8, $0xFFFFF086  }
0x1c: {  	p1 =	slt.u32 s9, $0xF7A;
	s5 =	simm.s32 @!p2 $0x0  }
0x1d: {  	s5 =	simm.s32 @p1 $0x1;
	p0 =	seq.s32 s7, s2  }
0x1e: {  	s7 =	smul.u32 @!p0 $0xF7A, s2;
	p2 =	seq.s32 @!p0 s5, $0x0  }
0x1f: {  	s9 =	smul.u32 $0xF7A, s1;
	s8 =	simm.s32 @!p0 $0x1BF5;
	p2 =	por !p2, p0  }
0x20: {  	[sflag:s8] =	ssyncset.s32 @!p0 $0xFFFFF086;
	s6 =	sadd.s32 @!p0 s3, s7;
	s7 =	simm.s32 @!p0 $0x108  }
0x21: {  	s3 =	sadd.s32 s3, s9;
	s6 =	sadd.s32 @!p0 $0x88, s6;
	s7 =	simm.s32 @p2 $0x1082  }
0x22: {  	[simem:s7], [sflag:s8] =	dma.local @!p0 [hbm:s6], $0xF7A  }
0x23: {  	s9 =	sor.u32 $0xD0000000, s2;
	s6 =	simm.s32 $0x108;
	_ =	swait.ge @!p0 [sflag:s8], $0x0  }
0x24: {  	s3 =	sadd.s32 $0x88, s3;
	s6 =	simm.s32 @!p1 $0x1082;
	[sflag:s4] =	ssyncset.s32 $0xFFFFF086  }
0x25: {  	[simem:s6], [sflag:s4] =	dma.local [hbm:s3], $0xF7A  }
0x26: {  	[smem:$0x3F94] =	sst s1;
	(tag) =	ssettag s2;
	_ =	strace s9  }
0x27: {  	s1 =	sld [smem:$0x3FA4]  }
0x28: {  	s2 =	sld [smem:$0x3FA5]  }
0x29: {  	s4 =	sld [smem:$0x3FA7]  }
0x2a: {  	p0 =	seq.s32 s5, $0x0;
	s5 =	sld [smem:$0x3FA8]  }
0x2b: {  	s6 =	sld [smem:$0x3FA9]  }
0x2c: {  	s7 =	sld [smem:$0x3FAA]  }
0x2d: {  	s3 =	simm.s32 $0x108;
	s8 =	sld [smem:$0x3FAB]  }
0x2e: {  	s3 =	simm.s32 @!p0 $0x1082;
	s9 =	sld [smem:$0x3FAC]  }
0x2f: {  	lr =	sadd.s32 s0, s3;
	s0 =	sld [smem:$0x3FA3]  }
0x30: {  	s3 =	sld [smem:$0x3FA6]  }
0x31: {  	[smem:$0x3FAF] =	sst s10  }
0x32: {  	s10 =	sld [smem:$0x3FAD];
	_ =	sdelay $0x3  }
0x33: {  	p0 =	seq.s32 s10, $0x1;
	s10 =	sld [smem:$0x3FAF];
	_ =	sdelay $0x3  }
0x34: {  	[smem:$0x3FAF] =	sst s10  }
0x35: {  	s10 =	sld [smem:$0x3FAE];
	_ =	sdelay $0x3  }
0x36: {  	p1 =	seq.s32 s10, $0x1;
	s10 =	sld [smem:$0x3FAF];
	_ =	sdelay $0x3  }
0x37: {  	[smem:$0x3FAF] =	sst s10  }
0x38: {  	s10 =	sld [smem:$0x3FB0]  }
0x39: {  	_ = 	snop;
	(pc) =	sbr.ind lr, $3  }
0x3a: {  	_ = 	snop  }
0x3b: {  	_ = 	snop  }
0x3c: {  	p2 =	seq.s32 s10, $0x1;
	s10 =	sld [smem:$0x3FAF]  }
0x3d: {  	_ =	shalt  }
0x3e: {  	_ =	shalt  }
0x3f: {  	_ =	shalt  }
0x40: {  	_ =	shalt  }
0x41: {  	_ =	shalt  }
0x42: {  	_ =	shalt  }
0x43: {  	_ =	shalt  }
0x44: {  	_ =	shalt  }
0x45: {  	_ =	shalt  }
0x46: {  	_ =	shalt  }
0x47: {  	_ =	shalt  }
0x48: {  	_ =	shalt  }
0x49: {  	_ =	shalt  }
0x4a: {  	_ =	shalt  }
0x4b: {  	_ =	shalt  }
0x4c: {  	_ =	shalt  }
0x4d: {  	_ =	shalt  }
0x4e: {  	_ =	shalt  }
0x4f: {  	_ =	shalt  }
0x50: {  	_ =	shalt  }
0x51: {  	_ =	shalt  }
0x52: {  	_ =	shalt  }
0x53: {  	_ =	shalt  }
0x54: {  	_ =	shalt  }
0x55: {  	_ =	shalt  }
0x56: {  	_ =	shalt  }
0x57: {  	_ =	shalt  }
0x58: {  	_ =	shalt  }
0x59: {  	_ =	shalt  }
0x5a: {  	_ =	shalt  }
0x5b: {  	_ =	shalt  }
0x5c: {  	_ =	shalt  }
0x5d: {  	_ =	shalt  }
0x5e: {  	_ =	shalt  }
0x5f: {  	_ =	shalt  }
0x60: {  	_ =	shalt  }
0x61: {  	_ =	shalt  }
0x62: {  	_ =	shalt  }
0x63: {  	_ =	shalt  }
0x64: {  	_ =	shalt  }
0x65: {  	_ =	shalt  }
0x66: {  	_ =	shalt  }
0x67: {  	_ =	shalt  }
0x68: {  	_ =	shalt  }
0x69: {  	_ =	shalt  }
0x6a: {  	_ =	shalt  }
0x6b: {  	_ =	shalt  }
0x6c: {  	_ =	shalt  }
0x6d: {  	_ =	shalt  }
0x6e: {  	_ =	shalt  }
0x6f: {  	_ =	shalt  }
0x70: {  	_ =	shalt  }
0x71: {  	_ =	shalt  }
0x72: {  	_ =	shalt  }
0x73: {  	_ =	shalt  }
0x74: {  	_ =	shalt  }
0x75: {  	_ =	shalt  }
0x76: {  	_ =	shalt  }
0x77: {  	_ =	shalt  }
0x78: {  	_ =	shalt  }
0x79: {  	_ =	shalt  }
0x7a: {  	_ =	shalt  }
0x7b: {  	_ =	shalt  }
0x7c: {  	_ =	shalt  }
0x7d: {  	_ =	shalt  }
0x7e: {  	_ =	shalt  }
0x7f: {  	_ =	shalt  }
0x80: {  	_ =	shalt  }
0x81: {  	_ =	shalt  }
0x82: {  	_ =	shalt  }
0x83: {  	_ =	shalt  }
0x84: {  	_ =	shalt  }
0x85: {  	_ =	shalt  }
0x86: {  	_ =	shalt  }
0x87: {  	_ =	shalt  }
.Lfunc_end0:
.L_simem_size_0:
called_computation.1_lowered:
.L_overlay_start_0:
0x88: {  	s2 =	sld [smem:$0x3FD9]  }
0x89: {  	s3 =	sld [smem:$0x3FFE];
	_ =	sdelay $0x1  }
0x8a: {  	s1 =	srdreg.scid  }
0x8b: {  	s0 =	sand.u32 $0x1, s1  }
0x8c: {  	s16 =	sshll.u32 s0, $0xA;
	s2 =	sadd.s32 s3, s2  }
0x8d: {  	s2 =	sadd.s32 s2, s16  }
0x8e: {  	[smem:$0x3FBB] =	sst s2  }
0x8f: {  	_ = 	snop  }
0x90: {  	(tm) =	ssettm $0x1  }
0x91: {  	s17 =	sld [smem:$0x3FFB];
	_ =	sdelay $0x3  }
0x92: {  	_ =	strace s17  }
0x93: {  	s2 =	sld [smem:$0x3FFC];
	_ =	sdelay $0x3  }
0x94: {  	_ =	strace s2  }
0x95: {  	s2 =	sld [smem:$0x3FFD];
	_ =	sdelay $0x3  }
0x96: {  	_ =	strace s2  }
0x97: {  	_ =	strace $0x8FFFFFFF  }
0x98: {  	s18 =	sld [smem:$0x3FDB];
	_ =	sdelay $0x1  }
0x99: {  	s19 =	simm.s32 $_scs_section_size  }
0x9a: {  	s4 =	simm.s32 $_size__tile_overlayer_lowered;
	s5 =	simm.s32 $_tile_overlayer_lowered  }
0x9b: {  	s22 =	simm.s32 $0x1BFF;
	s21 =	sshll.u32 s5, $0x1;
	s2 =	sadd.s32 s19, s18  }
0x9c: {  	s6 =	simm.s32 $0x0;
	s20 =	sshll.u32 s4, $0x1;
	s4 =	sadd.s32 s21, s2  }
0x9d: {  	[timem:s6], [sflag:s22] =	dma.local [hbm:s4], s20  }
0x9e: {  	_ =	swait.ge [sflag:s22], s20  }
0x9f: {  	s3 =	ssub.s32 $0x0, s20;
	[sflag:s22] =	ssyncset.done $0x0  }
0xa0: {  	[sflag:s22] =	ssyncadd.s32 s3;
	_ =	sdelay $0x1  }
0xa1: {  	s23 =	simm.s32 $0x1B8B  }
0xa2: {  	_ =	swait.ge [sflag:s23], $0x1  }
0xa3: {  	[sflag:s23] =	ssyncset.done $0x0  }
0xa4: {  	s25 =	simm.s32 $0x1B8E;
	s24 =	sld [smem:$0x3FFE];
	[sflag:s23] =	ssyncadd.s32 $0xFFFFFFFF  }
0xa5: {  	s26 =	simm.s32 $execute0_lowered;
	[smem:$0x3FD2] =	sst s25  }
0xa6: {  	s4 =	sshll.u32 s26, $0x1;
	_ =	strace $0x80000049;
	[dreg:$0x1] =	wrdreg $0xFFFFFFFF  }
0xa7: {  	s28 =	simm.s32 $_size_execute0_lowered;
	s2 =	sadd.s32 s2, s4;
	[dreg:$0x0] =	wrdreg $0x0  }
0xa8: {  	s4 =	sshll.u32 s28, $0x1;
	[dreg:$0x2] =	wrdreg s2  }
0xa9: {  	[dreg:$0x3] =	wrdreg s4  }
0xaa: {  	[dreg:$0x4] =	wrdreg $0xC0  }
0xab: {  	_ =	task [dreg:s6], $0x5FFFF  }
0xac: {  	[dreg:$0x1] =	wrdreg $0xFFFFFFFF  }
0xad: {  	[dreg:$0x0] =	wrdreg $0x60  }
0xae: {  	[dreg:$0x2] =	wrdreg s24  }
0xaf: {  	[dreg:$0x3] =	wrdreg $0x0  }
0xb0: {  	[dreg:$0x4] =	wrdreg $0x9  }
0xb1: {  	_ =	task.clear_ibuf [dreg:s6], $0x5FFFF;
	_ =	strace $0x90000049  }
0xb2: {  	s29 =	simm.s32 $0x9;
	_ =	strace $0x8000004B  }
0xb3: {  	_ =	swait.ge [sflag:s29], $0x1  }
0xb4: {  	[sflag:s29] =	ssyncadd.s32 $0xFFFFFFFF  }
0xb5: {  	_ =	strace $0x9000004B  }
0xb6: {  	_ =	sfence  }
0xb7: {  	s30 =	sld [smem:$0x0];
	_ =	sdelay $0x2  }
0xb8: {  	s31 =	sshll.u32 s1, $0xD;
	s1 =	sshrl.u32 s1, $0x2  }
0xb9: {  	s3 =	sand.u32 $0x4000, s31;
	s1 =	sadd.s32 s1, s30  }
0xba: {  	s0 =	sor.u32 s3, s0;
	s1 =	sshll.u32 s1, $0x11  }
0xbb: {  	s0 =	sor.u32 s1, s0  }
0xbc: {  	s0 =	sadd.s32 $0x8F2B, s0  }
0xbd: {  	[sflag:s0] =	ssyncadd.remote.s32 $0x1  }
0xbe: {  	_ =	sfence.sel $0xFFFF  }
0xbf: {  	[dreg:$0x0] =	wrdreg $0xFFFFFFFF;
	(pc) =	sbr.abs _section_cstart, $3  }
0xc0: {  	[dreg:$0x1] =	wrdreg $0xFFFFFFFF  }
0xc1: {  	_ =	task.clear_ibuf [dreg:s6], $0x2FFFF;
	_ =	strace $0x9FFFFFFF  }
0xc2: {  	(tm) =	ssettm $0x7FFFFFFF  }
0xc3: {  	_ =	shalt  }
tec
execute0_lowered:
.L_overlay_start_1:
0x0: {  	(tag) =	ssettag $0x1  }
0x1: {  	s8 =	rddreg [dreg:$0x0]  }
0x2: {  	s2 =	rddreg [dreg:$0x1];
	s3 =	simm.s32 $0x0;
	s0 =	stileid.u32  }
0x3: {  	s7 =	srdreg.scid;
	s17 =	simm.s32 $0x3;
	s20 =	simm.s32 $0x16000  }
0x4: {  	s21 =	simm.s32 $0x50;
	s22 =	simm.s32 $0x18780;
	s23 =	simm.s32 $0x1AF80  }
0x5: {  	s24 =	simm.s32 $0x1;
	s25 =	simm.s32 $0x2;
	s26 =	simm.s32 $0x15F40  }
0x6: {  	s28 =	simm.s32 $0x186C0;
	s29 =	simm.s32 $0x0;
	[smem:$0x7FF] =	sst s3  }
0x7: {  	s6 =	smul.u32 $0x4E2, s0;
	s4 =	sadd.s32 $0xE400, s8;
	s5 =	sadd.s32 $0x35600, s8  }
0x8: {  	s11 =	sand.u32 $0x1, s7;
	s9 =	smul.u32 $0x4E000, s0;
	s7 =	sadd.s32 $0x5F200, s8  }
0x9: {  	s31 =	sshll.u32 s0, $0x6;
	s14 =	smul.u32 $0x2700, s0;
	p1 =	sne.s32 s0, $0xF  }
0xa: {  	p2 =	seq.s32 s0, $0xF;
	_ =	strace $0x8000004A;
	s10 =	ssub.s32 $0x2, s11  }
0xb: {  	p0 =	seq.s32 s11, $0x1;
	s12 =	sadd.s32 s6, s8;
	s6 =	sadd.s32 $0x5CA00, s8  }
.Ltmp0:
0xc: {  	s13 =	sshrl.u32 s10, $0x1;
	s9 =	sshrl.u32 s9, $0x2;
	(pc) =	sbr.rel .LBB2_1-.Ltmp0, $4  }
0xd: {  	s8 =	sadd.s32 $0x86400, s8;
	s15 =	ssub.s32 s10, s13;
	s16 =	sadd.s32 s9, s2  }
0xe: {  	s9 =	sor.u32 $0x1C03, s31;
	s10 =	sadd.s32 $0x138000, s2;
	s11 =	sadd.s32 $0x9400, s12  }
0xf: {  	s12 =	sadd.s32 $0x4400, s12;
	s13 =	sadd.s32 s7, s14;
	s14 =	sadd.s32 s8, s14  }
0x10: {  	s15 =	smax.u32 s15, $0x1;
	s16 =	sshrl.u32 s16, $0x3;
	s18 =	sshrl.u32 @!p1 s10, $0x3  }
.LBB2_8:
0x11: {  	s0 =	sadd.s32 $0x27000, s30;
	s1 =	sshrl.u32 s10, $0x3  }
0x12: {  	[hbm:s0], [sflag:s9] =	dma.local [spmem:s1], $0x100  }
0x13: {  	_ =	swait.ge [sflag:s17], $0x100  }
0x14: {  	[sflag:s17] =	ssyncset.done $0x0  }
0x15: {  	[sflag:s17] =	ssyncadd.s32 $0xFFFFFF00  }
.LBB2_9:
0x16: {  	s29 =	sadd.s32 $0x1, s29  }
0x17: {  	p3 =	sne.s32 s29, s15  }
.Ltmp1:
0x18: {  	_ = 	snop;
	(pc) =	sbr.rel @!p3 .LBB2_10-.Ltmp1, $1  }
0x19: {  	_ =	sdelay $0x3  }
.LBB2_1:
0x1a: {  	[spmem:s16], [sflag:s9] =	dma.local [hbm:s6], $0x2700  }
0x1b: {  	_ =	swait.ge [sflag:s17], $0x2700  }
0x1c: {  	[sflag:s17] =	ssyncset.done $0x0  }
0x1d: {  	s30 =	simm.s32 @!p1 $0x3;
	[sflag:s17] =	ssyncadd.s32 $0xFFFFD900  }
0x1e: {  	[spmem:s18], [sflag:s9] =	dma.local @!p1 [hbm:s6], $0x100  }
0x1f: {  	_ =	swait.ge @!p1 [sflag:s30], $0x100  }
0x20: {  	[sflag:s30] =	ssyncset.done @!p1 $0x0  }
0x21: {  	s0 =	simm.s32 $0x13880;
	[sflag:s30] =	ssyncadd.s32 @!p1 $0xFFFFFF00  }
0x22: {  	[tilespmem:s0], [sflag:$0x3] =	stream.linear.gather [hbm4b:s11+s3], $0x2710, $0x38;
	[tilespmem:$0x1D780] =	vst v63  }
0x23: {  	_ =	swait.ge [sflag:s17], $0x2710  }
0x24: {  	[sflag:s17] =	ssyncset.done $0x0  }
0x25: {  	[sflag:s17] =	ssyncadd.s32 $0xFFFFD8F0  }
0x26: {  	[tilespmem:s20], [sflag:$0x3] =	stream.linear.gather [hbm4b:s12+s3], $0x2710, $0x38;
	[tilespmem:$0x1D780] =	vst v63  }
.Ltmp2:
0x27: {  	_ =	swait.ge [sflag:s17], $0x2710;
	(pc) =	sbr.rel @!p0 .LBB2_2-.Ltmp2, $3  }
0x28: {  	[sflag:s17] =	ssyncset.done $0x0  }
0x29: {  	[sflag:s17] =	ssyncadd.s32 $0xFFFFD8F0  }
0x2a: {  	[bflag:$0x0] =	sbarrier.arrive $0xFFFF;
	_ =	sdelay $0x1  }
0x2b: {  	s0 =	simm.s32 $0x13880  }
0x2c: {  	[tilespmem:s22], [sflag:$0x1] =	stream.indirect.gather [hbm4b:s5+s21], $0x80, s0, s21, $0xb8;
	[tilespmem:$0x1D780] =	vst v63  }
0x2d: {  	s19 =	simm.s32 $0x138D0  }
0x2e: {  	[tilespmem:s23], [sflag:$0x2] =	stream.indirect.gather [hbm4b:s5+s21], $0x80, s19, s21, $0xb8;
	[tilespmem:$0x1D780] =	vst v63  }
0x2f: {  	_ =	swait.ge [sflag:s24], $0x2800  }
0x30: {  	[sflag:s24] =	ssyncset.done $0x0  }
0x31: {  	s1 =	simm.s32 $0x16000;
	[sflag:s24] =	ssyncadd.s32 $0xFFFFD800  }
0x32: {  	[spmem:s2] =	stream.indirect.scatter.add.f32 [tilespmem:s22], [sflag:$0x3], $0x80, s1, s21, $0xb8;
	[tilespmem:$0x1D780] =	vst v63  }
0x33: {  	_ =	swait.ge [sflag:s17], $0x2800  }
0x34: {  	[sflag:s17] =	ssyncset.done $0x0  }
0x35: {  	[sflag:s17] =	ssyncadd.s32 $0xFFFFD800  }
0x36: {  	_ =	swait.ge [sflag:s25], $0x2800  }
0x37: {  	[sflag:s25] =	ssyncset.done $0x0  }
0x38: {  	s19 =	simm.s32 $0x16050;
	[sflag:s25] =	ssyncadd.s32 $0xFFFFD800  }
0x39: {  	[spmem:s2] =	stream.indirect.scatter.add.f32 [tilespmem:s23], [sflag:$0x3], $0x80, s19, s21, $0xb8;
	[tilespmem:$0x1D780] =	vst v63  }
0x3a: {  	_ =	swait.ge [sflag:s17], $0x2800  }
0x3b: {  	s31 =	simm.s32 $0x500;
	s30 =	simm.s32 $0xA0;
	[sflag:s17] =	ssyncset.done $0x0  }
.LBB2_6:
0x3c: {  	s0 =	sadd.s32 $0x13880, s30  }
0x3d: {  	[sflag:s17] =	ssyncadd.s32 $0xFFFFD800;
	s1 =	smov.u32 s31;
	s19 =	sadd.s32 $0x280, s31  }
0x3e: {  	[tilespmem:s22], [sflag:$0x1] =	stream.indirect.gather [hbm4b:s5+s21], $0x80, s0, s21, $0xb8;
	[tilespmem:$0x1D780] =	vst v63  }
0x3f: {  	p3 =	sne.s32 s31, $0x9880;
	s0 =	sadd.s32 $0x138D0, s30  }
0x40: {  	[tilespmem:s23], [sflag:$0x2] =	stream.indirect.gather [hbm4b:s5+s21], $0x80, s0, s21, $0xb8;
	[tilespmem:$0x1D780] =	vst v63  }
0x41: {  	_ =	swait.ge [sflag:s24], $0x2800  }
0x42: {  	[sflag:s24] =	ssyncset.done $0x0  }
0x43: {  	s0 =	sadd.s32 $0x16000, s30;
	[sflag:s24] =	ssyncadd.s32 $0xFFFFD800  }
0x44: {  	[spmem:s2] =	stream.indirect.scatter.add.f32 [tilespmem:s22], [sflag:$0x3], $0x80, s0, s21, $0xb8;
	[tilespmem:$0x1D780] =	vst v63  }
0x45: {  	_ =	swait.ge [sflag:s17], $0x2800  }
0x46: {  	[sflag:s17] =	ssyncset.done $0x0  }
0x47: {  	[sflag:s17] =	ssyncadd.s32 $0xFFFFD800  }
0x48: {  	_ =	swait.ge [sflag:s25], $0x2800  }
.Ltmp3:
0x49: {  	[sflag:s25] =	ssyncset.done $0x0;
	(pc) =	sbr.rel @p3 .LBB2_6-.Ltmp3, $4  }
0x4a: {  	s0 =	sadd.s32 $0x16050, s30;
	[sflag:s25] =	ssyncadd.s32 $0xFFFFD800  }
0x4b: {  	[spmem:s2] =	stream.indirect.scatter.add.f32 [tilespmem:s23], [sflag:$0x3], $0x80, s0, s21, $0xb8;
	[tilespmem:$0x1D780] =	vst v63  }
0x4c: {  	_ =	swait.ge [sflag:s17], $0x2800  }
0x4d: {  	s31 =	smov.u32 s19;
	s30 =	sshra.s32 s1, $0x2;
	[sflag:s17] =	ssyncset.done $0x0  }
0x4e: {  	s0 =	sadd.s32 $0x13880, s30;
	[sflag:s17] =	ssyncadd.s32 $0xFFFFD800  }
0x4f: {  	[tilespmem:s22], [sflag:$0x1] =	stream.indirect.gather [hbm4b:s5+s21], $0x80, s0, s21, $0xb8;
	[tilespmem:$0x1D780] =	vst v63  }
0x50: {  	s1 =	sadd.s32 $0x138D0, s30  }
0x51: {  	[tilespmem:s23], [sflag:$0x2] =	stream.indirect.gather [hbm4b:s5+s21], $0x80, s1, s21, $0xb8;
	[tilespmem:$0x1D780] =	vst v63  }
0x52: {  	_ =	swait.ge [sflag:s24], $0x2800  }
0x53: {  	[sflag:s24] =	ssyncset.done $0x0  }
0x54: {  	s19 =	sadd.s32 $0x16000, s30;
	[sflag:s24] =	ssyncadd.s32 $0xFFFFD800  }
0x55: {  	[spmem:s2] =	stream.indirect.scatter.add.f32 [tilespmem:s22], [sflag:$0x3], $0x80, s19, s21, $0xb8;
	[tilespmem:$0x1D780] =	vst v63  }
0x56: {  	_ =	swait.ge [sflag:s17], $0x2800  }
0x57: {  	[sflag:s17] =	ssyncset.done $0x0  }
0x58: {  	[sflag:s17] =	ssyncadd.s32 $0xFFFFD800  }
0x59: {  	_ =	swait.ge [sflag:s25], $0x2800  }
0x5a: {  	[sflag:s25] =	ssyncset.done $0x0  }
0x5b: {  	s31 =	sadd.s32 $0x16050, s30;
	[sflag:s25] =	ssyncadd.s32 $0xFFFFD800  }
0x5c: {  	[spmem:s2] =	stream.indirect.scatter.add.f32 [tilespmem:s23], [sflag:$0x3], $0x80, s31, s21, $0xb8;
	[tilespmem:$0x1D780] =	vst v63  }
0x5d: {  	_ =	swait.ge [sflag:s17], $0x2800  }
0x5e: {  	[sflag:s17] =	ssyncset.done $0x0  }
0x5f: {  	[sflag:s17] =	ssyncadd.s32 $0xFFFFD800  }
0x60: {  	[tilespmem:s22], [sflag:$0x1] =	stream.indirect.gather [hbm4b:s5+s21], $0x80, s26, s21, $0xb8;
	[tilespmem:$0x1D780] =	vst v63  }
0x61: {  	_ =	swait.ge [sflag:s24], $0x2800  }
0x62: {  	[sflag:s24] =	ssyncset.done $0x0  }
0x63: {  	[sflag:s24] =	ssyncadd.s32 $0xFFFFD800  }
0x64: {  	[spmem:s2] =	stream.indirect.scatter.add.f32 [tilespmem:s22], [sflag:$0x3], $0x80, s28, s21, $0xb8;
	[tilespmem:$0x1D780] =	vst v63  }
0x65: {  	_ =	swait.ge [sflag:s17], $0x2800  }
0x66: {  	[sflag:s17] =	ssyncset.done $0x0  }
0x67: {  	[sflag:s17] =	ssyncadd.s32 $0xFFFFD800  }
0x68: {  	[bflag:$0x0] =	sbarrier.arrive $0xFFFF  }
0x69: {  	[hbm:s14], [sflag:s9] =	dma.local [spmem:s16], $0x2700  }
.Ltmp4:
0x6a: {  	_ = 	snop;
	(pc) =	sbr.rel @p1 .LBB2_9-.Ltmp4, $4  }
.Ltmp5:
0x6b: {  	_ = 	snop;
	(pc) =	sbr.rel @!p1 .LBB2_8-.Ltmp5, $4  }
0x6c: {  	_ =	swait.ge [sflag:s17], $0x2700  }
0x6d: {  	[sflag:s17] =	ssyncset.done $0x0  }
0x6e: {  	s30 =	smov.u32 s8;
	[sflag:s17] =	ssyncadd.s32 $0xFFFFD900  }
0x6f: {  	_ = 	snop  }
.LBB2_2:
0x70: {  	s30 =	simm.s32 $0x13880  }
0x71: {  	[tilespmem:s22], [sflag:$0x1] =	stream.indirect.gather [hbm4b:s4+s21], $0x80, s30, s21, $0xb8;
	[tilespmem:$0x1D780] =	vst v63  }
0x72: {  	s30 =	simm.s32 $0x138D0  }
0x73: {  	[tilespmem:s23], [sflag:$0x2] =	stream.indirect.gather [hbm4b:s4+s21], $0x80, s30, s21, $0xb8;
	[tilespmem:$0x1D780] =	vst v63  }
0x74: {  	_ =	swait.ge [sflag:s24], $0x2800  }
0x75: {  	[sflag:s24] =	ssyncset.done $0x0  }
0x76: {  	s30 =	simm.s32 $0x16000;
	[sflag:s24] =	ssyncadd.s32 $0xFFFFD800  }
0x77: {  	[spmem:s2] =	stream.indirect.scatter.add.f32 [tilespmem:s22], [sflag:$0x3], $0x80, s30, s21, $0xb8;
	[tilespmem:$0x1D780] =	vst v63  }
0x78: {  	_ =	swait.ge [sflag:s17], $0x2800  }
0x79: {  	[sflag:s17] =	ssyncset.done $0x0  }
0x7a: {  	[sflag:s17] =	ssyncadd.s32 $0xFFFFD800  }
0x7b: {  	_ =	swait.ge [sflag:s25], $0x2800  }
0x7c: {  	[sflag:s25] =	ssyncset.done $0x0  }
0x7d: {  	s30 =	simm.s32 $0x16050;
	[sflag:s25] =	ssyncadd.s32 $0xFFFFD800  }
0x7e: {  	[spmem:s2] =	stream.indirect.scatter.add.f32 [tilespmem:s23], [sflag:$0x3], $0x80, s30, s21, $0xb8;
	[tilespmem:$0x1D780] =	vst v63  }
0x7f: {  	_ =	swait.ge [sflag:s17], $0x2800  }
0x80: {  	s31 =	simm.s32 $0x500;
	s30 =	simm.s32 $0xA0;
	[sflag:s17] =	ssyncset.done $0x0  }
.LBB2_3:
0x81: {  	s0 =	sadd.s32 $0x13880, s30  }
0x82: {  	[sflag:s17] =	ssyncadd.s32 $0xFFFFD800;
	s1 =	smov.u32 s31;
	s19 =	sadd.s32 $0x280, s31  }
0x83: {  	[tilespmem:s22], [sflag:$0x1] =	stream.indirect.gather [hbm4b:s4+s21], $0x80, s0, s21, $0xb8;
	[tilespmem:$0x1D780] =	vst v63  }
0x84: {  	p3 =	sne.s32 s31, $0x9880;
	s0 =	sadd.s32 $0x138D0, s30  }
0x85: {  	[tilespmem:s23], [sflag:$0x2] =	stream.indirect.gather [hbm4b:s4+s21], $0x80, s0, s21, $0xb8;
	[tilespmem:$0x1D780] =	vst v63  }
0x86: {  	_ =	swait.ge [sflag:s24], $0x2800  }
0x87: {  	[sflag:s24] =	ssyncset.done $0x0  }
0x88: {  	s0 =	sadd.s32 $0x16000, s30;
	[sflag:s24] =	ssyncadd.s32 $0xFFFFD800  }
0x89: {  	[spmem:s2] =	stream.indirect.scatter.add.f32 [tilespmem:s22], [sflag:$0x3], $0x80, s0, s21, $0xb8;
	[tilespmem:$0x1D780] =	vst v63  }
0x8a: {  	_ =	swait.ge [sflag:s17], $0x2800  }
0x8b: {  	[sflag:s17] =	ssyncset.done $0x0  }
0x8c: {  	[sflag:s17] =	ssyncadd.s32 $0xFFFFD800  }
0x8d: {  	_ =	swait.ge [sflag:s25], $0x2800  }
.Ltmp6:
0x8e: {  	[sflag:s25] =	ssyncset.done $0x0;
	(pc) =	sbr.rel @p3 .LBB2_3-.Ltmp6, $4  }
0x8f: {  	s0 =	sadd.s32 $0x16050, s30;
	[sflag:s25] =	ssyncadd.s32 $0xFFFFD800  }
0x90: {  	[spmem:s2] =	stream.indirect.scatter.add.f32 [tilespmem:s23], [sflag:$0x3], $0x80, s0, s21, $0xb8;
	[tilespmem:$0x1D780] =	vst v63  }
0x91: {  	_ =	swait.ge [sflag:s17], $0x2800  }
0x92: {  	s31 =	smov.u32 s19;
	s30 =	sshra.s32 s1, $0x2;
	[sflag:s17] =	ssyncset.done $0x0  }
0x93: {  	s0 =	sadd.s32 $0x13880, s30;
	[sflag:s17] =	ssyncadd.s32 $0xFFFFD800  }
0x94: {  	[tilespmem:s22], [sflag:$0x1] =	stream.indirect.gather [hbm4b:s4+s21], $0x80, s0, s21, $0xb8;
	[tilespmem:$0x1D780] =	vst v63  }
0x95: {  	s1 =	sadd.s32 $0x138D0, s30  }
0x96: {  	[tilespmem:s23], [sflag:$0x2] =	stream.indirect.gather [hbm4b:s4+s21], $0x80, s1, s21, $0xb8;
	[tilespmem:$0x1D780] =	vst v63  }
0x97: {  	_ =	swait.ge [sflag:s24], $0x2800  }
0x98: {  	[sflag:s24] =	ssyncset.done $0x0  }
0x99: {  	s19 =	sadd.s32 $0x16000, s30;
	[sflag:s24] =	ssyncadd.s32 $0xFFFFD800  }
0x9a: {  	[spmem:s2] =	stream.indirect.scatter.add.f32 [tilespmem:s22], [sflag:$0x3], $0x80, s19, s21, $0xb8;
	[tilespmem:$0x1D780] =	vst v63  }
0x9b: {  	_ =	swait.ge [sflag:s17], $0x2800  }
0x9c: {  	[sflag:s17] =	ssyncset.done $0x0  }
0x9d: {  	[sflag:s17] =	ssyncadd.s32 $0xFFFFD800  }
0x9e: {  	_ =	swait.ge [sflag:s25], $0x2800  }
0x9f: {  	[sflag:s25] =	ssyncset.done $0x0  }
0xa0: {  	s31 =	sadd.s32 $0x16050, s30;
	[sflag:s25] =	ssyncadd.s32 $0xFFFFD800  }
0xa1: {  	[spmem:s2] =	stream.indirect.scatter.add.f32 [tilespmem:s23], [sflag:$0x3], $0x80, s31, s21, $0xb8;
	[tilespmem:$0x1D780] =	vst v63  }
0xa2: {  	_ =	swait.ge [sflag:s17], $0x2800  }
0xa3: {  	[sflag:s17] =	ssyncset.done $0x0  }
0xa4: {  	[sflag:s17] =	ssyncadd.s32 $0xFFFFD800  }
0xa5: {  	[tilespmem:s22], [sflag:$0x1] =	stream.indirect.gather [hbm4b:s4+s21], $0x80, s26, s21, $0xb8;
	[tilespmem:$0x1D780] =	vst v63  }
0xa6: {  	_ =	swait.ge [sflag:s24], $0x2800  }
0xa7: {  	[sflag:s24] =	ssyncset.done $0x0  }
0xa8: {  	[sflag:s24] =	ssyncadd.s32 $0xFFFFD800  }
0xa9: {  	[spmem:s2] =	stream.indirect.scatter.add.f32 [tilespmem:s22], [sflag:$0x3], $0x80, s28, s21, $0xb8;
	[tilespmem:$0x1D780] =	vst v63  }
0xaa: {  	_ =	swait.ge [sflag:s17], $0x2800  }
0xab: {  	[sflag:s17] =	ssyncset.done $0x0  }
0xac: {  	[sflag:s17] =	ssyncadd.s32 $0xFFFFD800  }
0xad: {  	[bflag:$0x0] =	sbarrier.arrive $0xFFFF  }
0xae: {  	[hbm:s13], [sflag:s9] =	dma.local [spmem:s16], $0x2700  }
.Ltmp7:
0xaf: {  	_ = 	snop;
	(pc) =	sbr.rel @p2 .LBB2_8-.Ltmp7, $4  }
.Ltmp8:
0xb0: {  	_ = 	snop;
	(pc) =	sbr.rel @!p2 .LBB2_9-.Ltmp8, $4  }
0xb1: {  	_ =	swait.ge [sflag:s17], $0x2700  }
0xb2: {  	[sflag:s17] =	ssyncset.done $0x0  }
0xb3: {  	s30 =	smov.u32 s7;
	[sflag:s17] =	ssyncadd.s32 $0xFFFFD900  }
0xb4: {  	_ = 	snop  }
.LBB2_10:
0xb5: {  	_ =	sfence.sel $0x180000  }
0xb6: {  	[bflag:$0x0] =	sbarrier.arrive $0xFFFF  }
0xb7: {  	_ =	strace $0x9000004A  }
0xb8: {  	s0 =	stileid.u32;
	[bflag:$0x2] =	sbarrier.arrive $0xFFFF  }
0xb9: {  	p0 =	sne.s32 s0, $0x0;
	s0 =	rddreg [dreg:$0x2]  }
0xba: {  	s0 =	sadd.s32 @!p0 $0x100000, s0  }
0xbb: {  	[sflag:s0] =	ssyncadd.tile.s32 @!p0 $0x1;
	_ =	shalt  }
.Lfunc_end2:
_tile_overlayer_lowered:
.L_overlay_start_2:
0xbc: {  	(tag) =	ssettag $0x2  }
0xbd: {  	s0 =	rddreg [dreg:$0x0];
	s2 =	stileid.u32  }
0xbe: {  	s1 =	rddreg [dreg:$0x1];
	p0 =	sne.s32 s2, $0x0  }
0xbf: {  	s3 =	rddreg [dreg:$0x2];
	[bflag:$0x3] =	sbarrier.arrive $0xFFFF;
	s2 =	simm.s32 @!p0 $0x1C03  }
0xc0: {  	[timem:s3], [sflag:s2] =	dma.local @!p0 [hbm:s0], s1  }
0xc1: {  	s0 =	simm.s32 @!p0 $0x3  }
0xc2: {  	_ =	swait.ge @!p0 [sflag:s0], s1  }
0xc3: {  	s1 =	ssub.s32 @!p0 $0x0, s1;
	[sflag:s0] =	ssyncset.done @!p0 $0x0  }
0xc4: {  	[sflag:s0] =	ssyncadd.s32 @!p0 s1  }
0xc5: {  	[bflag:$0x3] =	sbarrier.arrive $0xFFFF  }
0xc6: {  	_ =	shalt  }

// kernel: kernel.14.cloned.1.call-start
scs
__scs_entry_jumppad:
0x0: {  	(pc) =	sbr.rel $0x88, $3  }
0x1: {  	(tag) =	ssettag $0x0;
	lr =	simm.s32 $0x1  }
0x2: {  	[smem:$0x3F94] =	sst lr;
	_ =	strace $0xD0000000  }
0x3: {  	_ = 	snop  }
0x4: {  	_ = 	snop  }
0x5: {  	_ = 	snop  }
0x6: {  	_ = 	snop  }
0x7: {  	_ = 	snop  }
__scs_overlays_trampoline_lowered:
0x8: {  	[smem:$0x3FA3] =	sst s0  }
0x9: {  	[smem:$0x3FA4] =	sst s1  }
0xa: {  	[smem:$0x3FA5] =	sst s2  }
0xb: {  	[smem:$0x3FA6] =	sst s3  }
0xc: {  	[smem:$0x3FA7] =	sst s4  }
0xd: {  	[smem:$0x3FA8] =	sst s5  }
0xe: {  	[smem:$0x3FA9] =	sst s6  }
0xf: {  	[smem:$0x3FAA] =	sst s7  }
0x10: {  	[smem:$0x3FAB] =	sst s8  }
0x11: {  	[smem:$0x3FAC] =	sst s9;
	s0 =	simm.s32 @!p0 $0x0  }
0x12: {  	s1 =	sld [smem:$0x3F92];
	s0 =	simm.s32 @p0 $0x1  }
0x13: {  	[smem:$0x3FAD] =	sst s0;
	s0 =	simm.s32 @!p1 $0x0  }
0x14: {  	s2 =	sld [smem:$0x3F91];
	s0 =	simm.s32 @p1 $0x1  }
0x15: {  	[smem:$0x3FAE] =	sst s0;
	s0 =	simm.s32 @!p2 $0x0  }
0x16: {  	s3 =	sld [smem:$0x3FDB];
	s0 =	simm.s32 @p2 $0x1  }
0x17: {  	s4 =	simm.s32 $0x1BF5;
	[smem:$0x3FB0] =	sst s0  }
0x18: {  	s0 =	sld [smem:$0x3F93];
	_ =	swait.ge [sflag:s4], $0x0  }
0x19: {  	s7 =	sld [smem:$0x3F94]  }
0x1a: {  	s8 =	sadd.s32 $0xFFFFE003, lr  }
0x1b: {  	s9 =	sadd.s32 $0xFFFFFEF7, lr;
	s5 =	simm.s32 $0xFFFFFFFF;
	p2 =	slt.u32 s8, $0xFFFFF086  }
0x1c: {  	p1 =	slt.u32 s9, $0xF7A;
	s5 =	simm.s32 @!p2 $0x0  }
0x1d: {  	s5 =	simm.s32 @p1 $0x1;
	p0 =	seq.s32 s7, s2  }
0x1e: {  	s7 =	smul.u32 @!p0 $0xF7A, s2;
	p2 =	seq.s32 @!p0 s5, $0x0  }
0x1f: {  	s9 =	smul.u32 $0xF7A, s1;
	s8 =	simm.s32 @!p0 $0x1BF5;
	p2 =	por !p2, p0  }
0x20: {  	[sflag:s8] =	ssyncset.s32 @!p0 $0xFFFFF086;
	s6 =	sadd.s32 @!p0 s3, s7;
	s7 =	simm.s32 @!p0 $0x108  }
0x21: {  	s3 =	sadd.s32 s3, s9;
	s6 =	sadd.s32 @!p0 $0x88, s6;
	s7 =	simm.s32 @p2 $0x1082  }
0x22: {  	[simem:s7], [sflag:s8] =	dma.local @!p0 [hbm:s6], $0xF7A  }
0x23: {  	s9 =	sor.u32 $0xD0000000, s2;
	s6 =	simm.s32 $0x108;
	_ =	swait.ge @!p0 [sflag:s8], $0x0  }
0x24: {  	s3 =	sadd.s32 $0x88, s3;
	s6 =	simm.s32 @!p1 $0x1082;
	[sflag:s4] =	ssyncset.s32 $0xFFFFF086  }
0x25: {  	[simem:s6], [sflag:s4] =	dma.local [hbm:s3], $0xF7A  }
0x26: {  	[smem:$0x3F94] =	sst s1;
	(tag) =	ssettag s2;
	_ =	strace s9  }
0x27: {  	s1 =	sld [smem:$0x3FA4]  }
0x28: {  	s2 =	sld [smem:$0x3FA5]  }
0x29: {  	s4 =	sld [smem:$0x3FA7]  }
0x2a: {  	p0 =	seq.s32 s5, $0x0;
	s5 =	sld [smem:$0x3FA8]  }
0x2b: {  	s6 =	sld [smem:$0x3FA9]  }
0x2c: {  	s7 =	sld [smem:$0x3FAA]  }
0x2d: {  	s3 =	simm.s32 $0x108;
	s8 =	sld [smem:$0x3FAB]  }
0x2e: {  	s3 =	simm.s32 @!p0 $0x1082;
	s9 =	sld [smem:$0x3FAC]  }
0x2f: {  	lr =	sadd.s32 s0, s3;
	s0 =	sld [smem:$0x3FA3]  }
0x30: {  	s3 =	sld [smem:$0x3FA6]  }
0x31: {  	[smem:$0x3FAF] =	sst s10  }
0x32: {  	s10 =	sld [smem:$0x3FAD];
	_ =	sdelay $0x3  }
0x33: {  	p0 =	seq.s32 s10, $0x1;
	s10 =	sld [smem:$0x3FAF];
	_ =	sdelay $0x3  }
0x34: {  	[smem:$0x3FAF] =	sst s10  }
0x35: {  	s10 =	sld [smem:$0x3FAE];
	_ =	sdelay $0x3  }
0x36: {  	p1 =	seq.s32 s10, $0x1;
	s10 =	sld [smem:$0x3FAF];
	_ =	sdelay $0x3  }
0x37: {  	[smem:$0x3FAF] =	sst s10  }
0x38: {  	s10 =	sld [smem:$0x3FB0]  }
0x39: {  	_ = 	snop;
	(pc) =	sbr.ind lr, $3  }
0x3a: {  	_ = 	snop  }
0x3b: {  	_ = 	snop  }
0x3c: {  	p2 =	seq.s32 s10, $0x1;
	s10 =	sld [smem:$0x3FAF]  }
0x3d: {  	_ =	shalt  }
0x3e: {  	_ =	shalt  }
0x3f: {  	_ =	shalt  }
0x40: {  	_ =	shalt  }
0x41: {  	_ =	shalt  }
0x42: {  	_ =	shalt  }
0x43: {  	_ =	shalt  }
0x44: {  	_ =	shalt  }
0x45: {  	_ =	shalt  }
0x46: {  	_ =	shalt  }
0x47: {  	_ =	shalt  }
0x48: {  	_ =	shalt  }
0x49: {  	_ =	shalt  }
0x4a: {  	_ =	shalt  }
0x4b: {  	_ =	shalt  }
0x4c: {  	_ =	shalt  }
0x4d: {  	_ =	shalt  }
0x4e: {  	_ =	shalt  }
0x4f: {  	_ =	shalt  }
0x50: {  	_ =	shalt  }
0x51: {  	_ =	shalt  }
0x52: {  	_ =	shalt  }
0x53: {  	_ =	shalt  }
0x54: {  	_ =	shalt  }
0x55: {  	_ =	shalt  }
0x56: {  	_ =	shalt  }
0x57: {  	_ =	shalt  }
0x58: {  	_ =	shalt  }
0x59: {  	_ =	shalt  }
0x5a: {  	_ =	shalt  }
0x5b: {  	_ =	shalt  }
0x5c: {  	_ =	shalt  }
0x5d: {  	_ =	shalt  }
0x5e: {  	_ =	shalt  }
0x5f: {  	_ =	shalt  }
0x60: {  	_ =	shalt  }
0x61: {  	_ =	shalt  }
0x62: {  	_ =	shalt  }
0x63: {  	_ =	shalt  }
0x64: {  	_ =	shalt  }
0x65: {  	_ =	shalt  }
0x66: {  	_ =	shalt  }
0x67: {  	_ =	shalt  }
0x68: {  	_ =	shalt  }
0x69: {  	_ =	shalt  }
0x6a: {  	_ =	shalt  }
0x6b: {  	_ =	shalt  }
0x6c: {  	_ =	shalt  }
0x6d: {  	_ =	shalt  }
0x6e: {  	_ =	shalt  }
0x6f: {  	_ =	shalt  }
0x70: {  	_ =	shalt  }
0x71: {  	_ =	shalt  }
0x72: {  	_ =	shalt  }
0x73: {  	_ =	shalt  }
0x74: {  	_ =	shalt  }
0x75: {  	_ =	shalt  }
0x76: {  	_ =	shalt  }
0x77: {  	_ =	shalt  }
0x78: {  	_ =	shalt  }
0x79: {  	_ =	shalt  }
0x7a: {  	_ =	shalt  }
0x7b: {  	_ =	shalt  }
0x7c: {  	_ =	shalt  }
0x7d: {  	_ =	shalt  }
0x7e: {  	_ =	shalt  }
0x7f: {  	_ =	shalt  }
0x80: {  	_ =	shalt  }
0x81: {  	_ =	shalt  }
0x82: {  	_ =	shalt  }
0x83: {  	_ =	shalt  }
0x84: {  	_ =	shalt  }
0x85: {  	_ =	shalt  }
0x86: {  	_ =	shalt  }
0x87: {  	_ =	shalt  }
.Lfunc_end0:
.L_simem_size_0:
called_computation.2_lowered:
.L_overlay_start_0:
0x88: {  	s2 =	sld [smem:$0x3FD9]  }
0x89: {  	s3 =	sld [smem:$0x3FFE];
	_ =	sdelay $0x1  }
0x8a: {  	s1 =	srdreg.scid  }
0x8b: {  	s0 =	sand.u32 $0x1, s1  }
0x8c: {  	s16 =	sshll.u32 s0, $0xA;
	s2 =	sadd.s32 s3, s2  }
0x8d: {  	s2 =	sadd.s32 s2, s16  }
0x8e: {  	[smem:$0x3FBB] =	sst s2  }
0x8f: {  	_ = 	snop  }
0x90: {  	(tm) =	ssettm $0x1  }
0x91: {  	s17 =	sld [smem:$0x3FFB];
	_ =	sdelay $0x3  }
0x92: {  	_ =	strace s17  }
0x93: {  	s2 =	sld [smem:$0x3FFC];
	_ =	sdelay $0x3  }
0x94: {  	_ =	strace s2  }
0x95: {  	s2 =	sld [smem:$0x3FFD];
	_ =	sdelay $0x3  }
0x96: {  	_ =	strace s2  }
0x97: {  	_ =	strace $0x8FFFFFFF  }
0x98: {  	s18 =	sld [smem:$0x3FDB];
	_ =	sdelay $0x1  }
0x99: {  	s19 =	simm.s32 $_scs_section_size  }
0x9a: {  	s4 =	simm.s32 $_size__tile_overlayer_lowered;
	s5 =	simm.s32 $_tile_overlayer_lowered  }
0x9b: {  	s22 =	simm.s32 $0x1BFF;
	s21 =	sshll.u32 s5, $0x1;
	s2 =	sadd.s32 s19, s18  }
0x9c: {  	s6 =	simm.s32 $0x0;
	s20 =	sshll.u32 s4, $0x1;
	s4 =	sadd.s32 s21, s2  }
0x9d: {  	[timem:s6], [sflag:s22] =	dma.local [hbm:s4], s20  }
0x9e: {  	_ =	swait.ge [sflag:s22], s20  }
0x9f: {  	s3 =	ssub.s32 $0x0, s20;
	[sflag:s22] =	ssyncset.done $0x0  }
0xa0: {  	[sflag:s22] =	ssyncadd.s32 s3;
	_ =	sdelay $0x1  }
0xa1: {  	s23 =	simm.s32 $0x1B8B  }
0xa2: {  	_ =	swait.ge [sflag:s23], $0x1  }
0xa3: {  	[sflag:s23] =	ssyncset.done $0x0  }
0xa4: {  	s25 =	simm.s32 $0x1B8E;
	s24 =	sld [smem:$0x3FFE];
	[sflag:s23] =	ssyncadd.s32 $0xFFFFFFFF  }
0xa5: {  	s26 =	simm.s32 $execute0_lowered;
	[smem:$0x3FD2] =	sst s25  }
0xa6: {  	s4 =	sshll.u32 s26, $0x1;
	_ =	strace $0x8000004C;
	[dreg:$0x1] =	wrdreg $0xFFFFFFFF  }
0xa7: {  	s28 =	simm.s32 $_size_execute0_lowered;
	s2 =	sadd.s32 s2, s4;
	[dreg:$0x0] =	wrdreg $0x0  }
0xa8: {  	s4 =	sshll.u32 s28, $0x1;
	[dreg:$0x2] =	wrdreg s2  }
0xa9: {  	[dreg:$0x3] =	wrdreg s4  }
0xaa: {  	[dreg:$0x4] =	wrdreg $0xC0  }
0xab: {  	_ =	task [dreg:s6], $0x5FFFF  }
0xac: {  	[dreg:$0x1] =	wrdreg $0xFFFFFFFF  }
0xad: {  	[dreg:$0x0] =	wrdreg $0x60  }
0xae: {  	[dreg:$0x2] =	wrdreg s24  }
0xaf: {  	[dreg:$0x3] =	wrdreg $0x0  }
0xb0: {  	[dreg:$0x4] =	wrdreg $0x9  }
0xb1: {  	_ =	task.clear_ibuf [dreg:s6], $0x5FFFF;
	_ =	strace $0x9000004C  }
0xb2: {  	s29 =	simm.s32 $0x9;
	_ =	strace $0x8000004E  }
0xb3: {  	_ =	swait.ge [sflag:s29], $0x1  }
0xb4: {  	[sflag:s29] =	ssyncadd.s32 $0xFFFFFFFF  }
0xb5: {  	_ =	strace $0x9000004E  }
0xb6: {  	_ =	sfence  }
0xb7: {  	s30 =	sld [smem:$0x0];
	_ =	sdelay $0x2  }
0xb8: {  	s31 =	sshll.u32 s1, $0xD;
	s1 =	sshrl.u32 s1, $0x2  }
0xb9: {  	s3 =	sand.u32 $0x4000, s31;
	s1 =	sadd.s32 s1, s30  }
0xba: {  	s0 =	sor.u32 s3, s0;
	s1 =	sshll.u32 s1, $0x11  }
0xbb: {  	s0 =	sor.u32 s1, s0  }
0xbc: {  	s0 =	sadd.s32 $0x8F2B, s0  }
0xbd: {  	[sflag:s0] =	ssyncadd.remote.s32 $0x1  }
0xbe: {  	_ =	sfence.sel $0xFFFF  }
0xbf: {  	[dreg:$0x0] =	wrdreg $0xFFFFFFFF;
	(pc) =	sbr.abs _section_cstart, $3  }
0xc0: {  	[dreg:$0x1] =	wrdreg $0xFFFFFFFF  }
0xc1: {  	_ =	task.clear_ibuf [dreg:s6], $0x2FFFF;
	_ =	strace $0x9FFFFFFF  }
0xc2: {  	(tm) =	ssettm $0x7FFFFFFF  }
0xc3: {  	_ =	shalt  }
tec
execute0_lowered:
.L_overlay_start_1:
0x0: {  	(tag) =	ssettag $0x1  }
0x1: {  	s8 =	rddreg [dreg:$0x0]  }
0x2: {  	s2 =	rddreg [dreg:$0x1];
	s3 =	simm.s32 $0x0;
	s0 =	stileid.u32  }
0x3: {  	s7 =	srdreg.scid;
	s17 =	simm.s32 $0x3;
	s20 =	simm.s32 $0x16000  }
0x4: {  	s21 =	simm.s32 $0x50;
	s22 =	simm.s32 $0x18780;
	s23 =	simm.s32 $0x1AF80  }
0x5: {  	s24 =	simm.s32 $0x1;
	s25 =	simm.s32 $0x2;
	s26 =	simm.s32 $0x15F40  }
0x6: {  	s28 =	simm.s32 $0x186C0;
	s29 =	simm.s32 $0x0;
	[smem:$0x7FF] =	sst s3  }
0x7: {  	s6 =	smul.u32 $0x4E2, s0;
	s4 =	sadd.s32 $0xE400, s8;
	s5 =	sadd.s32 $0x35600, s8  }
0x8: {  	s11 =	sand.u32 $0x1, s7;
	s9 =	smul.u32 $0x4E000, s0;
	s7 =	sadd.s32 $0x5F200, s8  }
0x9: {  	s31 =	sshll.u32 s0, $0x6;
	s14 =	smul.u32 $0x2700, s0;
	p1 =	sne.s32 s0, $0xF  }
0xa: {  	p2 =	seq.s32 s0, $0xF;
	_ =	strace $0x8000004D;
	s10 =	ssub.s32 $0x2, s11  }
0xb: {  	p0 =	seq.s32 s11, $0x1;
	s12 =	sadd.s32 s6, s8;
	s6 =	sadd.s32 $0x5CA00, s8  }
.Ltmp0:
0xc: {  	s13 =	sshrl.u32 s10, $0x1;
	s9 =	sshrl.u32 s9, $0x2;
	(pc) =	sbr.rel .LBB2_1-.Ltmp0, $4  }
0xd: {  	s8 =	sadd.s32 $0x86400, s8;
	s15 =	ssub.s32 s10, s13;
	s16 =	sadd.s32 s9, s2  }
0xe: {  	s9 =	sor.u32 $0x1C03, s31;
	s10 =	sadd.s32 $0x138000, s2;
	s11 =	sadd.s32 $0x9400, s12  }
0xf: {  	s12 =	sadd.s32 $0x4400, s12;
	s13 =	sadd.s32 s7, s14;
	s14 =	sadd.s32 s8, s14  }
0x10: {  	s15 =	smax.u32 s15, $0x1;
	s16 =	sshrl.u32 s16, $0x3;
	s18 =	sshrl.u32 @!p1 s10, $0x3  }
.LBB2_8:
0x11: {  	s0 =	sadd.s32 $0x27000, s30;
	s1 =	sshrl.u32 s10, $0x3  }
0x12: {  	[hbm:s0], [sflag:s9] =	dma.local [spmem:s1], $0x100  }
0x13: {  	_ =	swait.ge [sflag:s17], $0x100  }
0x14: {  	[sflag:s17] =	ssyncset.done $0x0  }
0x15: {  	[sflag:s17] =	ssyncadd.s32 $0xFFFFFF00  }
.LBB2_9:
0x16: {  	s29 =	sadd.s32 $0x1, s29  }
0x17: {  	p3 =	sne.s32 s29, s15  }
.Ltmp1:
0x18: {  	_ = 	snop;
	(pc) =	sbr.rel @!p3 .LBB2_10-.Ltmp1, $1  }
0x19: {  	_ =	sdelay $0x3  }
.LBB2_1:
0x1a: {  	[spmem:s16], [sflag:s9] =	dma.local [hbm:s6], $0x2700  }
0x1b: {  	_ =	swait.ge [sflag:s17], $0x2700  }
0x1c: {  	[sflag:s17] =	ssyncset.done $0x0  }
0x1d: {  	s30 =	simm.s32 @!p1 $0x3;
	[sflag:s17] =	ssyncadd.s32 $0xFFFFD900  }
0x1e: {  	[spmem:s18], [sflag:s9] =	dma.local @!p1 [hbm:s6], $0x100  }
0x1f: {  	_ =	swait.ge @!p1 [sflag:s30], $0x100  }
0x20: {  	[sflag:s30] =	ssyncset.done @!p1 $0x0  }
0x21: {  	s0 =	simm.s32 $0x13880;
	[sflag:s30] =	ssyncadd.s32 @!p1 $0xFFFFFF00  }
0x22: {  	[tilespmem:s0], [sflag:$0x3] =	stream.linear.gather [hbm4b:s11+s3], $0x2710, $0x38;
	[tilespmem:$0x1D780] =	vst v63  }
0x23: {  	_ =	swait.ge [sflag:s17], $0x2710  }
0x24: {  	[sflag:s17] =	ssyncset.done $0x0  }
0x25: {  	[sflag:s17] =	ssyncadd.s32 $0xFFFFD8F0  }
0x26: {  	[tilespmem:s20], [sflag:$0x3] =	stream.linear.gather [hbm4b:s12+s3], $0x2710, $0x38;
	[tilespmem:$0x1D780] =	vst v63  }
.Ltmp2:
0x27: {  	_ =	swait.ge [sflag:s17], $0x2710;
	(pc) =	sbr.rel @!p0 .LBB2_2-.Ltmp2, $3  }
0x28: {  	[sflag:s17] =	ssyncset.done $0x0  }
0x29: {  	[sflag:s17] =	ssyncadd.s32 $0xFFFFD8F0  }
0x2a: {  	[bflag:$0x0] =	sbarrier.arrive $0xFFFF;
	_ =	sdelay $0x1  }
0x2b: {  	s0 =	simm.s32 $0x13880  }
0x2c: {  	[tilespmem:s22], [sflag:$0x1] =	stream.indirect.gather [hbm4b:s5+s21], $0x80, s0, s21, $0xb8;
	[tilespmem:$0x1D780] =	vst v63  }
0x2d: {  	s19 =	simm.s32 $0x138D0  }
0x2e: {  	[tilespmem:s23], [sflag:$0x2] =	stream.indirect.gather [hbm4b:s5+s21], $0x80, s19, s21, $0xb8;
	[tilespmem:$0x1D780] =	vst v63  }
0x2f: {  	_ =	swait.ge [sflag:s24], $0x2800  }
0x30: {  	[sflag:s24] =	ssyncset.done $0x0  }
0x31: {  	s1 =	simm.s32 $0x16000;
	[sflag:s24] =	ssyncadd.s32 $0xFFFFD800  }
0x32: {  	[spmem:s2] =	stream.indirect.scatter.add.f32 [tilespmem:s22], [sflag:$0x3], $0x80, s1, s21, $0xb8;
	[tilespmem:$0x1D780] =	vst v63  }
0x33: {  	_ =	swait.ge [sflag:s17], $0x2800  }
0x34: {  	[sflag:s17] =	ssyncset.done $0x0  }
0x35: {  	[sflag:s17] =	ssyncadd.s32 $0xFFFFD800  }
0x36: {  	_ =	swait.ge [sflag:s25], $0x2800  }
0x37: {  	[sflag:s25] =	ssyncset.done $0x0  }
0x38: {  	s19 =	simm.s32 $0x16050;
	[sflag:s25] =	ssyncadd.s32 $0xFFFFD800  }
0x39: {  	[spmem:s2] =	stream.indirect.scatter.add.f32 [tilespmem:s23], [sflag:$0x3], $0x80, s19, s21, $0xb8;
	[tilespmem:$0x1D780] =	vst v63  }
0x3a: {  	_ =	swait.ge [sflag:s17], $0x2800  }
0x3b: {  	s31 =	simm.s32 $0x500;
	s30 =	simm.s32 $0xA0;
	[sflag:s17] =	ssyncset.done $0x0  }
.LBB2_6:
0x3c: {  	s0 =	sadd.s32 $0x13880, s30  }
0x3d: {  	[sflag:s17] =	ssyncadd.s32 $0xFFFFD800;
	s1 =	smov.u32 s31;
	s19 =	sadd.s32 $0x280, s31  }
0x3e: {  	[tilespmem:s22], [sflag:$0x1] =	stream.indirect.gather [hbm4b:s5+s21], $0x80, s0, s21, $0xb8;
	[tilespmem:$0x1D780] =	vst v63  }
0x3f: {  	p3 =	sne.s32 s31, $0x9880;
	s0 =	sadd.s32 $0x138D0, s30  }
0x40: {  	[tilespmem:s23], [sflag:$0x2] =	stream.indirect.gather [hbm4b:s5+s21], $0x80, s0, s21, $0xb8;
	[tilespmem:$0x1D780] =	vst v63  }
0x41: {  	_ =	swait.ge [sflag:s24], $0x2800  }
0x42: {  	[sflag:s24] =	ssyncset.done $0x0  }
0x43: {  	s0 =	sadd.s32 $0x16000, s30;
	[sflag:s24] =	ssyncadd.s32 $0xFFFFD800  }
0x44: {  	[spmem:s2] =	stream.indirect.scatter.add.f32 [tilespmem:s22], [sflag:$0x3], $0x80, s0, s21, $0xb8;
	[tilespmem:$0x1D780] =	vst v63  }
0x45: {  	_ =	swait.ge [sflag:s17], $0x2800  }
0x46: {  	[sflag:s17] =	ssyncset.done $0x0  }
0x47: {  	[sflag:s17] =	ssyncadd.s32 $0xFFFFD800  }
0x48: {  	_ =	swait.ge [sflag:s25], $0x2800  }
.Ltmp3:
0x49: {  	[sflag:s25] =	ssyncset.done $0x0;
	(pc) =	sbr.rel @p3 .LBB2_6-.Ltmp3, $4  }
0x4a: {  	s0 =	sadd.s32 $0x16050, s30;
	[sflag:s25] =	ssyncadd.s32 $0xFFFFD800  }
0x4b: {  	[spmem:s2] =	stream.indirect.scatter.add.f32 [tilespmem:s23], [sflag:$0x3], $0x80, s0, s21, $0xb8;
	[tilespmem:$0x1D780] =	vst v63  }
0x4c: {  	_ =	swait.ge [sflag:s17], $0x2800  }
0x4d: {  	s31 =	smov.u32 s19;
	s30 =	sshra.s32 s1, $0x2;
	[sflag:s17] =	ssyncset.done $0x0  }
0x4e: {  	s0 =	sadd.s32 $0x13880, s30;
	[sflag:s17] =	ssyncadd.s32 $0xFFFFD800  }
0x4f: {  	[tilespmem:s22], [sflag:$0x1] =	stream.indirect.gather [hbm4b:s5+s21], $0x80, s0, s21, $0xb8;
	[tilespmem:$0x1D780] =	vst v63  }
0x50: {  	s1 =	sadd.s32 $0x138D0, s30  }
0x51: {  	[tilespmem:s23], [sflag:$0x2] =	stream.indirect.gather [hbm4b:s5+s21], $0x80, s1, s21, $0xb8;
	[tilespmem:$0x1D780] =	vst v63  }
0x52: {  	_ =	swait.ge [sflag:s24], $0x2800  }
0x53: {  	[sflag:s24] =	ssyncset.done $0x0  }
0x54: {  	s19 =	sadd.s32 $0x16000, s30;
	[sflag:s24] =	ssyncadd.s32 $0xFFFFD800  }
0x55: {  	[spmem:s2] =	stream.indirect.scatter.add.f32 [tilespmem:s22], [sflag:$0x3], $0x80, s19, s21, $0xb8;
	[tilespmem:$0x1D780] =	vst v63  }
0x56: {  	_ =	swait.ge [sflag:s17], $0x2800  }
0x57: {  	[sflag:s17] =	ssyncset.done $0x0  }
0x58: {  	[sflag:s17] =	ssyncadd.s32 $0xFFFFD800  }
0x59: {  	_ =	swait.ge [sflag:s25], $0x2800  }
0x5a: {  	[sflag:s25] =	ssyncset.done $0x0  }
0x5b: {  	s31 =	sadd.s32 $0x16050, s30;
	[sflag:s25] =	ssyncadd.s32 $0xFFFFD800  }
0x5c: {  	[spmem:s2] =	stream.indirect.scatter.add.f32 [tilespmem:s23], [sflag:$0x3], $0x80, s31, s21, $0xb8;
	[tilespmem:$0x1D780] =	vst v63  }
0x5d: {  	_ =	swait.ge [sflag:s17], $0x2800  }
0x5e: {  	[sflag:s17] =	ssyncset.done $0x0  }
0x5f: {  	[sflag:s17] =	ssyncadd.s32 $0xFFFFD800  }
0x60: {  	[tilespmem:s22], [sflag:$0x1] =	stream.indirect.gather [hbm4b:s5+s21], $0x80, s26, s21, $0xb8;
	[tilespmem:$0x1D780] =	vst v63  }
0x61: {  	_ =	swait.ge [sflag:s24], $0x2800  }
0x62: {  	[sflag:s24] =	ssyncset.done $0x0  }
0x63: {  	[sflag:s24] =	ssyncadd.s32 $0xFFFFD800  }
0x64: {  	[spmem:s2] =	stream.indirect.scatter.add.f32 [tilespmem:s22], [sflag:$0x3], $0x80, s28, s21, $0xb8;
	[tilespmem:$0x1D780] =	vst v63  }
0x65: {  	_ =	swait.ge [sflag:s17], $0x2800  }
0x66: {  	[sflag:s17] =	ssyncset.done $0x0  }
0x67: {  	[sflag:s17] =	ssyncadd.s32 $0xFFFFD800  }
0x68: {  	[bflag:$0x0] =	sbarrier.arrive $0xFFFF  }
0x69: {  	[hbm:s14], [sflag:s9] =	dma.local [spmem:s16], $0x2700  }
.Ltmp4:
0x6a: {  	_ = 	snop;
	(pc) =	sbr.rel @p1 .LBB2_9-.Ltmp4, $4  }
.Ltmp5:
0x6b: {  	_ = 	snop;
	(pc) =	sbr.rel @!p1 .LBB2_8-.Ltmp5, $4  }
0x6c: {  	_ =	swait.ge [sflag:s17], $0x2700  }
0x6d: {  	[sflag:s17] =	ssyncset.done $0x0  }
0x6e: {  	s30 =	smov.u32 s8;
	[sflag:s17] =	ssyncadd.s32 $0xFFFFD900  }
0x6f: {  	_ = 	snop  }
.LBB2_2:
0x70: {  	s30 =	simm.s32 $0x13880  }
0x71: {  	[tilespmem:s22], [sflag:$0x1] =	stream.indirect.gather [hbm4b:s4+s21], $0x80, s30, s21, $0xb8;
	[tilespmem:$0x1D780] =	vst v63  }
0x72: {  	s30 =	simm.s32 $0x138D0  }
0x73: {  	[tilespmem:s23], [sflag:$0x2] =	stream.indirect.gather [hbm4b:s4+s21], $0x80, s30, s21, $0xb8;
	[tilespmem:$0x1D780] =	vst v63  }
0x74: {  	_ =	swait.ge [sflag:s24], $0x2800  }
0x75: {  	[sflag:s24] =	ssyncset.done $0x0  }
0x76: {  	s30 =	simm.s32 $0x16000;
	[sflag:s24] =	ssyncadd.s32 $0xFFFFD800  }
0x77: {  	[spmem:s2] =	stream.indirect.scatter.add.f32 [tilespmem:s22], [sflag:$0x3], $0x80, s30, s21, $0xb8;
	[tilespmem:$0x1D780] =	vst v63  }
0x78: {  	_ =	swait.ge [sflag:s17], $0x2800  }
0x79: {  	[sflag:s17] =	ssyncset.done $0x0  }
0x7a: {  	[sflag:s17] =	ssyncadd.s32 $0xFFFFD800  }
0x7b: {  	_ =	swait.ge [sflag:s25], $0x2800  }
0x7c: {  	[sflag:s25] =	ssyncset.done $0x0  }
0x7d: {  	s30 =	simm.s32 $0x16050;
	[sflag:s25] =	ssyncadd.s32 $0xFFFFD800  }
0x7e: {  	[spmem:s2] =	stream.indirect.scatter.add.f32 [tilespmem:s23], [sflag:$0x3], $0x80, s30, s21, $0xb8;
	[tilespmem:$0x1D780] =	vst v63  }
0x7f: {  	_ =	swait.ge [sflag:s17], $0x2800  }
0x80: {  	s31 =	simm.s32 $0x500;
	s30 =	simm.s32 $0xA0;
	[sflag:s17] =	ssyncset.done $0x0  }
.LBB2_3:
0x81: {  	s0 =	sadd.s32 $0x13880, s30  }
0x82: {  	[sflag:s17] =	ssyncadd.s32 $0xFFFFD800;
	s1 =	smov.u32 s31;
	s19 =	sadd.s32 $0x280, s31  }
0x83: {  	[tilespmem:s22], [sflag:$0x1] =	stream.indirect.gather [hbm4b:s4+s21], $0x80, s0, s21, $0xb8;
	[tilespmem:$0x1D780] =	vst v63  }
0x84: {  	p3 =	sne.s32 s31, $0x9880;
	s0 =	sadd.s32 $0x138D0, s30  }
0x85: {  	[tilespmem:s23], [sflag:$0x2] =	stream.indirect.gather [hbm4b:s4+s21], $0x80, s0, s21, $0xb8;
	[tilespmem:$0x1D780] =	vst v63  }
0x86: {  	_ =	swait.ge [sflag:s24], $0x2800  }
0x87: {  	[sflag:s24] =	ssyncset.done $0x0  }
0x88: {  	s0 =	sadd.s32 $0x16000, s30;
	[sflag:s24] =	ssyncadd.s32 $0xFFFFD800  }
0x89: {  	[spmem:s2] =	stream.indirect.scatter.add.f32 [tilespmem:s22], [sflag:$0x3], $0x80, s0, s21, $0xb8;
	[tilespmem:$0x1D780] =	vst v63  }
0x8a: {  	_ =	swait.ge [sflag:s17], $0x2800  }
0x8b: {  	[sflag:s17] =	ssyncset.done $0x0  }
0x8c: {  	[sflag:s17] =	ssyncadd.s32 $0xFFFFD800  }
0x8d: {  	_ =	swait.ge [sflag:s25], $0x2800  }
.Ltmp6:
0x8e: {  	[sflag:s25] =	ssyncset.done $0x0;
	(pc) =	sbr.rel @p3 .LBB2_3-.Ltmp6, $4  }
0x8f: {  	s0 =	sadd.s32 $0x16050, s30;
	[sflag:s25] =	ssyncadd.s32 $0xFFFFD800  }
0x90: {  	[spmem:s2] =	stream.indirect.scatter.add.f32 [tilespmem:s23], [sflag:$0x3], $0x80, s0, s21, $0xb8;
	[tilespmem:$0x1D780] =	vst v63  }
0x91: {  	_ =	swait.ge [sflag:s17], $0x2800  }
0x92: {  	s31 =	smov.u32 s19;
	s30 =	sshra.s32 s1, $0x2;
	[sflag:s17] =	ssyncset.done $0x0  }
0x93: {  	s0 =	sadd.s32 $0x13880, s30;
	[sflag:s17] =	ssyncadd.s32 $0xFFFFD800  }
0x94: {  	[tilespmem:s22], [sflag:$0x1] =	stream.indirect.gather [hbm4b:s4+s21], $0x80, s0, s21, $0xb8;
	[tilespmem:$0x1D780] =	vst v63  }
0x95: {  	s1 =	sadd.s32 $0x138D0, s30  }
0x96: {  	[tilespmem:s23], [sflag:$0x2] =	stream.indirect.gather [hbm4b:s4+s21], $0x80, s1, s21, $0xb8;
	[tilespmem:$0x1D780] =	vst v63  }
0x97: {  	_ =	swait.ge [sflag:s24], $0x2800  }
0x98: {  	[sflag:s24] =	ssyncset.done $0x0  }
0x99: {  	s19 =	sadd.s32 $0x16000, s30;
	[sflag:s24] =	ssyncadd.s32 $0xFFFFD800  }
0x9a: {  	[spmem:s2] =	stream.indirect.scatter.add.f32 [tilespmem:s22], [sflag:$0x3], $0x80, s19, s21, $0xb8;
	[tilespmem:$0x1D780] =	vst v63  }
0x9b: {  	_ =	swait.ge [sflag:s17], $0x2800  }
0x9c: {  	[sflag:s17] =	ssyncset.done $0x0  }
0x9d: {  	[sflag:s17] =	ssyncadd.s32 $0xFFFFD800  }
0x9e: {  	_ =	swait.ge [sflag:s25], $0x2800  }
0x9f: {  	[sflag:s25] =	ssyncset.done $0x0  }
0xa0: {  	s31 =	sadd.s32 $0x16050, s30;
	[sflag:s25] =	ssyncadd.s32 $0xFFFFD800  }
0xa1: {  	[spmem:s2] =	stream.indirect.scatter.add.f32 [tilespmem:s23], [sflag:$0x3], $0x80, s31, s21, $0xb8;
	[tilespmem:$0x1D780] =	vst v63  }
0xa2: {  	_ =	swait.ge [sflag:s17], $0x2800  }
0xa3: {  	[sflag:s17] =	ssyncset.done $0x0  }
0xa4: {  	[sflag:s17] =	ssyncadd.s32 $0xFFFFD800  }
0xa5: {  	[tilespmem:s22], [sflag:$0x1] =	stream.indirect.gather [hbm4b:s4+s21], $0x80, s26, s21, $0xb8;
	[tilespmem:$0x1D780] =	vst v63  }
0xa6: {  	_ =	swait.ge [sflag:s24], $0x2800  }
0xa7: {  	[sflag:s24] =	ssyncset.done $0x0  }
0xa8: {  	[sflag:s24] =	ssyncadd.s32 $0xFFFFD800  }
0xa9: {  	[spmem:s2] =	stream.indirect.scatter.add.f32 [tilespmem:s22], [sflag:$0x3], $0x80, s28, s21, $0xb8;
	[tilespmem:$0x1D780] =	vst v63  }
0xaa: {  	_ =	swait.ge [sflag:s17], $0x2800  }
0xab: {  	[sflag:s17] =	ssyncset.done $0x0  }
0xac: {  	[sflag:s17] =	ssyncadd.s32 $0xFFFFD800  }
0xad: {  	[bflag:$0x0] =	sbarrier.arrive $0xFFFF  }
0xae: {  	[hbm:s13], [sflag:s9] =	dma.local [spmem:s16], $0x2700  }
.Ltmp7:
0xaf: {  	_ = 	snop;
	(pc) =	sbr.rel @p2 .LBB2_8-.Ltmp7, $4  }
.Ltmp8:
0xb0: {  	_ = 	snop;
	(pc) =	sbr.rel @!p2 .LBB2_9-.Ltmp8, $4  }
0xb1: {  	_ =	swait.ge [sflag:s17], $0x2700  }
0xb2: {  	[sflag:s17] =	ssyncset.done $0x0  }
0xb3: {  	s30 =	smov.u32 s7;
	[sflag:s17] =	ssyncadd.s32 $0xFFFFD900  }
0xb4: {  	_ = 	snop  }
.LBB2_10:
0xb5: {  	_ =	sfence.sel $0x180000  }
0xb6: {  	[bflag:$0x0] =	sbarrier.arrive $0xFFFF  }
0xb7: {  	_ =	strace $0x9000004D  }
0xb8: {  	s0 =	stileid.u32;
	[bflag:$0x2] =	sbarrier.arrive $0xFFFF  }
0xb9: {  	p0 =	sne.s32 s0, $0x0;
	s0 =	rddreg [dreg:$0x2]  }
0xba: {  	s0 =	sadd.s32 @!p0 $0x100000, s0  }
0xbb: {  	[sflag:s0] =	ssyncadd.tile.s32 @!p0 $0x1;
	_ =	shalt  }
.Lfunc_end2:
_tile_overlayer_lowered:
.L_overlay_start_2:
0xbc: {  	(tag) =	ssettag $0x2  }
0xbd: {  	s0 =	rddreg [dreg:$0x0];
	s2 =	stileid.u32  }
0xbe: {  	s1 =	rddreg [dreg:$0x1];
	p0 =	sne.s32 s2, $0x0  }
0xbf: {  	s3 =	rddreg [dreg:$0x2];
	[bflag:$0x3] =	sbarrier.arrive $0xFFFF;
	s2 =	simm.s32 @!p0 $0x1C03  }
0xc0: {  	[timem:s3], [sflag:s2] =	dma.local @!p0 [hbm:s0], s1  }
0xc1: {  	s0 =	simm.s32 @!p0 $0x3  }
0xc2: {  	_ =	swait.ge @!p0 [sflag:s0], s1  }
0xc3: {  	s1 =	ssub.s32 @!p0 $0x0, s1;
	[sflag:s0] =	ssyncset.done @!p0 $0x0  }
0xc4: {  	[sflag:s0] =	ssyncadd.s32 @!p0 s1  }
0xc5: {  	[bflag:$0x3] =	sbarrier.arrive $0xFFFF  }
0xc6: {  	_ =	shalt  }

// kernel: kernel.8.cloned.1.call-start
scs
__scs_entry_jumppad:
0x0: {  	(pc) =	sbr.rel $0x88, $3  }
0x1: {  	(tag) =	ssettag $0x0;
	lr =	simm.s32 $0x1  }
0x2: {  	[smem:$0x3F94] =	sst lr;
	_ =	strace $0xD0000000  }
0x3: {  	_ = 	snop  }
0x4: {  	_ = 	snop  }
0x5: {  	_ = 	snop  }
0x6: {  	_ = 	snop  }
0x7: {  	_ = 	snop  }
__scs_overlays_trampoline_lowered:
0x8: {  	[smem:$0x3FA3] =	sst s0  }
0x9: {  	[smem:$0x3FA4] =	sst s1  }
0xa: {  	[smem:$0x3FA5] =	sst s2  }
0xb: {  	[smem:$0x3FA6] =	sst s3  }
0xc: {  	[smem:$0x3FA7] =	sst s4  }
0xd: {  	[smem:$0x3FA8] =	sst s5  }
0xe: {  	[smem:$0x3FA9] =	sst s6  }
0xf: {  	[smem:$0x3FAA] =	sst s7  }
0x10: {  	[smem:$0x3FAB] =	sst s8  }
0x11: {  	[smem:$0x3FAC] =	sst s9;
	s0 =	simm.s32 @!p0 $0x0  }
0x12: {  	s1 =	sld [smem:$0x3F92];
	s0 =	simm.s32 @p0 $0x1  }
0x13: {  	[smem:$0x3FAD] =	sst s0;
	s0 =	simm.s32 @!p1 $0x0  }
0x14: {  	s2 =	sld [smem:$0x3F91];
	s0 =	simm.s32 @p1 $0x1  }
0x15: {  	[smem:$0x3FAE] =	sst s0;
	s0 =	simm.s32 @!p2 $0x0  }
0x16: {  	s3 =	sld [smem:$0x3FDB];
	s0 =	simm.s32 @p2 $0x1  }
0x17: {  	s4 =	simm.s32 $0x1BF5;
	[smem:$0x3FB0] =	sst s0  }
0x18: {  	s0 =	sld [smem:$0x3F93];
	_ =	swait.ge [sflag:s4], $0x0  }
0x19: {  	s7 =	sld [smem:$0x3F94]  }
0x1a: {  	s8 =	sadd.s32 $0xFFFFE003, lr  }
0x1b: {  	s9 =	sadd.s32 $0xFFFFFEF7, lr;
	s5 =	simm.s32 $0xFFFFFFFF;
	p2 =	slt.u32 s8, $0xFFFFF086  }
0x1c: {  	p1 =	slt.u32 s9, $0xF7A;
	s5 =	simm.s32 @!p2 $0x0  }
0x1d: {  	s5 =	simm.s32 @p1 $0x1;
	p0 =	seq.s32 s7, s2  }
0x1e: {  	s7 =	smul.u32 @!p0 $0xF7A, s2;
	p2 =	seq.s32 @!p0 s5, $0x0  }
0x1f: {  	s9 =	smul.u32 $0xF7A, s1;
	s8 =	simm.s32 @!p0 $0x1BF5;
	p2 =	por !p2, p0  }
0x20: {  	[sflag:s8] =	ssyncset.s32 @!p0 $0xFFFFF086;
	s6 =	sadd.s32 @!p0 s3, s7;
	s7 =	simm.s32 @!p0 $0x108  }
0x21: {  	s3 =	sadd.s32 s3, s9;
	s6 =	sadd.s32 @!p0 $0x88, s6;
	s7 =	simm.s32 @p2 $0x1082  }
0x22: {  	[simem:s7], [sflag:s8] =	dma.local @!p0 [hbm:s6], $0xF7A  }
0x23: {  	s9 =	sor.u32 $0xD0000000, s2;
	s6 =	simm.s32 $0x108;
	_ =	swait.ge @!p0 [sflag:s8], $0x0  }
0x24: {  	s3 =	sadd.s32 $0x88, s3;
	s6 =	simm.s32 @!p1 $0x1082;
	[sflag:s4] =	ssyncset.s32 $0xFFFFF086  }
0x25: {  	[simem:s6], [sflag:s4] =	dma.local [hbm:s3], $0xF7A  }
0x26: {  	[smem:$0x3F94] =	sst s1;
	(tag) =	ssettag s2;
	_ =	strace s9  }
0x27: {  	s1 =	sld [smem:$0x3FA4]  }
0x28: {  	s2 =	sld [smem:$0x3FA5]  }
0x29: {  	s4 =	sld [smem:$0x3FA7]  }
0x2a: {  	p0 =	seq.s32 s5, $0x0;
	s5 =	sld [smem:$0x3FA8]  }
0x2b: {  	s6 =	sld [smem:$0x3FA9]  }
0x2c: {  	s7 =	sld [smem:$0x3FAA]  }
0x2d: {  	s3 =	simm.s32 $0x108;
	s8 =	sld [smem:$0x3FAB]  }
0x2e: {  	s3 =	simm.s32 @!p0 $0x1082;
	s9 =	sld [smem:$0x3FAC]  }
0x2f: {  	lr =	sadd.s32 s0, s3;
	s0 =	sld [smem:$0x3FA3]  }
0x30: {  	s3 =	sld [smem:$0x3FA6]  }
0x31: {  	[smem:$0x3FAF] =	sst s10  }
0x32: {  	s10 =	sld [smem:$0x3FAD];
	_ =	sdelay $0x3  }
0x33: {  	p0 =	seq.s32 s10, $0x1;
	s10 =	sld [smem:$0x3FAF];
	_ =	sdelay $0x3  }
0x34: {  	[smem:$0x3FAF] =	sst s10  }
0x35: {  	s10 =	sld [smem:$0x3FAE];
	_ =	sdelay $0x3  }
0x36: {  	p1 =	seq.s32 s10, $0x1;
	s10 =	sld [smem:$0x3FAF];
	_ =	sdelay $0x3  }
0x37: {  	[smem:$0x3FAF] =	sst s10  }
0x38: {  	s10 =	sld [smem:$0x3FB0]  }
0x39: {  	_ = 	snop;
	(pc) =	sbr.ind lr, $3  }
0x3a: {  	_ = 	snop  }
0x3b: {  	_ = 	snop  }
0x3c: {  	p2 =	seq.s32 s10, $0x1;
	s10 =	sld [smem:$0x3FAF]  }
0x3d: {  	_ =	shalt  }
0x3e: {  	_ =	shalt  }
0x3f: {  	_ =	shalt  }
0x40: {  	_ =	shalt  }
0x41: {  	_ =	shalt  }
0x42: {  	_ =	shalt  }
0x43: {  	_ =	shalt  }
0x44: {  	_ =	shalt  }
0x45: {  	_ =	shalt  }
0x46: {  	_ =	shalt  }
0x47: {  	_ =	shalt  }
0x48: {  	_ =	shalt  }
0x49: {  	_ =	shalt  }
0x4a: {  	_ =	shalt  }
0x4b: {  	_ =	shalt  }
0x4c: {  	_ =	shalt  }
0x4d: {  	_ =	shalt  }
0x4e: {  	_ =	shalt  }
0x4f: {  	_ =	shalt  }
0x50: {  	_ =	shalt  }
0x51: {  	_ =	shalt  }
0x52: {  	_ =	shalt  }
0x53: {  	_ =	shalt  }
0x54: {  	_ =	shalt  }
0x55: {  	_ =	shalt  }
0x56: {  	_ =	shalt  }
0x57: {  	_ =	shalt  }
0x58: {  	_ =	shalt  }
0x59: {  	_ =	shalt  }
0x5a: {  	_ =	shalt  }
0x5b: {  	_ =	shalt  }
0x5c: {  	_ =	shalt  }
0x5d: {  	_ =	shalt  }
0x5e: {  	_ =	shalt  }
0x5f: {  	_ =	shalt  }
0x60: {  	_ =	shalt  }
0x61: {  	_ =	shalt  }
0x62: {  	_ =	shalt  }
0x63: {  	_ =	shalt  }
0x64: {  	_ =	shalt  }
0x65: {  	_ =	shalt  }
0x66: {  	_ =	shalt  }
0x67: {  	_ =	shalt  }
0x68: {  	_ =	shalt  }
0x69: {  	_ =	shalt  }
0x6a: {  	_ =	shalt  }
0x6b: {  	_ =	shalt  }
0x6c: {  	_ =	shalt  }
0x6d: {  	_ =	shalt  }
0x6e: {  	_ =	shalt  }
0x6f: {  	_ =	shalt  }
0x70: {  	_ =	shalt  }
0x71: {  	_ =	shalt  }
0x72: {  	_ =	shalt  }
0x73: {  	_ =	shalt  }
0x74: {  	_ =	shalt  }
0x75: {  	_ =	shalt  }
0x76: {  	_ =	shalt  }
0x77: {  	_ =	shalt  }
0x78: {  	_ =	shalt  }
0x79: {  	_ =	shalt  }
0x7a: {  	_ =	shalt  }
0x7b: {  	_ =	shalt  }
0x7c: {  	_ =	shalt  }
0x7d: {  	_ =	shalt  }
0x7e: {  	_ =	shalt  }
0x7f: {  	_ =	shalt  }
0x80: {  	_ =	shalt  }
0x81: {  	_ =	shalt  }
0x82: {  	_ =	shalt  }
0x83: {  	_ =	shalt  }
0x84: {  	_ =	shalt  }
0x85: {  	_ =	shalt  }
0x86: {  	_ =	shalt  }
0x87: {  	_ =	shalt  }
.Lfunc_end0:
.L_simem_size_0:
called_computation_lowered:
.L_overlay_start_0:
0x88: {  	s2 =	sld [smem:$0x3FD9]  }
0x89: {  	s3 =	sld [smem:$0x3FFE];
	_ =	sdelay $0x1  }
0x8a: {  	s1 =	srdreg.scid  }
0x8b: {  	s0 =	sand.u32 $0x1, s1  }
0x8c: {  	s17 =	sshll.u32 s0, $0xA;
	s2 =	sadd.s32 s3, s2  }
0x8d: {  	s2 =	sadd.s32 s2, s17  }
0x8e: {  	[smem:$0x3FBB] =	sst s2  }
0x8f: {  	_ = 	snop  }
0x90: {  	s2 =	sld [smem:$0x3FD0];
	(tm) =	ssettm $0x1  }
0x91: {  	s18 =	sld [smem:$0x3FFB];
	_ =	sdelay $0x3  }
0x92: {  	_ =	strace s18  }
0x93: {  	s3 =	sld [smem:$0x3FFC];
	_ =	sdelay $0x3  }
0x94: {  	_ =	strace s3  }
0x95: {  	s3 =	sld [smem:$0x3FFD];
	_ =	sdelay $0x3  }
0x96: {  	_ =	strace s3  }
0x97: {  	_ =	strace $0x8FFFFFFF  }
0x98: {  	s19 =	sld [smem:$0x3FDB];
	_ =	sdelay $0x1  }
0x99: {  	s4 =	simm.s32 $_scs_section_size  }
0x9a: {  	s5 =	simm.s32 $_size__tile_overlayer_lowered;
	s6 =	simm.s32 $_tile_overlayer_lowered  }
0x9b: {  	s22 =	simm.s32 $0x1BFF;
	s21 =	sshll.u32 s6, $0x1;
	s3 =	sadd.s32 s4, s19  }
0x9c: {  	s7 =	simm.s32 $0x0;
	s20 =	sshll.u32 s5, $0x1;
	s5 =	sadd.s32 s21, s3  }
0x9d: {  	[timem:s7], [sflag:s22] =	dma.local [hbm:s5], s20  }
0x9e: {  	_ =	swait.ge [sflag:s22], s20  }
0x9f: {  	s4 =	ssub.s32 $0x0, s20;
	[sflag:s22] =	ssyncset.done $0x0  }
0xa0: {  	[sflag:s22] =	ssyncadd.s32 s4;
	_ =	sdelay $0x1  }
0xa1: {  	s23 =	simm.s32 $0x1B8B  }
0xa2: {  	_ =	swait.ge [sflag:s23], $0x1  }
0xa3: {  	[sflag:s23] =	ssyncset.done $0x0  }
0xa4: {  	s25 =	simm.s32 $0x1B8E;
	s24 =	sld [smem:$0x3FFE];
	[sflag:s23] =	ssyncadd.s32 $0xFFFFFFFF  }
0xa5: {  	s26 =	simm.s32 $execute0_lowered;
	[smem:$0x3FD2] =	sst s25  }
0xa6: {  	s5 =	sshll.u32 s26, $0x1;
	_ =	strace $0x80000046;
	[dreg:$0x1] =	wrdreg $0xFFFFFFFF  }
0xa7: {  	s28 =	simm.s32 $_size_execute0_lowered;
	s3 =	sadd.s32 s3, s5;
	[dreg:$0x0] =	wrdreg $0x0  }
0xa8: {  	s5 =	sshll.u32 s28, $0x1;
	[dreg:$0x2] =	wrdreg s3  }
0xa9: {  	[dreg:$0x3] =	wrdreg s5  }
0xaa: {  	[dreg:$0x4] =	wrdreg $0xC0  }
0xab: {  	_ =	task [dreg:s7], $0x5FFFF  }
0xac: {  	[dreg:$0x1] =	wrdreg $0xFFFFFFFF  }
0xad: {  	[dreg:$0x0] =	wrdreg $0x60  }
0xae: {  	[dreg:$0x2] =	wrdreg s24  }
0xaf: {  	[dreg:$0x3] =	wrdreg s2  }
0xb0: {  	[dreg:$0x4] =	wrdreg $0x0  }
0xb1: {  	[dreg:$0x5] =	wrdreg $0x138800  }
0xb2: {  	[dreg:$0x6] =	wrdreg $0x9  }
0xb3: {  	_ =	task.clear_ibuf [dreg:s7], $0x7FFFF;
	_ =	strace $0x90000046  }
0xb4: {  	s29 =	simm.s32 $0x9;
	_ =	strace $0x80000048  }
0xb5: {  	_ =	swait.ge [sflag:s29], $0x1  }
0xb6: {  	[sflag:s29] =	ssyncadd.s32 $0xFFFFFFFF  }
0xb7: {  	_ =	strace $0x90000048  }
0xb8: {  	_ =	sfence  }
0xb9: {  	s30 =	sld [smem:$0x0];
	_ =	sdelay $0x2  }
0xba: {  	s31 =	sshll.u32 s1, $0xD;
	s1 =	sshrl.u32 s1, $0x2  }
0xbb: {  	s3 =	sand.u32 $0x4000, s31;
	s1 =	sadd.s32 s1, s30  }
0xbc: {  	s0 =	sor.u32 s3, s0;
	s1 =	sshll.u32 s1, $0x11  }
0xbd: {  	s0 =	sor.u32 s1, s0  }
0xbe: {  	s0 =	sadd.s32 $0x8F2B, s0  }
0xbf: {  	[sflag:s0] =	ssyncadd.remote.s32 $0x1  }
0xc0: {  	_ =	sfence.sel $0xFFFF  }
0xc1: {  	[dreg:$0x0] =	wrdreg $0xFFFFFFFF;
	(pc) =	sbr.abs _section_cstart, $3  }
0xc2: {  	[dreg:$0x1] =	wrdreg $0xFFFFFFFF  }
0xc3: {  	_ =	task.clear_ibuf [dreg:s7], $0x2FFFF;
	_ =	strace $0x9FFFFFFF  }
0xc4: {  	(tm) =	ssettm $0x7FFFFFFF  }
0xc5: {  	_ =	shalt  }
tec
execute0_lowered:
.L_overlay_start_1:
0x0: {  	(tag) =	ssettag $0x1  }
0x1: {  	s0 =	rddreg [dreg:$0x0]  }
0x2: {  	s3 =	rddreg [dreg:$0x2]  }
0x3: {  	s4 =	rddreg [dreg:$0x3];
	s1 =	simm.s32 $0x0  }
0x4: {  	s18 =	stileid.u32;
	s5 =	srdreg.scid;
	s28 =	simm.s32 $0x50  }
0x5: {  	s29 =	simm.s32 $0x189F8;
	s30 =	simm.s32 $0x1B1F8;
	s31 =	simm.s32 $0x1  }
0x6: {  	[smem:$0x7FF] =	sst s1;
	s15 =	smul.u32 $0x4E2, s18;
	s6 =	sadd.s32 $0x35600, s0  }
0x7: {  	s7 =	sadd.s32 $0xE400, s0;
	s8 =	sadd.s32 $0x5CA00, s0;
	s2 =	smul.u32 $0x270, s18  }
0x8: {  	s9 =	sadd.s32 $0x5C800, s0;
	s16 =	smul.u32 $0x2700, s18;
	s5 =	sand.u32 $0x1, s5  }
0x9: {  	s12 =	smul.u32 $0x4E000, s18;
	s20 =	sshll.u32 s18, $0x6;
	s13 =	sadd.s32 $0x2700, s4  }
0xa: {  	s22 =	sadd.s32 $0x86800, s0;
	_ =	strace $0x80000047;
	[dreg:$0x5] =	wrdreg s9  }
0xb: {  	s25 =	sadd.s32 $0x5F6E0, s0;
	p1 =	sne.s32 s18, $0xF;
	[dreg:$0x7] =	wrdreg s22  }
0xc: {  	s11 =	ssub.s32 $0x2, s5;
	p0 =	seq.s32 s5, $0x1;
	[dreg:$0x9] =	wrdreg s25  }
0xd: {  	s5 =	simm.s32 $0x1DA78;
	s25 =	simm.s32 $0x0;
	s1 =	sadd.s32 s15, s0  }
0xe: {  	s10 =	sshrl.u32 s2, $0x3;
	s9 =	sadd.s32 s16, s0;
	s17 =	sshrl.u32 s11, $0x1  }
0xf: {  	s19 =	sshrl.u32 s12, $0x2;
	s12 =	sadd.s32 s2, s4;
	s2 =	simm.s32 $0x161B8  }
0x10: {  	s16 =	sadd.s32 s10, s0;
	s17 =	ssub.s32 s11, s17;
	s23 =	sadd.s32 s19, s3  }
0x11: {  	s10 =	sor.u32 $0x1C03, s20;
	s11 =	sadd.s32 $0x138000, s3;
	s14 =	sadd.s32 $0x9400, s1  }
.Ltmp0:
0x12: {  	s15 =	sadd.s32 $0x4400, s1;
	s21 =	sadd.s32 $0x5F800, s9;
	(pc) =	sbr.rel .LBB2_1-.Ltmp0, $4  }
0x13: {  	s26 =	sadd.s32 $0x86A00, s9;
	s1 =	simm.s32 $0x18938;
	[dreg:$0x6] =	wrdreg s21  }
0x14: {  	s9 =	simm.s32 $0x1D9F8;
	s24 =	sadd.s32 $0x5F200, s16;
	[dreg:$0xa] =	wrdreg s26  }
0x15: {  	s21 =	sadd.s32 $0xADA00, s0;
	s22 =	smax.u32 s17, $0x1;
	s23 =	sshrl.u32 s23, $0x3  }
0x16: {  	s0 =	simm.s32 $0x2;
	[dreg:$0x8] =	wrdreg s24;
	s24 =	simm.s32 $0x3  }
.LBB2_7:
0x17: {  	s17 =	sadd.s32 $0x13AF8, s26;
	[sflag:s24] =	ssyncadd.s32 $0xFFFFD800  }
0x18: {  	[tilespmem:s29], [sflag:$0x1] =	stream.indirect.gather [hbm4b:s7+s28], $0x80, s17, s28, $0xb8;
	[tilespmem:$0x1DCF8] =	vst v63  }
0x19: {  	s18 =	sadd.s32 $0x13B48, s26  }
0x1a: {  	[tilespmem:s30], [sflag:$0x2] =	stream.indirect.gather [hbm4b:s7+s28], $0x80, s18, s28, $0xb8;
	[tilespmem:$0x1DCF8] =	vst v63  }
0x1b: {  	_ =	swait.ge [sflag:s31], $0x2800  }
0x1c: {  	[sflag:s31] =	ssyncset.done $0x0  }
0x1d: {  	s19 =	sadd.s32 $0x16278, s26;
	[sflag:s31] =	ssyncadd.s32 $0xFFFFD800  }
0x1e: {  	[spmem:s3] =	stream.indirect.scatter.add.f32 [tilespmem:s29], [sflag:$0x3], $0x80, s19, s28, $0xb8;
	[tilespmem:$0x1DCF8] =	vst v63  }
0x1f: {  	_ =	swait.ge [sflag:s24], $0x2800  }
0x20: {  	[sflag:s24] =	ssyncset.done $0x0  }
0x21: {  	[sflag:s24] =	ssyncadd.s32 $0xFFFFD800  }
0x22: {  	_ =	swait.ge [sflag:s0], $0x2800  }
0x23: {  	[sflag:s0] =	ssyncset.done $0x0  }
0x24: {  	s20 =	sadd.s32 $0x162C8, s26;
	[sflag:s0] =	ssyncadd.s32 $0xFFFFD800  }
0x25: {  	[spmem:s3] =	stream.indirect.scatter.add.f32 [tilespmem:s30], [sflag:$0x3], $0x80, s20, s28, $0xb8;
	[tilespmem:$0x1DCF8] =	vst v63  }
0x26: {  	_ =	swait.ge [sflag:s24], $0x2800  }
0x27: {  	[sflag:s24] =	ssyncset.done $0x0  }
0x28: {  	[sflag:s24] =	ssyncadd.s32 $0xFFFFD800  }
0x29: {  	[tilespmem:s29], [sflag:$0x1] =	stream.indirect.gather [hbm4b:s7+s28], $0x80, s2, s28, $0xb8;
	[tilespmem:$0x1DCF8] =	vst v63  }
0x2a: {  	_ =	swait.ge [sflag:s31], $0x2800  }
0x2b: {  	[sflag:s31] =	ssyncset.done $0x0  }
0x2c: {  	[sflag:s31] =	ssyncadd.s32 $0xFFFFD800  }
0x2d: {  	[spmem:s3] =	stream.indirect.scatter.add.f32 [tilespmem:s29], [sflag:$0x3], $0x80, s1, s28, $0xb8;
	[tilespmem:$0x1DCF8] =	vst v63  }
0x2e: {  	_ =	swait.ge [sflag:s24], $0x2800  }
0x2f: {  	[sflag:s24] =	ssyncset.done $0x0  }
0x30: {  	[sflag:s24] =	ssyncadd.s32 $0xFFFFD800  }
0x31: {  	[bflag:$0x0] =	sbarrier.arrive $0xFFFF  }
0x32: {  	s26 =	rddreg [dreg:$0xa]  }
0x33: {  	[hbm:s26], [sflag:s10] =	dma.local [spmem:s23], $0x2700  }
0x34: {  	_ =	swait.ge [sflag:s24], $0x2700  }
0x35: {  	[sflag:s24] =	ssyncset.done $0x0  }
0x36: {  	[sflag:s24] =	ssyncadd.s32 $0xFFFFD900  }
0x37: {  	[hbm:s21], [sflag:s10] =	dma.local @!p1 [spmem:s16], $0x100  }
0x38: {  	s16 =	simm.s32 @!p1 $0x3  }
0x39: {  	_ =	swait.ge @!p1 [sflag:s16], $0x100  }
0x3a: {  	[sflag:s16] =	ssyncset.done @!p1 $0x0  }
0x3b: {  	[sflag:s16] =	ssyncadd.s32 @!p1 $0xFFFFFF00  }
.LBB2_8:
0x3c: {  	s25 =	sadd.s32 $0x1, s25  }
0x3d: {  	p2 =	sne.s32 s25, s22  }
.Ltmp1:
0x3e: {  	_ = 	snop;
	(pc) =	sbr.rel @!p2 .LBB2_9-.Ltmp1, $1  }
0x3f: {  	_ =	sdelay $0x3  }
.LBB2_1:
0x40: {  	[spmem:s23], [sflag:s10] =	dma.local [hbm:s8], $0x2700  }
0x41: {  	_ =	swait.ge [sflag:s24], $0x2700  }
0x42: {  	s16 =	sshrl.u32 @!p1 s11, $0x3;
	[sflag:s24] =	ssyncset.done $0x0  }
.Ltmp2:
0x43: {  	s26 =	simm.s32 @!p1 $0x3;
	[sflag:s24] =	ssyncadd.s32 $0xFFFFD900;
	(pc) =	sbr.rel @!p0 .LBB2_2-.Ltmp2, $4  }
0x44: {  	[spmem:s16], [sflag:s10] =	dma.local @!p1 [hbm:s8], $0x100  }
0x45: {  	_ =	swait.ge @!p1 [sflag:s26], $0x100  }
0x46: {  	[sflag:s26] =	ssyncset.done @!p1 $0x0  }
0x47: {  	s17 =	simm.s32 $0x0;
	[sflag:s26] =	ssyncadd.s32 @!p1 $0xFFFFFF00  }
0x48: {  	s18 =	simm.s32 $0x13AF8  }
0x49: {  	[tilespmem:s18], [sflag:$0x3] =	stream.linear.gather [hbm4b:s14+s17], $0x2710, $0x38;
	[tilespmem:$0x1DCF8] =	vst v63  }
0x4a: {  	_ =	swait.ge [sflag:s24], $0x2710  }
0x4b: {  	[sflag:s24] =	ssyncset.done $0x0  }
0x4c: {  	s26 =	simm.s32 $0x16278;
	[sflag:s24] =	ssyncadd.s32 $0xFFFFD8F0  }
0x4d: {  	[tilespmem:s26], [sflag:$0x3] =	stream.linear.gather [hbm4b:s15+s17], $0x2710, $0x38;
	[tilespmem:$0x1DCF8] =	vst v63  }
0x4e: {  	_ =	swait.ge [sflag:s24], $0x2710  }
0x4f: {  	[sflag:s24] =	ssyncset.done $0x0  }
0x50: {  	[sflag:s24] =	ssyncadd.s32 $0xFFFFD8F0  }
0x51: {  	s18 =	simm.s32 $0x13AF8;
	[bflag:$0x0] =	sbarrier.arrive $0xFFFF  }
0x52: {  	[tilespmem:s29], [sflag:$0x1] =	stream.indirect.gather [hbm4b:s7+s28], $0x80, s18, s28, $0xb8;
	[tilespmem:$0x1DCF8] =	vst v63  }
0x53: {  	s19 =	simm.s32 $0x13B48  }
0x54: {  	[tilespmem:s30], [sflag:$0x2] =	stream.indirect.gather [hbm4b:s7+s28], $0x80, s19, s28, $0xb8;
	[tilespmem:$0x1DCF8] =	vst v63  }
0x55: {  	_ =	swait.ge [sflag:s31], $0x2800  }
0x56: {  	[sflag:s31] =	ssyncset.done $0x0  }
0x57: {  	s20 =	simm.s32 $0x16278;
	[sflag:s31] =	ssyncadd.s32 $0xFFFFD800  }
0x58: {  	[spmem:s3] =	stream.indirect.scatter.add.f32 [tilespmem:s29], [sflag:$0x3], $0x80, s20, s28, $0xb8;
	[tilespmem:$0x1DCF8] =	vst v63  }
0x59: {  	_ =	swait.ge [sflag:s24], $0x2800  }
0x5a: {  	[sflag:s24] =	ssyncset.done $0x0  }
0x5b: {  	[sflag:s24] =	ssyncadd.s32 $0xFFFFD800  }
0x5c: {  	_ =	swait.ge [sflag:s0], $0x2800  }
0x5d: {  	[sflag:s0] =	ssyncset.done $0x0  }
0x5e: {  	s26 =	simm.s32 $0x162C8;
	[sflag:s0] =	ssyncadd.s32 $0xFFFFD800  }
0x5f: {  	[spmem:s3] =	stream.indirect.scatter.add.f32 [tilespmem:s30], [sflag:$0x3], $0x80, s26, s28, $0xb8;
	[tilespmem:$0x1DCF8] =	vst v63  }
0x60: {  	_ =	swait.ge [sflag:s24], $0x2800  }
0x61: {  	s17 =	simm.s32 $0x500;
	s26 =	simm.s32 $0xA0;
	[sflag:s24] =	ssyncset.done $0x0  }
.LBB2_6:
0x62: {  	s18 =	sadd.s32 $0x13AF8, s26  }
0x63: {  	[sflag:s24] =	ssyncadd.s32 $0xFFFFD800;
	s19 =	smov.u32 s17;
	s20 =	sadd.s32 $0x280, s17  }
0x64: {  	[tilespmem:s29], [sflag:$0x1] =	stream.indirect.gather [hbm4b:s7+s28], $0x80, s18, s28, $0xb8;
	[tilespmem:$0x1DCF8] =	vst v63  }
0x65: {  	p2 =	sne.s32 s17, $0x9880;
	s17 =	sadd.s32 $0x13B48, s26  }
0x66: {  	[tilespmem:s30], [sflag:$0x2] =	stream.indirect.gather [hbm4b:s7+s28], $0x80, s17, s28, $0xb8;
	[tilespmem:$0x1DCF8] =	vst v63  }
0x67: {  	_ =	swait.ge [sflag:s31], $0x2800  }
0x68: {  	[sflag:s31] =	ssyncset.done $0x0  }
0x69: {  	s17 =	sadd.s32 $0x16278, s26;
	[sflag:s31] =	ssyncadd.s32 $0xFFFFD800  }
0x6a: {  	[spmem:s3] =	stream.indirect.scatter.add.f32 [tilespmem:s29], [sflag:$0x3], $0x80, s17, s28, $0xb8;
	[tilespmem:$0x1DCF8] =	vst v63  }
0x6b: {  	_ =	swait.ge [sflag:s24], $0x2800  }
0x6c: {  	[sflag:s24] =	ssyncset.done $0x0  }
0x6d: {  	[sflag:s24] =	ssyncadd.s32 $0xFFFFD800  }
0x6e: {  	_ =	swait.ge [sflag:s0], $0x2800  }
.Ltmp3:
0x6f: {  	[sflag:s0] =	ssyncset.done $0x0;
	(pc) =	sbr.rel @p2 .LBB2_6-.Ltmp3, $4  }
0x70: {  	s17 =	sadd.s32 $0x162C8, s26;
	[sflag:s0] =	ssyncadd.s32 $0xFFFFD800  }
0x71: {  	[spmem:s3] =	stream.indirect.scatter.add.f32 [tilespmem:s30], [sflag:$0x3], $0x80, s17, s28, $0xb8;
	[tilespmem:$0x1DCF8] =	vst v63  }
0x72: {  	_ =	swait.ge [sflag:s24], $0x2800  }
0x73: {  	s26 =	sshra.s32 s19, $0x2;
	s17 =	smov.u32 s20;
	[sflag:s24] =	ssyncset.done $0x0  }
.Ltmp4:
0x74: {  	_ = 	snop;
	(pc) =	sbr.rel .LBB2_7-.Ltmp4, $1  }
0x75: {  	_ =	sdelay $0x3  }
.LBB2_2:
0x76: {  	s18 =	rddreg [dreg:$0x5]  }
0x77: {  	[tilespmem:s5], [sflag:$0x3] =	stream.linear.gather [hbm4b:s18+s17], $0x280, $0x38;
	[tilespmem:$0x1DCF8] =	vst v63  }
0x78: {  	_ =	swait.ge [sflag:s24], $0x280  }
0x79: {  	[sflag:s24] =	ssyncset.done $0x0  }
0x7a: {  	[sflag:s24] =	ssyncadd.s32 $0xFFFFFD80  }
0x7b: {  	[spmem:s12] =	stream.linear.scatter [tilespmem:s5], [sflag:$0x3], $0x270, $0x38;
	[tilespmem:$0x1DCF8] =	vst v63  }
0x7c: {  	_ =	swait.ge [sflag:s24], $0x270  }
0x7d: {  	[sflag:s24] =	ssyncset.done $0x0  }
0x7e: {  	s17 =	simm.s32 @!p1 $0x1DA78;
	[sflag:s24] =	ssyncadd.s32 $0xFFFFFD90  }
0x7f: {  	[spmem:s13] =	stream.linear.scatter @!p1 [tilespmem:s17], [sflag:$0x3], $0x10, $0x38;
	[tilespmem:$0x1DCF8] =	vst v63  }
0x80: {  	_ =	swait.ge @!p1 [sflag:s26], $0x10  }
0x81: {  	[sflag:s26] =	ssyncset.done @!p1 $0x0  }
0x82: {  	[sflag:s26] =	ssyncadd.s32 @!p1 $0xFFFFFFF0  }
0x83: {  	s17 =	simm.s32 $0x0;
	s19 =	rddreg [dreg:$0x1]  }
0x84: {  	[tilespmem:s9], [sflag:$0x3] =	stream.linear.gather [hbm4b:s19+s17], $0x80, $0x38;
	[tilespmem:$0x1DCF8] =	vst v63  }
0x85: {  	_ =	swait.ge [sflag:s24], $0x80  }
0x86: {  	[sflag:s24] =	ssyncset.done $0x0  }
0x87: {  	s20 =	simm.s32 $0x13AF8;
	[sflag:s24] =	ssyncadd.s32 $0xFFFFFF80  }
0x88: {  	[tilespmem:s20], [sflag:$0x3] =	stream.linear.gather [hbm4b:s14+s17], $0x2710, $0x38;
	[tilespmem:$0x1DCF8] =	vst v63  }
0x89: {  	_ =	swait.ge [sflag:s24], $0x2710  }
0x8a: {  	[sflag:s24] =	ssyncset.done $0x0  }
0x8b: {  	s26 =	simm.s32 $0x16278;
	[sflag:s24] =	ssyncadd.s32 $0xFFFFD8F0  }
0x8c: {  	[tilespmem:s26], [sflag:$0x3] =	stream.linear.gather [hbm4b:s15+s17], $0x2710, $0x38;
	[tilespmem:$0x1DCF8] =	vst v63  }
0x8d: {  	_ =	swait.ge [sflag:s24], $0x2710  }
0x8e: {  	[sflag:s24] =	ssyncset.done $0x0  }
0x8f: {  	[sflag:s24] =	ssyncadd.s32 $0xFFFFD8F0  }
0x90: {  	s18 =	simm.s32 $0x13AF8;
	[bflag:$0x0] =	sbarrier.arrive $0xFFFF  }
0x91: {  	[tilespmem:s29], [sflag:$0x1] =	stream.indirect.gather [hbm4b:s6+s28], $0x80, s18, s28, $0xb8;
	[tilespmem:$0x1DCF8] =	vst v63  }
0x92: {  	s19 =	simm.s32 $0x13B48  }
0x93: {  	[tilespmem:s30], [sflag:$0x2] =	stream.indirect.gather [hbm4b:s6+s28], $0x80, s19, s28, $0xb8;
	[tilespmem:$0x1DCF8] =	vst v63  }
0x94: {  	_ =	swait.ge [sflag:s31], $0x2800  }
0x95: {  	[sflag:s31] =	ssyncset.done $0x0  }
0x96: {  	s20 =	simm.s32 $0x16278;
	[sflag:s31] =	ssyncadd.s32 $0xFFFFD800  }
0x97: {  	[spmem:s3] =	stream.indirect.scatter.add.f32 [tilespmem:s29], [sflag:$0x3], $0x80, s20, s28, $0xb8;
	[tilespmem:$0x1DCF8] =	vst v63  }
0x98: {  	_ =	swait.ge [sflag:s24], $0x2800  }
0x99: {  	[sflag:s24] =	ssyncset.done $0x0  }
0x9a: {  	[sflag:s24] =	ssyncadd.s32 $0xFFFFD800  }
0x9b: {  	[spmem:s4] =	stream.indirect.scatter.add.f32 [tilespmem:s9], [sflag:$0x3], $0x1, s20, s28, $0xb8;
	[tilespmem:$0x1DCF8] =	vst v63  }
0x9c: {  	_ =	swait.ge [sflag:s24], $0x50  }
0x9d: {  	[sflag:s24] =	ssyncset.done $0x0  }
0x9e: {  	[sflag:s24] =	ssyncadd.s32 $0xFFFFFFB0  }
0x9f: {  	_ =	swait.ge [sflag:s0], $0x2800  }
0xa0: {  	[sflag:s0] =	ssyncset.done $0x0  }
0xa1: {  	s26 =	simm.s32 $0x162C8;
	[sflag:s0] =	ssyncadd.s32 $0xFFFFD800  }
0xa2: {  	[spmem:s3] =	stream.indirect.scatter.add.f32 [tilespmem:s30], [sflag:$0x3], $0x80, s26, s28, $0xb8;
	[tilespmem:$0x1DCF8] =	vst v63  }
0xa3: {  	_ =	swait.ge [sflag:s24], $0x2800  }
0xa4: {  	[sflag:s24] =	ssyncset.done $0x0  }
0xa5: {  	[sflag:s24] =	ssyncadd.s32 $0xFFFFD800  }
0xa6: {  	[spmem:s4] =	stream.indirect.scatter.add.f32 [tilespmem:s9], [sflag:$0x3], $0x1, s26, s28, $0xb8;
	[tilespmem:$0x1DCF8] =	vst v63  }
0xa7: {  	_ =	swait.ge [sflag:s24], $0x50  }
0xa8: {  	s17 =	simm.s32 $0x500;
	s26 =	simm.s32 $0xA0;
	[sflag:s24] =	ssyncset.done $0x0  }
.LBB2_3:
0xa9: {  	s18 =	sadd.s32 $0x13AF8, s26  }
0xaa: {  	[sflag:s24] =	ssyncadd.s32 $0xFFFFFFB0;
	s19 =	smov.u32 s17;
	s20 =	sadd.s32 $0x280, s17  }
0xab: {  	[tilespmem:s29], [sflag:$0x1] =	stream.indirect.gather [hbm4b:s6+s28], $0x80, s18, s28, $0xb8;
	[tilespmem:$0x1DCF8] =	vst v63  }
0xac: {  	p2 =	sne.s32 s17, $0x9880;
	s17 =	sadd.s32 $0x13B48, s26  }
0xad: {  	[tilespmem:s30], [sflag:$0x2] =	stream.indirect.gather [hbm4b:s6+s28], $0x80, s17, s28, $0xb8;
	[tilespmem:$0x1DCF8] =	vst v63  }
0xae: {  	_ =	swait.ge [sflag:s31], $0x2800  }
0xaf: {  	[sflag:s31] =	ssyncset.done $0x0  }
0xb0: {  	s17 =	sadd.s32 $0x16278, s26;
	[sflag:s31] =	ssyncadd.s32 $0xFFFFD800  }
0xb1: {  	[spmem:s3] =	stream.indirect.scatter.add.f32 [tilespmem:s29], [sflag:$0x3], $0x80, s17, s28, $0xb8;
	[tilespmem:$0x1DCF8] =	vst v63  }
0xb2: {  	_ =	swait.ge [sflag:s24], $0x2800  }
0xb3: {  	[sflag:s24] =	ssyncset.done $0x0  }
0xb4: {  	[sflag:s24] =	ssyncadd.s32 $0xFFFFD800  }
0xb5: {  	[spmem:s4] =	stream.indirect.scatter.add.f32 [tilespmem:s9], [sflag:$0x3], $0x1, s17, s28, $0xb8;
	[tilespmem:$0x1DCF8] =	vst v63  }
0xb6: {  	_ =	swait.ge [sflag:s24], $0x50  }
0xb7: {  	[sflag:s24] =	ssyncset.done $0x0  }
0xb8: {  	[sflag:s24] =	ssyncadd.s32 $0xFFFFFFB0  }
0xb9: {  	_ =	swait.ge [sflag:s0], $0x2800  }
0xba: {  	[sflag:s0] =	ssyncset.done $0x0  }
0xbb: {  	s17 =	sadd.s32 $0x162C8, s26;
	[sflag:s0] =	ssyncadd.s32 $0xFFFFD800  }
0xbc: {  	[spmem:s3] =	stream.indirect.scatter.add.f32 [tilespmem:s30], [sflag:$0x3], $0x80, s17, s28, $0xb8;
	[tilespmem:$0x1DCF8] =	vst v63  }
0xbd: {  	_ =	swait.ge [sflag:s24], $0x2800  }
.Ltmp5:
0xbe: {  	[sflag:s24] =	ssyncset.done $0x0;
	(pc) =	sbr.rel @p2 .LBB2_3-.Ltmp5, $4  }
0xbf: {  	[sflag:s24] =	ssyncadd.s32 $0xFFFFD800  }
0xc0: {  	[spmem:s4] =	stream.indirect.scatter.add.f32 [tilespmem:s9], [sflag:$0x3], $0x1, s17, s28, $0xb8;
	[tilespmem:$0x1DCF8] =	vst v63  }
0xc1: {  	_ =	swait.ge [sflag:s24], $0x50  }
0xc2: {  	s26 =	sshra.s32 s19, $0x2;
	s17 =	smov.u32 s20;
	[sflag:s24] =	ssyncset.done $0x0  }
0xc3: {  	s17 =	sadd.s32 $0x13AF8, s26;
	[sflag:s24] =	ssyncadd.s32 $0xFFFFFFB0  }
0xc4: {  	[tilespmem:s29], [sflag:$0x1] =	stream.indirect.gather [hbm4b:s6+s28], $0x80, s17, s28, $0xb8;
	[tilespmem:$0x1DCF8] =	vst v63  }
0xc5: {  	s20 =	sadd.s32 $0x13B48, s26  }
0xc6: {  	[tilespmem:s30], [sflag:$0x2] =	stream.indirect.gather [hbm4b:s6+s28], $0x80, s20, s28, $0xb8;
	[tilespmem:$0x1DCF8] =	vst v63  }
0xc7: {  	_ =	swait.ge [sflag:s31], $0x2800  }
0xc8: {  	[sflag:s31] =	ssyncset.done $0x0  }
0xc9: {  	s18 =	sadd.s32 $0x16278, s26;
	[sflag:s31] =	ssyncadd.s32 $0xFFFFD800  }
0xca: {  	[spmem:s3] =	stream.indirect.scatter.add.f32 [tilespmem:s29], [sflag:$0x3], $0x80, s18, s28, $0xb8;
	[tilespmem:$0x1DCF8] =	vst v63  }
0xcb: {  	_ =	swait.ge [sflag:s24], $0x2800  }
0xcc: {  	[sflag:s24] =	ssyncset.done $0x0  }
0xcd: {  	[sflag:s24] =	ssyncadd.s32 $0xFFFFD800  }
0xce: {  	[spmem:s4] =	stream.indirect.scatter.add.f32 [tilespmem:s9], [sflag:$0x3], $0x1, s18, s28, $0xb8;
	[tilespmem:$0x1DCF8] =	vst v63  }
0xcf: {  	_ =	swait.ge [sflag:s24], $0x50  }
0xd0: {  	[sflag:s24] =	ssyncset.done $0x0  }
0xd1: {  	[sflag:s24] =	ssyncadd.s32 $0xFFFFFFB0  }
0xd2: {  	_ =	swait.ge [sflag:s0], $0x2800  }
0xd3: {  	[sflag:s0] =	ssyncset.done $0x0  }
0xd4: {  	s19 =	sadd.s32 $0x162C8, s26;
	[sflag:s0] =	ssyncadd.s32 $0xFFFFD800  }
0xd5: {  	[spmem:s3] =	stream.indirect.scatter.add.f32 [tilespmem:s30], [sflag:$0x3], $0x80, s19, s28, $0xb8;
	[tilespmem:$0x1DCF8] =	vst v63  }
0xd6: {  	_ =	swait.ge [sflag:s24], $0x2800  }
0xd7: {  	[sflag:s24] =	ssyncset.done $0x0  }
0xd8: {  	[sflag:s24] =	ssyncadd.s32 $0xFFFFD800  }
0xd9: {  	[spmem:s4] =	stream.indirect.scatter.add.f32 [tilespmem:s9], [sflag:$0x3], $0x1, s19, s28, $0xb8;
	[tilespmem:$0x1DCF8] =	vst v63  }
0xda: {  	_ =	swait.ge [sflag:s24], $0x50  }
0xdb: {  	[sflag:s24] =	ssyncset.done $0x0  }
0xdc: {  	[sflag:s24] =	ssyncadd.s32 $0xFFFFFFB0  }
0xdd: {  	[tilespmem:s29], [sflag:$0x1] =	stream.indirect.gather [hbm4b:s6+s28], $0x80, s2, s28, $0xb8;
	[tilespmem:$0x1DCF8] =	vst v63  }
0xde: {  	_ =	swait.ge [sflag:s31], $0x2800  }
0xdf: {  	[sflag:s31] =	ssyncset.done $0x0  }
0xe0: {  	[sflag:s31] =	ssyncadd.s32 $0xFFFFD800  }
0xe1: {  	[spmem:s3] =	stream.indirect.scatter.add.f32 [tilespmem:s29], [sflag:$0x3], $0x80, s1, s28, $0xb8;
	[tilespmem:$0x1DCF8] =	vst v63  }
0xe2: {  	_ =	swait.ge [sflag:s24], $0x2800  }
0xe3: {  	[sflag:s24] =	ssyncset.done $0x0  }
0xe4: {  	[sflag:s24] =	ssyncadd.s32 $0xFFFFD800  }
0xe5: {  	[spmem:s4] =	stream.indirect.scatter.add.f32 [tilespmem:s9], [sflag:$0x3], $0x1, s1, s28, $0xb8;
	[tilespmem:$0x1DCF8] =	vst v63  }
0xe6: {  	_ =	swait.ge [sflag:s24], $0x50  }
0xe7: {  	[sflag:s24] =	ssyncset.done $0x0  }
0xe8: {  	[sflag:s24] =	ssyncadd.s32 $0xFFFFFFB0  }
0xe9: {  	[bflag:$0x0] =	sbarrier.arrive $0xFFFF  }
0xea: {  	s20 =	rddreg [dreg:$0x6]  }
0xeb: {  	[hbm:s20], [sflag:s10] =	dma.local [spmem:s23], $0x2700  }
0xec: {  	_ =	swait.ge [sflag:s24], $0x2700  }
0xed: {  	[sflag:s24] =	ssyncset.done $0x0  }
0xee: {  	s17 =	rddreg [dreg:$0x7];
	[sflag:s24] =	ssyncadd.s32 $0xFFFFD900  }
0xef: {  	[hbm:s17], [sflag:s10] =	dma.local @!p1 [spmem:s16], $0x100  }
0xf0: {  	s16 =	simm.s32 @!p1 $0x3  }
0xf1: {  	_ =	swait.ge @!p1 [sflag:s16], $0x100  }
0xf2: {  	[sflag:s16] =	ssyncset.done @!p1 $0x0  }
0xf3: {  	[sflag:s16] =	ssyncadd.s32 @!p1 $0xFFFFFF00  }
0xf4: {  	[tilespmem:s5], [sflag:$0x3] =	stream.linear.gather [spmem:s12], $0x270, $0x38;
	[tilespmem:$0x1DCF8] =	vst v63  }
0xf5: {  	_ =	swait.ge [sflag:s24], $0x270  }
0xf6: {  	[sflag:s24] =	ssyncset.done $0x0  }
0xf7: {  	s26 =	simm.s32 $0x0;
	s18 =	rddreg [dreg:$0x8];
	[sflag:s24] =	ssyncadd.s32 $0xFFFFFD90  }
0xf8: {  	[hbm4b:s18+s26] =	stream.linear.scatter [tilespmem:s5], [sflag:$0x3], $0x270, $0x38;
	[tilespmem:$0x1DCF8] =	vst v63  }
0xf9: {  	_ =	swait.ge [sflag:s24], $0x270  }
0xfa: {  	[sflag:s24] =	ssyncset.done $0x0  }
0xfb: {  	s17 =	simm.s32 @!p1 $0x1DA78;
	[sflag:s24] =	ssyncadd.s32 $0xFFFFFD90  }
0xfc: {  	[tilespmem:s17], [sflag:$0x3] =	stream.linear.gather @!p1 [spmem:s13], $0x10, $0x38;
	[tilespmem:$0x1DCF8] =	vst v63  }
0xfd: {  	_ =	swait.ge @!p1 [sflag:s16], $0x10  }
0xfe: {  	s18 =	simm.s32 @!p1 $0x0;
	[sflag:s16] =	ssyncset.done @!p1 $0x0  }
.Ltmp6:
0xff: {  	s19 =	rddreg [dreg:$0x9];
	[sflag:s16] =	ssyncadd.s32 @!p1 $0xFFFFFFF0;
	(pc) =	sbr.rel .LBB2_8-.Ltmp6, $4  }
0x100: {  	[hbm4b:s19+s18] =	stream.linear.scatter @!p1 [tilespmem:s17], [sflag:$0x3], $0x10, $0x38;
	[tilespmem:$0x1DCF8] =	vst v63  }
0x101: {  	_ =	swait.ge @!p1 [sflag:s16], $0x10  }
0x102: {  	[sflag:s16] =	ssyncset.done @!p1 $0x0  }
0x103: {  	[sflag:s16] =	ssyncadd.s32 @!p1 $0xFFFFFFF0  }
.LBB2_9:
0x104: {  	_ =	sfence.sel $0x180000  }
0x105: {  	[bflag:$0x0] =	sbarrier.arrive $0xFFFF  }
0x106: {  	_ =	strace $0x90000047  }
0x107: {  	s0 =	stileid.u32;
	[bflag:$0x2] =	sbarrier.arrive $0xFFFF  }
0x108: {  	p0 =	sne.s32 s0, $0x0;
	s0 =	rddreg [dreg:$0x4]  }
0x109: {  	s0 =	sadd.s32 @!p0 $0x100000, s0  }
0x10a: {  	[sflag:s0] =	ssyncadd.tile.s32 @!p0 $0x1;
	_ =	shalt  }
.Lfunc_end2:
_tile_overlayer_lowered:
.L_overlay_start_2:
0x10b: {  	(tag) =	ssettag $0x2  }
0x10c: {  	s0 =	rddreg [dreg:$0x0];
	s2 =	stileid.u32  }
0x10d: {  	s1 =	rddreg [dreg:$0x1];
	p0 =	sne.s32 s2, $0x0  }
0x10e: {  	s3 =	rddreg [dreg:$0x2];
	[bflag:$0x3] =	sbarrier.arrive $0xFFFF;
	s2 =	simm.s32 @!p0 $0x1C03  }
0x10f: {  	[timem:s3], [sflag:s2] =	dma.local @!p0 [hbm:s0], s1  }
0x110: {  	s0 =	simm.s32 @!p0 $0x3  }
0x111: {  	_ =	swait.ge @!p0 [sflag:s0], s1  }
0x112: {  	s1 =	ssub.s32 @!p0 $0x0, s1;
	[sflag:s0] =	ssyncset.done @!p0 $0x0  }
0x113: {  	[sflag:s0] =	ssyncadd.s32 @!p0 s1  }
0x114: {  	[bflag:$0x3] =	sbarrier.arrive $0xFFFF  }
0x115: {  	_ =	shalt  }

</sc_bundles>
